<compile_context>
chip_gen: v7x
topology: tpu7x:2x2x1
jax: 0.10.2.dev20260603
libtpu: 0.0.44.dev20260713+nightly
codegen_flags: <defaults>
</compile_context>

<pallas_src>
import functools

import jax
import jax.numpy as jnp
import numpy as np
from jax import lax
from jax.experimental import pallas as pl
from jax.experimental.pallas import tpu as pltpu
from jax.experimental.pallas import tpu_sc as plsc

KNN = 32
N = 4096
B = 2
NW = 32
RPW = B * N // NW
CAP = 1024
INF = np.float32(np.inf)
POS_BIG = np.int32(1 << 30)


def _bf16_round(v):
    bits = lax.bitcast_convert_type(v, jnp.int32)
    r = (bits + 0x7FFF + ((bits >> 16) & 1)) & np.int32(-65536)
    return lax.bitcast_convert_type(r, jnp.float32)


def _sc_body(xt_hbm, c_hbm, idx_hbm, msk_hbm,
             xraw_v, xgb_v, sqm_v, c_v, d2a_v, d2b_v,
             cvala_v, cidxa_v, cvalb_v, cidxb_v, mf_v, oidx_v, omsk_v):
    cid = lax.axis_index("c")
    sid = lax.axis_index("s")
    wid = sid * 2 + cid
    b = wid // 16
    row0 = (wid % 16) * RPW
    lane = lax.iota(jnp.int32, 16)

    pltpu.sync_copy(xt_hbm.at[b], xraw_v)
    pltpu.sync_copy(c_hbm.at[b], c_v)

    def col_body(t, carry):
        for u in range(4):
            o = t * 64 + u * 16
            xg = []
            for d in range(3):
                s = ((xraw_v[d, pl.ds(o, 16)] + xraw_v[3 + d, pl.ds(o, 16)])
                     + xraw_v[6 + d, pl.ds(o, 16)]
                     + xraw_v[9 + d, pl.ds(o, 16)]) * 0.25
                xg.append(s)
            sq = (xg[0] * xg[0] + xg[1] * xg[1]) + xg[2] * xg[2]
            cc = c_v[pl.ds(o, 16)]
            sqm_v[pl.ds(o, 16)] = jnp.where(cc > 0, sq, INF)
            for d in range(3):
                xgb_v[d, pl.ds(o, 16)] = _bf16_round(xg[d])
        return carry
    lax.fori_loop(0, N // 64, col_body, 0)

    def mf_body(t, p):
        o = t * 16
        mm = c_v[pl.ds(o, 16)] <= 0
        cnt = plsc.all_reduce_population_count(mm)[0]
        plsc.store_compressed(mf_v.at[pl.ds(p, 16)], lane + o, mask=mm)
        return jnp.minimum(p + cnt, np.int32(32))
    lax.fori_loop(0, N // 16, mf_body, np.int32(0))

    def pair_body(ip, carry):
        ria = row0 + ip * 2
        rib = ria + 1
        coa = (ria // 16) * 16
        oha = lane == (ria % 16)
        ohb = lane == (rib % 16)
        cca = c_v[pl.ds(coa, 16)]
        cia = jnp.max(jnp.where(oha, cca, np.int32(-2147483647)))
        cib = jnp.max(jnp.where(ohb, cca, np.int32(-2147483647)))

        xia, xib = [], []
        for d in range(3):
            ch = xgb_v[d, pl.ds(coa, 16)]
            xia.append(jnp.sum(jnp.where(oha, ch, np.float32(0.0))))
            xib.append(jnp.sum(jnp.where(ohb, ch, np.float32(0.0))))
        sqch = sqm_v[pl.ds(coa, 16)]
        sqia = jnp.sum(jnp.where(oha & (cca > 0), sqch, np.float32(0.0)))
        sqib = jnp.sum(jnp.where(ohb & (cca > 0), sqch, np.float32(0.0)))
        sqia = jnp.where(cia > 0, sqia, INF)
        sqib = jnp.where(cib > 0, sqib, INF)

        def grp_body(t, gms):
            gAa, gBa, gAb, gBb = gms
            for u in range(8):
                o = t * 128 + u * 16
                xj0 = xgb_v[0, pl.ds(o, 16)]
                xj1 = xgb_v[1, pl.ds(o, 16)]
                xj2 = xgb_v[2, pl.ds(o, 16)]
                sqv = sqm_v[pl.ds(o, 16)]
                va = (xia[0] * xj0 + xia[1] * xj1) + xia[2] * xj2
                vb = (xib[0] * xj0 + xib[1] * xj1) + xib[2] * xj2
                d2a = jnp.maximum((sqia + sqv) - 2.0 * va, 0.0)
                d2b = jnp.maximum((sqib + sqv) - 2.0 * vb, 0.0)
                d2a_v[pl.ds(o, 16)] = d2a
                d2b_v[pl.ds(o, 16)] = d2b
                if u % 2 == 0:
                    gAa = jnp.minimum(gAa, d2a)
                    gAb = jnp.minimum(gAb, d2b)
                else:
                    gBa = jnp.minimum(gBa, d2a)
                    gBb = jnp.minimum(gBb, d2b)
            return (gAa, gBa, gAb, gBb)
        inf16 = jnp.full((16,), INF, jnp.float32)
        gAa, gBa, gAb, gBb = lax.fori_loop(0, 32, grp_body,
                                           (inf16, inf16, inf16, inf16))
        t0a = jnp.max(jnp.maximum(gAa, gBa))
        t0b = jnp.max(jnp.maximum(gAb, gBb))

        def collect(t, ps):
            pa, pb = ps
            for u in range(4):
                o = t * 64 + u * 16
                d2ca = d2a_v[pl.ds(o, 16)]
                d2cb = d2b_v[pl.ds(o, 16)]
                mma = (d2ca <= t0a) & (d2ca < INF)
                mmb = (d2cb <= t0b) & (d2cb < INF)
                cnta = plsc.all_reduce_population_count(mma)[0]
                cntb = plsc.all_reduce_population_count(mmb)[0]
                plsc.store_compressed(cvala_v.at[pl.ds(pa, 16)], d2ca,
                                      mask=mma)
                plsc.store_compressed(cidxa_v.at[pl.ds(pa, 16)], lane + o,
                                      mask=mma)
                plsc.store_compressed(cvalb_v.at[pl.ds(pb, 16)], d2cb,
                                      mask=mmb)
                plsc.store_compressed(cidxb_v.at[pl.ds(pb, 16)], lane + o,
                                      mask=mmb)
                pa = jnp.minimum(pa + cnta, np.int32(CAP - 16))
                pb = jnp.minimum(pb + cntb, np.int32(CAP - 16))
            return (pa, pb)
        nva, nvb = lax.fori_loop(0, N // 64, collect,
                                 (np.int32(0), np.int32(0)))
        nb = jnp.maximum((nva + 15) // 16, (nvb + 15) // 16)

        def sel_k(k, acc):
            (oia0, oia1, oma0, oma1, fca,
             oib0, oib1, omb0, omb1, fcb) = acc

            def scan_q(q2, mp):
                mna, pva, mnb, pvb = mp
                for w in range(4):
                    q = q2 * 4 + w
                    va = cvala_v[pl.ds(q * 16, 16)]
                    vb = cvalb_v[pl.ds(q * 16, 16)]
                    pq = lane + q * 16
                    lta = va < mna
                    ltb = vb < mnb
                    mna = jnp.where(lta, va, mna)
                    pva = jnp.where(lta, pq, pva)
                    mnb = jnp.where(ltb, vb, mnb)
                    pvb = jnp.where(ltb, pq, pvb)
                return (mna, pva, mnb, pvb)
            big16 = jnp.full((16,), POS_BIG, jnp.int32)
            mna, pva, mnb, pvb = lax.fori_loop(
                0, (nb + 3) // 4, scan_q, (inf16, big16, inf16, big16))
            ma = jnp.min(mna)
            mb = jnp.min(mnb)
            posa = jnp.min(jnp.where(mna == ma, pva, POS_BIG))
            posb = jnp.min(jnp.where(mnb == mb, pvb, POS_BIG))
            reala = ma < INF
            realb = mb < INF
            posva = jnp.zeros((16,), jnp.int32) + jnp.where(reala, posa, 0)
            posvb = jnp.zeros((16,), jnp.int32) + jnp.where(realb, posb, 0)
            jva = plsc.load_gather(cidxa_v, [posva])
            jvb = plsc.load_gather(cidxb_v, [posvb])
            fva = plsc.load_gather(mf_v, [fca])
            fvb = plsc.load_gather(mf_v, [fcb])
            outja = jnp.where(reala, jva, fva)
            outjb = jnp.where(realb, jvb, fvb)
            fca = fca + jnp.where(reala, 0, 1)
            fcb = fcb + jnp.where(realb, 0, 1)
            plsc.store_scatter(cvala_v, [posva], inf16,
                               mask=(lane == 0) & reala)
            plsc.store_scatter(cvalb_v, [posvb], inf16,
                               mask=(lane == 0) & realb)
            sel = lane == (k % 16)
            first = k < 16
            mva = jnp.zeros((16,), jnp.float32) + jnp.where(
                reala, np.float32(1.0), np.float32(0.0))
            mvb = jnp.zeros((16,), jnp.float32) + jnp.where(
                realb, np.float32(1.0), np.float32(0.0))
            oia0 = jnp.where(sel & first, outja, oia0)
            oia1 = jnp.where(sel & (~first), outja, oia1)
            oma0 = jnp.where(sel & first, mva, oma0)
            oma1 = jnp.where(sel & (~first), mva, oma1)
            oib0 = jnp.where(sel & first, outjb, oib0)
            oib1 = jnp.where(sel & (~first), outjb, oib1)
            omb0 = jnp.where(sel & first, mvb, omb0)
            omb1 = jnp.where(sel & (~first), mvb, omb1)
            return (oia0, oia1, oma0, oma1, fca,
                    oib0, oib1, omb0, omb1, fcb)

        z_i = jnp.zeros((16,), jnp.int32)
        z_f = jnp.zeros((16,), jnp.float32)
        (oia0, oia1, oma0, oma1, _,
         oib0, oib1, omb0, omb1, _) = lax.fori_loop(
            0, KNN, sel_k, (z_i, z_i, z_f, z_f, z_i,
                            z_i, z_i, z_f, z_f, z_i))

        mra = cia <= 0
        mrb = cib <= 0
        ia = ip * 2
        ib = ia + 1
        oidx_v[ia, pl.ds(0, 16)] = jnp.where(mra, lane, oia0)
        oidx_v[ia, pl.ds(16, 16)] = jnp.where(mra, lane + 16, oia1)
        omsk_v[ia, pl.ds(0, 16)] = jnp.where(mra, np.float32(0.0), oma0)
        omsk_v[ia, pl.ds(16, 16)] = jnp.where(mra, np.float32(0.0), oma1)
        oidx_v[ib, pl.ds(0, 16)] = jnp.where(mrb, lane, oib0)
        oidx_v[ib, pl.ds(16, 16)] = jnp.where(mrb, lane + 16, oib1)
        omsk_v[ib, pl.ds(0, 16)] = jnp.where(mrb, np.float32(0.0), omb0)
        omsk_v[ib, pl.ds(16, 16)] = jnp.where(mrb, np.float32(0.0), omb1)

        def clr(q, c2):
            cvala_v[pl.ds(q * 16, 16)] = inf16
            cvalb_v[pl.ds(q * 16, 16)] = inf16
            return c2
        lax.fori_loop(0, nb, clr, 0)
        return carry

    def prefill(q, carry):
        cvala_v[pl.ds(q * 16, 16)] = jnp.full((16,), INF, jnp.float32)
        cvalb_v[pl.ds(q * 16, 16)] = jnp.full((16,), INF, jnp.float32)
        return carry
    lax.fori_loop(0, CAP // 16, prefill, 0)
    lax.fori_loop(0, RPW // 2, pair_body, 0)

    pltpu.sync_copy(oidx_v, idx_hbm.at[pl.ds(wid * RPW, RPW)])
    pltpu.sync_copy(omsk_v, msk_hbm.at[pl.ds(wid * RPW, RPW)])


@jax.jit
def kernel(X, C):
    Xt = X.reshape(B, N, 12).transpose(0, 2, 1)
    Ci = C.astype(jnp.int32)
    mesh = plsc.VectorSubcoreMesh(core_axis_name="c", subcore_axis_name="s")
    run = functools.partial(
        pl.kernel,
        mesh=mesh,
        compiler_params=pltpu.CompilerParams(needs_layout_passes=False,
                                             use_tc_tiling_on_sc=False),
        out_type=[jax.ShapeDtypeStruct((B * N, KNN), jnp.int32),
                  jax.ShapeDtypeStruct((B * N, KNN), jnp.float32)],
        scratch_types=[
            pltpu.VMEM((12, N), jnp.float32),
            pltpu.VMEM((3, N), jnp.float32),
            pltpu.VMEM((N,), jnp.float32),
            pltpu.VMEM((N,), jnp.int32),
            pltpu.VMEM((N,), jnp.float32),
            pltpu.VMEM((N,), jnp.float32),
            pltpu.VMEM((CAP,), jnp.float32),
            pltpu.VMEM((CAP,), jnp.int32),
            pltpu.VMEM((CAP,), jnp.float32),
            pltpu.VMEM((CAP,), jnp.int32),
            pltpu.VMEM((48,), jnp.int32),
            pltpu.VMEM((RPW, KNN), jnp.int32),
            pltpu.VMEM((RPW, KNN), jnp.float32),
        ],
    )(_sc_body)
    idx_flat, msk_flat = run(Xt, Ci)
    return idx_flat.reshape(B, N, KNN), msk_flat.reshape(B, N, KNN)

# --- scband reference (transcript-rebuilt; emitter-appended) ---
"""Pipeline reference for scband-flood-graph-23759759081724 (READ-ONLY COPY).

The authoritative reference and input builder live on the scoring server;
editing this copy changes nothing except your own understanding.
"""

import jax, jax.numpy as jnp
import numpy as np

NUM_NEIGHBORS = 32
MAX_FLOAT = float(np.finfo(np.float32).max)


def _pairwise_distances(Xc):
    # Xc: [B, N, 3] -> D: [B, N, N] Euclidean distances
    sq = jnp.sum(Xc * Xc, axis=-1)  # [B, N]
    inner = jnp.einsum('bid,bjd->bij', Xc, Xc)
    d2 = sq[:, :, None] + sq[:, None, :] - 2.0 * inner
    d2 = jnp.maximum(d2, 0.0)
    return jnp.sqrt(d2 + 1e-12)


def setup_inputs(seed: int = 0) -> dict:
    key = jax.random.key(seed)
    kx, kc = jax.random.split(key)
    X = jax.random.normal(kx, (2, 4096, 4, 3), dtype=jnp.float32)
    C = jax.random.randint(kc, (2, 4096), 0, 8, dtype=jnp.int64)
    return {"X": X, "C": C}


def reference(X, C):
    # field_map_to_mask
    mask_1D = (C > 0).astype(jnp.float32)  # [B, N]
    mask_2D = mask_1D[:, :, None] * mask_1D[:, None, :]  # [B, N, N]
    # distance_grid_square_type = -1 -> centroid over grid-square types
    X_grid = jnp.mean(X, axis=2)  # [B, N, 3]
    D = _pairwise_distances(X_grid)  # [B, N, N]
    # kNN module: mask_full = outer(mask) * mask_2D
    mask_full = (mask_1D[:, :, None] * mask_1D[:, None, :]) * mask_2D
    D_masked = mask_full * D + (1.0 - mask_full) * MAX_FLOAT
    k = min(NUM_NEIGHBORS, D_masked.shape[-1])
    neg_vals, edge_idx = jax.lax.top_k(-D_masked, k)  # smallest-k
    edge_D = -neg_vals
    # graph.collect_edges: gather mask_full at neighbor indices along axis 2
    mask_ij = jnp.take_along_axis(mask_full, edge_idx, axis=2)
    return (edge_idx, mask_ij)

if __name__ == "__main__":
    import jax
    _d = setup_inputs()
    print(jax.jit(kernel)(*tuple(_d.values())))

</pallas_src>

<mosaic_0001>
#map = affine_map<(d0, d1) -> (0, 0, 0)>
#map1 = affine_map<(d0, d1) -> (0, 0)>
module attributes {stable_mosaic.version = 14 : i64} {
  func.func @_sc_body(%arg0: i32, %arg1: i32, %arg2: memref<2x12x4096xf32, #tpu.memory_space<hbm>>, %arg3: memref<2x4096xi32, #tpu.memory_space<hbm>>, %arg4: memref<8192x32xi32, #tpu.memory_space<hbm>>, %arg5: memref<8192x32xf32, #tpu.memory_space<hbm>>, %arg6: memref<12x4096xf32, #tpu.memory_space<vmem>>, %arg7: memref<3x4096xf32, #tpu.memory_space<vmem>>, %arg8: memref<4096xf32, #tpu.memory_space<vmem>>, %arg9: memref<4096xi32, #tpu.memory_space<vmem>>, %arg10: memref<4096xf32, #tpu.memory_space<vmem>>, %arg11: memref<4096xf32, #tpu.memory_space<vmem>>, %arg12: memref<1024xf32, #tpu.memory_space<vmem>>, %arg13: memref<1024xi32, #tpu.memory_space<vmem>>, %arg14: memref<1024xf32, #tpu.memory_space<vmem>>, %arg15: memref<1024xi32, #tpu.memory_space<vmem>>, %arg16: memref<48xi32, #tpu.memory_space<vmem>>, %arg17: memref<256x32xi32, #tpu.memory_space<vmem>>, %arg18: memref<256x32xf32, #tpu.memory_space<vmem>>) attributes {dimension_semantics = [#tpu.dimension_semantics<core_parallel>, #tpu.dimension_semantics<subcore_parallel>], iteration_bounds = array<i64: 2, 16>, scalar_prefetch = 0 : i64, scratch_operands = 13 : i64, tpu.core_type = #tpu.core_type<sc_vector_subcore>, window_params = [{transform_indices = #map}, {transform_indices = #map1}, {transform_indices = #map1}, {transform_indices = #map1}]} {
    %mul3A = arith.constant 2 : i32
    %mul3A_0 = arith.muli %arg1, %mul3A : i32
    %add3A = arith.addi %mul3A_0, %arg0 : i32
    %jit3A = arith.constant 16 : i32
    %div3A = arith.divsi %add3A, %jit3A : i32
    %sign3A = arith.constant 0 : i32
    %sign3A_1 = arith.cmpi sgt, %add3A, %sign3A : i32
    %sign3A_2 = arith.extui %sign3A_1 : i1 to i32
    %sign3A_3 = arith.constant 0 : i32
    %sign3A_4 = arith.cmpi slt, %add3A, %sign3A_3 : i32
    %sign3A_5 = arith.extui %sign3A_4 : i1 to i32
    %sign3A_6 = arith.subi %sign3A_2, %sign3A_5 : i32
    %sign3A_7 = arith.constant 0 : i32
    %sign3A_8 = arith.cmpi sgt, %jit3A, %sign3A_7 : i32
    %sign3A_9 = arith.extui %sign3A_8 : i1 to i32
    %sign3A_10 = arith.constant 0 : i32
    %sign3A_11 = arith.cmpi slt, %jit3A, %sign3A_10 : i32
    %sign3A_12 = arith.extui %sign3A_11 : i1 to i32
    %sign3A_13 = arith.subi %sign3A_9, %sign3A_12 : i32
    %ne3A = arith.cmpi ne, %sign3A_6, %sign3A_13 : i32
    %rem3A = arith.remsi %add3A, %jit3A : i32
    %ne3A_14 = arith.constant 0 : i32
    %ne3A_15 = arith.cmpi ne, %rem3A, %ne3A_14 : i32
    %and3A = arith.andi %ne3A, %ne3A_15 : i1
    %sub3A = arith.constant 1 : i32
    %sub3A_16 = arith.subi %div3A, %sub3A : i32
    %select_n3A = arith.select %and3A, %sub3A_16, %div3A : i32
    %jit3A_17 = arith.constant 16 : i32
    %eq3A = arith.constant 0 : i32
    %eq3A_18 = arith.cmpi eq, %jit3A_17, %eq3A : i32
    %jit3A_19 = arith.constant 1 : i32
    %select_n3A_20 = arith.select %eq3A_18, %jit3A_19, %jit3A_17 : i32
    %rem3A_21 = arith.remsi %add3A, %select_n3A_20 : i32
    %ne3A_22 = arith.constant 0 : i32
    %ne3A_23 = arith.cmpi ne, %rem3A_21, %ne3A_22 : i32
    %lt3A = arith.constant 0 : i32
    %lt3A_24 = arith.cmpi slt, %rem3A_21, %lt3A : i32
    %lt3A_25 = arith.constant 0 : i32
    %lt3A_26 = arith.cmpi slt, %select_n3A_20, %lt3A_25 : i32
    %ne3A_27 = arith.xori %lt3A_24, %lt3A_26 : i1
    %and3A_28 = arith.andi %ne3A_27, %ne3A_23 : i1
    %add3A_29 = arith.addi %rem3A_21, %select_n3A_20 : i32
    %select_n3A_30 = arith.select %and3A_28, %add3A_29, %rem3A_21 : i32
    %mul3A_31 = arith.constant 256 : i32
    %mul3A_32 = arith.muli %select_n3A_30, %mul3A_31 : i32
    %iota3A = tpu.iota {dimensions = array<i32: 0>} : vector<16xi32>
    "tpu.region"() ({
      %run_scoped3A = tpu.sem_alloc : memref<!tpu.dma_semaphore, #tpu.memory_space<semaphore_mem>>
      %dma_start3A = arith.constant 0 : i32
      %dma_start3A_61 = arith.constant 0 : i32
      %dma_start3A_62 = tpu.memref_slice %arg2[%select_n3A, %dma_start3A, %dma_start3A_61] : memref<2x12x4096xf32, #tpu.memory_space<hbm>> -> memref<1x12x4096xf32, #tpu.memory_space<hbm>>
      %dma_start3A_63 = tpu.memref_squeeze %dma_start3A_62 : memref<1x12x4096xf32, #tpu.memory_space<hbm>> -> memref<12x4096xf32, #tpu.memory_space<hbm>>
      %dma_start3A_64 = arith.constant 0 : i32
      %dma_start3A_65 = arith.constant 0 : i32
      %dma_start3A_66 = tpu.memref_slice %arg2[%select_n3A, %dma_start3A_64, %dma_start3A_65] : memref<2x12x4096xf32, #tpu.memory_space<hbm>> -> memref<1x12x4096xf32, #tpu.memory_space<hbm>>
      %dma_start3A_67 = tpu.memref_squeeze %dma_start3A_66 : memref<1x12x4096xf32, #tpu.memory_space<hbm>> -> memref<12x4096xf32, #tpu.memory_space<hbm>>
      tpu.enqueue_dma source(%dma_start3A_67 : memref<12x4096xf32, #tpu.memory_space<hbm>>) target(%arg6 : memref<12x4096xf32, #tpu.memory_space<vmem>>) target_semaphore(%run_scoped3A : memref<!tpu.dma_semaphore, #tpu.memory_space<semaphore_mem>>)
      %dma_wait3A = arith.constant 0 : i32
      %dma_wait3A_68 = arith.constant 0 : i32
      %dma_wait3A_69 = tpu.memref_slice %arg2[%select_n3A, %dma_wait3A, %dma_wait3A_68] : memref<2x12x4096xf32, #tpu.memory_space<hbm>> -> memref<1x12x4096xf32, #tpu.memory_space<hbm>>
      %dma_wait3A_70 = tpu.memref_squeeze %dma_wait3A_69 : memref<1x12x4096xf32, #tpu.memory_space<hbm>> -> memref<12x4096xf32, #tpu.memory_space<hbm>>
      %dma_wait3A_71 = arith.constant 0 : i32
      %dma_wait3A_72 = arith.constant 0 : i32
      %dma_wait3A_73 = tpu.memref_slice %arg2[%select_n3A, %dma_wait3A_71, %dma_wait3A_72] : memref<2x12x4096xf32, #tpu.memory_space<hbm>> -> memref<1x12x4096xf32, #tpu.memory_space<hbm>>
      %dma_wait3A_74 = tpu.memref_squeeze %dma_wait3A_73 : memref<1x12x4096xf32, #tpu.memory_space<hbm>> -> memref<12x4096xf32, #tpu.memory_space<hbm>>
      tpu.wait_dma2 semaphore(%run_scoped3A : memref<!tpu.dma_semaphore, #tpu.memory_space<semaphore_mem>>) src(%dma_wait3A_74 : memref<12x4096xf32, #tpu.memory_space<hbm>>) dst(%arg6 : memref<12x4096xf32, #tpu.memory_space<vmem>>)
      tpu.yield
    }) : () -> ()
    "tpu.region"() ({
      %run_scoped3A = tpu.sem_alloc : memref<!tpu.dma_semaphore, #tpu.memory_space<semaphore_mem>>
      %dma_start3A = arith.constant 0 : i32
      %dma_start3A_61 = tpu.memref_slice %arg3[%select_n3A, %dma_start3A] : memref<2x4096xi32, #tpu.memory_space<hbm>> -> memref<1x4096xi32, #tpu.memory_space<hbm>>
      %dma_start3A_62 = tpu.memref_squeeze %dma_start3A_61 : memref<1x4096xi32, #tpu.memory_space<hbm>> -> memref<4096xi32, #tpu.memory_space<hbm>>
      %dma_start3A_63 = arith.constant 0 : i32
      %dma_start3A_64 = tpu.memref_slice %arg3[%select_n3A, %dma_start3A_63] : memref<2x4096xi32, #tpu.memory_space<hbm>> -> memref<1x4096xi32, #tpu.memory_space<hbm>>
      %dma_start3A_65 = tpu.memref_squeeze %dma_start3A_64 : memref<1x4096xi32, #tpu.memory_space<hbm>> -> memref<4096xi32, #tpu.memory_space<hbm>>
      tpu.enqueue_dma source(%dma_start3A_65 : memref<4096xi32, #tpu.memory_space<hbm>>) target(%arg9 : memref<4096xi32, #tpu.memory_space<vmem>>) target_semaphore(%run_scoped3A : memref<!tpu.dma_semaphore, #tpu.memory_space<semaphore_mem>>)
      %dma_wait3A = arith.constant 0 : i32
      %dma_wait3A_66 = tpu.memref_slice %arg3[%select_n3A, %dma_wait3A] : memref<2x4096xi32, #tpu.memory_space<hbm>> -> memref<1x4096xi32, #tpu.memory_space<hbm>>
      %dma_wait3A_67 = tpu.memref_squeeze %dma_wait3A_66 : memref<1x4096xi32, #tpu.memory_space<hbm>> -> memref<4096xi32, #tpu.memory_space<hbm>>
      %dma_wait3A_68 = arith.constant 0 : i32
      %dma_wait3A_69 = tpu.memref_slice %arg3[%select_n3A, %dma_wait3A_68] : memref<2x4096xi32, #tpu.memory_space<hbm>> -> memref<1x4096xi32, #tpu.memory_space<hbm>>
      %dma_wait3A_70 = tpu.memref_squeeze %dma_wait3A_69 : memref<1x4096xi32, #tpu.memory_space<hbm>> -> memref<4096xi32, #tpu.memory_space<hbm>>
      tpu.wait_dma2 semaphore(%run_scoped3A : memref<!tpu.dma_semaphore, #tpu.memory_space<semaphore_mem>>) src(%dma_wait3A_70 : memref<4096xi32, #tpu.memory_space<hbm>>) dst(%arg9 : memref<4096xi32, #tpu.memory_space<vmem>>)
      tpu.yield
    }) : () -> ()
    %scan3A = arith.constant 0 : i32
    %scan3A_33 = arith.constant 0 : i32
    %scan3A_34 = arith.constant 64 : i32
    %scan3A_35 = arith.addi %scan3A_33, %scan3A_34 : i32
    %scan3A_36 = arith.constant 1 : i32
    scf.for %scan3A_61 = %scan3A_33 to %scan3A_35 step %scan3A_36  : i32 {
      %mul3A_62 = arith.constant 64 : i32
      %mul3A_63 = arith.muli %scan3A_61, %mul3A_62 : i32
      %add3A_64 = arith.constant 0 : i32
      %add3A_65 = arith.addi %mul3A_63, %add3A_64 : i32
      %get3A = arith.constant 0 : i32
      %get3A_66 = arith.index_cast %get3A : i32 to index
      %get3A_67 = arith.index_cast %add3A_65 : i32 to index
      %get3A_68 = tpu.vector_load %arg6[%get3A_66, %get3A_67] {strides = array<i32>} : memref<12x4096xf32, #tpu.memory_space<vmem>>, vector<16xf32>,
      %get3A_69 = arith.constant 3 : i32
      %get3A_70 = arith.index_cast %get3A_69 : i32 to index
      %get3A_71 = arith.index_cast %add3A_65 : i32 to index
      %get3A_72 = tpu.vector_load %arg6[%get3A_70, %get3A_71] {strides = array<i32>} : memref<12x4096xf32, #tpu.memory_space<vmem>>, vector<16xf32>,
      %add3A_73 = arith.addf %get3A_68, %get3A_72 : vector<16xf32>
      %get3A_74 = arith.constant 6 : i32
      %get3A_75 = arith.index_cast %get3A_74 : i32 to index
      %get3A_76 = arith.index_cast %add3A_65 : i32 to index
      %get3A_77 = tpu.vector_load %arg6[%get3A_75, %get3A_76] {strides = array<i32>} : memref<12x4096xf32, #tpu.memory_space<vmem>>, vector<16xf32>,
      %add3A_78 = arith.addf %add3A_73, %get3A_77 : vector<16xf32>
      %get3A_79 = arith.constant 9 : i32
      %get3A_80 = arith.index_cast %get3A_79 : i32 to index
      %get3A_81 = arith.index_cast %add3A_65 : i32 to index
      %get3A_82 = tpu.vector_load %arg6[%get3A_80, %get3A_81] {strides = array<i32>} : memref<12x4096xf32, #tpu.memory_space<vmem>>, vector<16xf32>,
      %add3A_83 = arith.addf %add3A_78, %get3A_82 : vector<16xf32>
      %mul3A_84 = arith.constant 2.500000e-01 : f32
      %mul3A_85 = vector.broadcast %mul3A_84 : f32 to vector<16xf32>
      %mul3A_86 = arith.mulf %add3A_83, %mul3A_85 : vector<16xf32>
      %get3A_87 = arith.constant 1 : i32
      %get3A_88 = arith.index_cast %get3A_87 : i32 to index
      %get3A_89 = arith.index_cast %add3A_65 : i32 to index
      %get3A_90 = tpu.vector_load %arg6[%get3A_88, %get3A_89] {strides = array<i32>} : memref<12x4096xf32, #tpu.memory_space<vmem>>, vector<16xf32>,
      %get3A_91 = arith.constant 4 : i32
      %get3A_92 = arith.index_cast %get3A_91 : i32 to index
      %get3A_93 = arith.index_cast %add3A_65 : i32 to index
      %get3A_94 = tpu.vector_load %arg6[%get3A_92, %get3A_93] {strides = array<i32>} : memref<12x4096xf32, #tpu.memory_space<vmem>>, vector<16xf32>,
      %add3A_95 = arith.addf %get3A_90, %get3A_94 : vector<16xf32>
      %get3A_96 = arith.constant 7 : i32
      %get3A_97 = arith.index_cast %get3A_96 : i32 to index
      %get3A_98 = arith.index_cast %add3A_65 : i32 to index
      %get3A_99 = tpu.vector_load %arg6[%get3A_97, %get3A_98] {strides = array<i32>} : memref<12x4096xf32, #tpu.memory_space<vmem>>, vector<16xf32>,
      %add3A_100 = arith.addf %add3A_95, %get3A_99 : vector<16xf32>
      %get3A_101 = arith.constant 10 : i32
      %get3A_102 = arith.index_cast %get3A_101 : i32 to index
      %get3A_103 = arith.index_cast %add3A_65 : i32 to index
      %get3A_104 = tpu.vector_load %arg6[%get3A_102, %get3A_103] {strides = array<i32>} : memref<12x4096xf32, #tpu.memory_space<vmem>>, vector<16xf32>,
      %add3A_105 = arith.addf %add3A_100, %get3A_104 : vector<16xf32>
      %mul3A_106 = arith.constant 2.500000e-01 : f32
      %mul3A_107 = vector.broadcast %mul3A_106 : f32 to vector<16xf32>
      %mul3A_108 = arith.mulf %add3A_105, %mul3A_107 : vector<16xf32>
      %get3A_109 = arith.constant 2 : i32
      %get3A_110 = arith.index_cast %get3A_109 : i32 to index
      %get3A_111 = arith.index_cast %add3A_65 : i32 to index
      %get3A_112 = tpu.vector_load %arg6[%get3A_110, %get3A_111] {strides = array<i32>} : memref<12x4096xf32, #tpu.memory_space<vmem>>, vector<16xf32>,
      %get3A_113 = arith.constant 5 : i32
      %get3A_114 = arith.index_cast %get3A_113 : i32 to index
      %get3A_115 = arith.index_cast %add3A_65 : i32 to index
      %get3A_116 = tpu.vector_load %arg6[%get3A_114, %get3A_115] {strides = array<i32>} : memref<12x4096xf32, #tpu.memory_space<vmem>>, vector<16xf32>,
      %add3A_117 = arith.addf %get3A_112, %get3A_116 : vector<16xf32>
      %get3A_118 = arith.constant 8 : i32
      %get3A_119 = arith.index_cast %get3A_118 : i32 to index
      %get3A_120 = arith.index_cast %add3A_65 : i32 to index
      %get3A_121 = tpu.vector_load %arg6[%get3A_119, %get3A_120] {strides = array<i32>} : memref<12x4096xf32, #tpu.memory_space<vmem>>, vector<16xf32>,
      %add3A_122 = arith.addf %add3A_117, %get3A_121 : vector<16xf32>
      %get3A_123 = arith.constant 11 : i32
      %get3A_124 = arith.index_cast %get3A_123 : i32 to index
      %get3A_125 = arith.index_cast %add3A_65 : i32 to index
      %get3A_126 = tpu.vector_load %arg6[%get3A_124, %get3A_125] {strides = array<i32>} : memref<12x4096xf32, #tpu.memory_space<vmem>>, vector<16xf32>,
      %add3A_127 = arith.addf %add3A_122, %get3A_126 : vector<16xf32>
      %mul3A_128 = arith.constant 2.500000e-01 : f32
      %mul3A_129 = vector.broadcast %mul3A_128 : f32 to vector<16xf32>
      %mul3A_130 = arith.mulf %add3A_127, %mul3A_129 : vector<16xf32>
      %mul3A_131 = arith.mulf %mul3A_86, %mul3A_86 : vector<16xf32>
      %mul3A_132 = arith.mulf %mul3A_108, %mul3A_108 : vector<16xf32>
      %add3A_133 = arith.addf %mul3A_131, %mul3A_132 : vector<16xf32>
      %mul3A_134 = arith.mulf %mul3A_130, %mul3A_130 : vector<16xf32>
      %add3A_135 = arith.addf %add3A_133, %mul3A_134 : vector<16xf32>
      %get3A_136 = arith.index_cast %add3A_65 : i32 to index
      %get3A_137 = tpu.vector_load %arg9[%get3A_136] {strides = array<i32>} : memref<4096xi32, #tpu.memory_space<vmem>>, vector<16xi32>,
      %gt3A = arith.constant 0 : i32
      %gt3A_138 = vector.broadcast %gt3A : i32 to vector<16xi32>
      %gt3A_139 = arith.cmpi sgt, %get3A_137, %gt3A_138 : vector<16xi32>
      %jit3A_140 = arith.constant 0x7F800000 : f32
      %broadcast_in_dim3A = vector.broadcast %jit3A_140 : f32 to vector<16xf32>
      %select_n3A_141 = arith.select %gt3A_139, %add3A_135, %broadcast_in_dim3A : vector<16xi1>, vector<16xf32>
      %swap3A = arith.index_cast %add3A_65 : i32 to index
      %swap3A_142 = tpu.vector_load %arg8[%swap3A] {strides = array<i32>} : memref<4096xf32, #tpu.memory_space<vmem>>, vector<16xf32>,
      tpu.vector_store %arg8[%swap3A], %select_n3A_141 {strides = array<i32>} : memref<4096xf32, #tpu.memory_space<vmem>>, vector<16xf32>,
      %bitcast_convert_type3A = tpu.bitcast %mul3A_86 : vector<16xf32> -> vector<16xi32>
      %add3A_143 = arith.constant 32767 : i32
      %add3A_144 = vector.broadcast %add3A_143 : i32 to vector<16xi32>
      %add3A_145 = arith.addi %bitcast_convert_type3A, %add3A_144 : vector<16xi32>
      %shift_right_arithmetic3A = arith.constant 16 : i32
      %shift_right_arithmetic3A_146 = vector.broadcast %shift_right_arithmetic3A : i32 to vector<16xi32>
      %shift_right_arithmetic3A_147 = arith.shrsi %bitcast_convert_type3A, %shift_right_arithmetic3A_146 : vector<16xi32>
      %and3A_148 = arith.constant 1 : i32
      %and3A_149 = vector.broadcast %and3A_148 : i32 to vector<16xi32>
      %and3A_150 = arith.andi %shift_right_arithmetic3A_147, %and3A_149 : vector<16xi32>
      %add3A_151 = arith.addi %add3A_145, %and3A_150 : vector<16xi32>
      %and3A_152 = arith.constant -65536 : i32
      %and3A_153 = vector.broadcast %and3A_152 : i32 to vector<16xi32>
      %and3A_154 = arith.andi %add3A_151, %and3A_153 : vector<16xi32>
      %bitcast_convert_type3A_155 = tpu.bitcast %and3A_154 : vector<16xi32> -> vector<16xf32>
      %swap3A_156 = arith.constant 0 : i32
      %swap3A_157 = arith.index_cast %swap3A_156 : i32 to index
      %swap3A_158 = arith.index_cast %add3A_65 : i32 to index
      %swap3A_159 = tpu.vector_load %arg7[%swap3A_157, %swap3A_158] {strides = array<i32>} : memref<3x4096xf32, #tpu.memory_space<vmem>>, vector<16xf32>,
      tpu.vector_store %arg7[%swap3A_157, %swap3A_158], %bitcast_convert_type3A_155 {strides = array<i32>} : memref<3x4096xf32, #tpu.memory_space<vmem>>, vector<16xf32>,
      %bitcast_convert_type3A_160 = tpu.bitcast %mul3A_108 : vector<16xf32> -> vector<16xi32>
      %add3A_161 = arith.constant 32767 : i32
      %add3A_162 = vector.broadcast %add3A_161 : i32 to vector<16xi32>
      %add3A_163 = arith.addi %bitcast_convert_type3A_160, %add3A_162 : vector<16xi32>
      %shift_right_arithmetic3A_164 = arith.constant 16 : i32
      %shift_right_arithmetic3A_165 = vector.broadcast %shift_right_arithmetic3A_164 : i32 to vector<16xi32>
      %shift_right_arithmetic3A_166 = arith.shrsi %bitcast_convert_type3A_160, %shift_right_arithmetic3A_165 : vector<16xi32>
      %and3A_167 = arith.constant 1 : i32
      %and3A_168 = vector.broadcast %and3A_167 : i32 to vector<16xi32>
      %and3A_169 = arith.andi %shift_right_arithmetic3A_166, %and3A_168 : vector<16xi32>
      %add3A_170 = arith.addi %add3A_163, %and3A_169 : vector<16xi32>
      %and3A_171 = arith.constant -65536 : i32
      %and3A_172 = vector.broadcast %and3A_171 : i32 to vector<16xi32>
      %and3A_173 = arith.andi %add3A_170, %and3A_172 : vector<16xi32>
      %bitcast_convert_type3A_174 = tpu.bitcast %and3A_173 : vector<16xi32> -> vector<16xf32>
      %swap3A_175 = arith.constant 1 : i32
      %swap3A_176 = arith.index_cast %swap3A_175 : i32 to index
      %swap3A_177 = arith.index_cast %add3A_65 : i32 to index
      %swap3A_178 = tpu.vector_load %arg7[%swap3A_176, %swap3A_177] {strides = array<i32>} : memref<3x4096xf32, #tpu.memory_space<vmem>>, vector<16xf32>,
      tpu.vector_store %arg7[%swap3A_176, %swap3A_177], %bitcast_convert_type3A_174 {strides = array<i32>} : memref<3x4096xf32, #tpu.memory_space<vmem>>, vector<16xf32>,
      %bitcast_convert_type3A_179 = tpu.bitcast %mul3A_130 : vector<16xf32> -> vector<16xi32>
      %add3A_180 = arith.constant 32767 : i32
      %add3A_181 = vector.broadcast %add3A_180 : i32 to vector<16xi32>
      %add3A_182 = arith.addi %bitcast_convert_type3A_179, %add3A_181 : vector<16xi32>
      %shift_right_arithmetic3A_183 = arith.constant 16 : i32
      %shift_right_arithmetic3A_184 = vector.broadcast %shift_right_arithmetic3A_183 : i32 to vector<16xi32>
      %shift_right_arithmetic3A_185 = arith.shrsi %bitcast_convert_type3A_179, %shift_right_arithmetic3A_184 : vector<16xi32>
      %and3A_186 = arith.constant 1 : i32
      %and3A_187 = vector.broadcast %and3A_186 : i32 to vector<16xi32>
      %and3A_188 = arith.andi %shift_right_arithmetic3A_185, %and3A_187 : vector<16xi32>
      %add3A_189 = arith.addi %add3A_182, %and3A_188 : vector<16xi32>
      %and3A_190 = arith.constant -65536 : i32
      %and3A_191 = vector.broadcast %and3A_190 : i32 to vector<16xi32>
      %and3A_192 = arith.andi %add3A_189, %and3A_191 : vector<16xi32>
      %bitcast_convert_type3A_193 = tpu.bitcast %and3A_192 : vector<16xi32> -> vector<16xf32>
      %swap3A_194 = arith.constant 2 : i32
      %swap3A_195 = arith.index_cast %swap3A_194 : i32 to index
      %swap3A_196 = arith.index_cast %add3A_65 : i32 to index
      %swap3A_197 = tpu.vector_load %arg7[%swap3A_195, %swap3A_196] {strides = array<i32>} : memref<3x4096xf32, #tpu.memory_space<vmem>>, vector<16xf32>,
      tpu.vector_store %arg7[%swap3A_195, %swap3A_196], %bitcast_convert_type3A_193 {strides = array<i32>} : memref<3x4096xf32, #tpu.memory_space<vmem>>, vector<16xf32>,
      %mul3A_198 = arith.constant 64 : i32
      %mul3A_199 = arith.muli %scan3A_61, %mul3A_198 : i32
      %add3A_200 = arith.constant 16 : i32
      %add3A_201 = arith.addi %mul3A_199, %add3A_200 : i32
      %get3A_202 = arith.constant 0 : i32
      %get3A_203 = arith.index_cast %get3A_202 : i32 to index
      %get3A_204 = arith.index_cast %add3A_201 : i32 to index
      %get3A_205 = tpu.vector_load %arg6[%get3A_203, %get3A_204] {strides = array<i32>} : memref<12x4096xf32, #tpu.memory_space<vmem>>, vector<16xf32>,
      %get3A_206 = arith.constant 3 : i32
      %get3A_207 = arith.index_cast %get3A_206 : i32 to index
      %get3A_208 = arith.index_cast %add3A_201 : i32 to index
      %get3A_209 = tpu.vector_load %arg6[%get3A_207, %get3A_208] {strides = array<i32>} : memref<12x4096xf32, #tpu.memory_space<vmem>>, vector<16xf32>,
      %add3A_210 = arith.addf %get3A_205, %get3A_209 : vector<16xf32>
      %get3A_211 = arith.constant 6 : i32
      %get3A_212 = arith.index_cast %get3A_211 : i32 to index
      %get3A_213 = arith.index_cast %add3A_201 : i32 to index
      %get3A_214 = tpu.vector_load %arg6[%get3A_212, %get3A_213] {strides = array<i32>} : memref<12x4096xf32, #tpu.memory_space<vmem>>, vector<16xf32>,
      %add3A_215 = arith.addf %add3A_210, %get3A_214 : vector<16xf32>
      %get3A_216 = arith.constant 9 : i32
      %get3A_217 = arith.index_cast %get3A_216 : i32 to index
      %get3A_218 = arith.index_cast %add3A_201 : i32 to index
      %get3A_219 = tpu.vector_load %arg6[%get3A_217, %get3A_218] {strides = array<i32>} : memref<12x4096xf32, #tpu.memory_space<vmem>>, vector<16xf32>,
      %add3A_220 = arith.addf %add3A_215, %get3A_219 : vector<16xf32>
      %mul3A_221 = arith.constant 2.500000e-01 : f32
      %mul3A_222 = vector.broadcast %mul3A_221 : f32 to vector<16xf32>
      %mul3A_223 = arith.mulf %add3A_220, %mul3A_222 : vector<16xf32>
      %get3A_224 = arith.constant 1 : i32
      %get3A_225 = arith.index_cast %get3A_224 : i32 to index
      %get3A_226 = arith.index_cast %add3A_201 : i32 to index
      %get3A_227 = tpu.vector_load %arg6[%get3A_225, %get3A_226] {strides = array<i32>} : memref<12x4096xf32, #tpu.memory_space<vmem>>, vector<16xf32>,
      %get3A_228 = arith.constant 4 : i32
      %get3A_229 = arith.index_cast %get3A_228 : i32 to index
      %get3A_230 = arith.index_cast %add3A_201 : i32 to index
      %get3A_231 = tpu.vector_load %arg6[%get3A_229, %get3A_230] {strides = array<i32>} : memref<12x4096xf32, #tpu.memory_space<vmem>>, vector<16xf32>,
      %add3A_232 = arith.addf %get3A_227, %get3A_231 : vector<16xf32>
      %get3A_233 = arith.constant 7 : i32
      %get3A_234 = arith.index_cast %get3A_233 : i32 to index
      %get3A_235 = arith.index_cast %add3A_201 : i32 to index
      %get3A_236 = tpu.vector_load %arg6[%get3A_234, %get3A_235] {strides = array<i32>} : memref<12x4096xf32, #tpu.memory_space<vmem>>, vector<16xf32>,
      %add3A_237 = arith.addf %add3A_232, %get3A_236 : vector<16xf32>
      %get3A_238 = arith.constant 10 : i32
      %get3A_239 = arith.index_cast %get3A_238 : i32 to index
      %get3A_240 = arith.index_cast %add3A_201 : i32 to index
      %get3A_241 = tpu.vector_load %arg6[%get3A_239, %get3A_240] {strides = array<i32>} : memref<12x4096xf32, #tpu.memory_space<vmem>>, vector<16xf32>,
      %add3A_242 = arith.addf %add3A_237, %get3A_241 : vector<16xf32>
      %mul3A_243 = arith.constant 2.500000e-01 : f32
      %mul3A_244 = vector.broadcast %mul3A_243 : f32 to vector<16xf32>
      %mul3A_245 = arith.mulf %add3A_242, %mul3A_244 : vector<16xf32>
      %get3A_246 = arith.constant 2 : i32
      %get3A_247 = arith.index_cast %get3A_246 : i32 to index
      %get3A_248 = arith.index_cast %add3A_201 : i32 to index
      %get3A_249 = tpu.vector_load %arg6[%get3A_247, %get3A_248] {strides = array<i32>} : memref<12x4096xf32, #tpu.memory_space<vmem>>, vector<16xf32>,
      %get3A_250 = arith.constant 5 : i32
      %get3A_251 = arith.index_cast %get3A_250 : i32 to index
      %get3A_252 = arith.index_cast %add3A_201 : i32 to index
      %get3A_253 = tpu.vector_load %arg6[%get3A_251, %get3A_252] {strides = array<i32>} : memref<12x4096xf32, #tpu.memory_space<vmem>>, vector<16xf32>,
      %add3A_254 = arith.addf %get3A_249, %get3A_253 : vector<16xf32>
      %get3A_255 = arith.constant 8 : i32
      %get3A_256 = arith.index_cast %get3A_255 : i32 to index
      %get3A_257 = arith.index_cast %add3A_201 : i32 to index
      %get3A_258 = tpu.vector_load %arg6[%get3A_256, %get3A_257] {strides = array<i32>} : memref<12x4096xf32, #tpu.memory_space<vmem>>, vector<16xf32>,
      %add3A_259 = arith.addf %add3A_254, %get3A_258 : vector<16xf32>
      %get3A_260 = arith.constant 11 : i32
      %get3A_261 = arith.index_cast %get3A_260 : i32 to index
      %get3A_262 = arith.index_cast %add3A_201 : i32 to index
      %get3A_263 = tpu.vector_load %arg6[%get3A_261, %get3A_262] {strides = array<i32>} : memref<12x4096xf32, #tpu.memory_space<vmem>>, vector<16xf32>,
      %add3A_264 = arith.addf %add3A_259, %get3A_263 : vector<16xf32>
      %mul3A_265 = arith.constant 2.500000e-01 : f32
      %mul3A_266 = vector.broadcast %mul3A_265 : f32 to vector<16xf32>
      %mul3A_267 = arith.mulf %add3A_264, %mul3A_266 : vector<16xf32>
      %mul3A_268 = arith.mulf %mul3A_223, %mul3A_223 : vector<16xf32>
      %mul3A_269 = arith.mulf %mul3A_245, %mul3A_245 : vector<16xf32>
      %add3A_270 = arith.addf %mul3A_268, %mul3A_269 : vector<16xf32>
      %mul3A_271 = arith.mulf %mul3A_267, %mul3A_267 : vector<16xf32>
      %add3A_272 = arith.addf %add3A_270, %mul3A_271 : vector<16xf32>
      %get3A_273 = arith.index_cast %add3A_201 : i32 to index
      %get3A_274 = tpu.vector_load %arg9[%get3A_273] {strides = array<i32>} : memref<4096xi32, #tpu.memory_space<vmem>>, vector<16xi32>,
      %gt3A_275 = arith.constant 0 : i32
      %gt3A_276 = vector.broadcast %gt3A_275 : i32 to vector<16xi32>
      %gt3A_277 = arith.cmpi sgt, %get3A_274, %gt3A_276 : vector<16xi32>
      %jit3A_278 = arith.constant 0x7F800000 : f32
      %broadcast_in_dim3A_279 = vector.broadcast %jit3A_278 : f32 to vector<16xf32>
      %select_n3A_280 = arith.select %gt3A_277, %add3A_272, %broadcast_in_dim3A_279 : vector<16xi1>, vector<16xf32>
      %swap3A_281 = arith.index_cast %add3A_201 : i32 to index
      %swap3A_282 = tpu.vector_load %arg8[%swap3A_281] {strides = array<i32>} : memref<4096xf32, #tpu.memory_space<vmem>>, vector<16xf32>,
      tpu.vector_store %arg8[%swap3A_281], %select_n3A_280 {strides = array<i32>} : memref<4096xf32, #tpu.memory_space<vmem>>, vector<16xf32>,
      %bitcast_convert_type3A_283 = tpu.bitcast %mul3A_223 : vector<16xf32> -> vector<16xi32>
      %add3A_284 = arith.constant 32767 : i32
      %add3A_285 = vector.broadcast %add3A_284 : i32 to vector<16xi32>
      %add3A_286 = arith.addi %bitcast_convert_type3A_283, %add3A_285 : vector<16xi32>
      %shift_right_arithmetic3A_287 = arith.constant 16 : i32
      %shift_right_arithmetic3A_288 = vector.broadcast %shift_right_arithmetic3A_287 : i32 to vector<16xi32>
      %shift_right_arithmetic3A_289 = arith.shrsi %bitcast_convert_type3A_283, %shift_right_arithmetic3A_288 : vector<16xi32>
      %and3A_290 = arith.constant 1 : i32
      %and3A_291 = vector.broadcast %and3A_290 : i32 to vector<16xi32>
      %and3A_292 = arith.andi %shift_right_arithmetic3A_289, %and3A_291 : vector<16xi32>
      %add3A_293 = arith.addi %add3A_286, %and3A_292 : vector<16xi32>
      %and3A_294 = arith.constant -65536 : i32
      %and3A_295 = vector.broadcast %and3A_294 : i32 to vector<16xi32>
      %and3A_296 = arith.andi %add3A_293, %and3A_295 : vector<16xi32>
      %bitcast_convert_type3A_297 = tpu.bitcast %and3A_296 : vector<16xi32> -> vector<16xf32>
      %swap3A_298 = arith.constant 0 : i32
      %swap3A_299 = arith.index_cast %swap3A_298 : i32 to index
      %swap3A_300 = arith.index_cast %add3A_201 : i32 to index
      %swap3A_301 = tpu.vector_load %arg7[%swap3A_299, %swap3A_300] {strides = array<i32>} : memref<3x4096xf32, #tpu.memory_space<vmem>>, vector<16xf32>,
      tpu.vector_store %arg7[%swap3A_299, %swap3A_300], %bitcast_convert_type3A_297 {strides = array<i32>} : memref<3x4096xf32, #tpu.memory_space<vmem>>, vector<16xf32>,
      %bitcast_convert_type3A_302 = tpu.bitcast %mul3A_245 : vector<16xf32> -> vector<16xi32>
      %add3A_303 = arith.constant 32767 : i32
      %add3A_304 = vector.broadcast %add3A_303 : i32 to vector<16xi32>
      %add3A_305 = arith.addi %bitcast_convert_type3A_302, %add3A_304 : vector<16xi32>
      %shift_right_arithmetic3A_306 = arith.constant 16 : i32
      %shift_right_arithmetic3A_307 = vector.broadcast %shift_right_arithmetic3A_306 : i32 to vector<16xi32>
      %shift_right_arithmetic3A_308 = arith.shrsi %bitcast_convert_type3A_302, %shift_right_arithmetic3A_307 : vector<16xi32>
      %and3A_309 = arith.constant 1 : i32
      %and3A_310 = vector.broadcast %and3A_309 : i32 to vector<16xi32>
      %and3A_311 = arith.andi %shift_right_arithmetic3A_308, %and3A_310 : vector<16xi32>
      %add3A_312 = arith.addi %add3A_305, %and3A_311 : vector<16xi32>
      %and3A_313 = arith.constant -65536 : i32
      %and3A_314 = vector.broadcast %and3A_313 : i32 to vector<16xi32>
      %and3A_315 = arith.andi %add3A_312, %and3A_314 : vector<16xi32>
      %bitcast_convert_type3A_316 = tpu.bitcast %and3A_315 : vector<16xi32> -> vector<16xf32>
      %swap3A_317 = arith.constant 1 : i32
      %swap3A_318 = arith.index_cast %swap3A_317 : i32 to index
      %swap3A_319 = arith.index_cast %add3A_201 : i32 to index
      %swap3A_320 = tpu.vector_load %arg7[%swap3A_318, %swap3A_319] {strides = array<i32>} : memref<3x4096xf32, #tpu.memory_space<vmem>>, vector<16xf32>,
      tpu.vector_store %arg7[%swap3A_318, %swap3A_319], %bitcast_convert_type3A_316 {strides = array<i32>} : memref<3x4096xf32, #tpu.memory_space<vmem>>, vector<16xf32>,
      %bitcast_convert_type3A_321 = tpu.bitcast %mul3A_267 : vector<16xf32> -> vector<16xi32>
      %add3A_322 = arith.constant 32767 : i32
      %add3A_323 = vector.broadcast %add3A_322 : i32 to vector<16xi32>
      %add3A_324 = arith.addi %bitcast_convert_type3A_321, %add3A_323 : vector<16xi32>
      %shift_right_arithmetic3A_325 = arith.constant 16 : i32
      %shift_right_arithmetic3A_326 = vector.broadcast %shift_right_arithmetic3A_325 : i32 to vector<16xi32>
      %shift_right_arithmetic3A_327 = arith.shrsi %bitcast_convert_type3A_321, %shift_right_arithmetic3A_326 : vector<16xi32>
      %and3A_328 = arith.constant 1 : i32
      %and3A_329 = vector.broadcast %and3A_328 : i32 to vector<16xi32>
      %and3A_330 = arith.andi %shift_right_arithmetic3A_327, %and3A_329 : vector<16xi32>
      %add3A_331 = arith.addi %add3A_324, %and3A_330 : vector<16xi32>
      %and3A_332 = arith.constant -65536 : i32
      %and3A_333 = vector.broadcast %and3A_332 : i32 to vector<16xi32>
      %and3A_334 = arith.andi %add3A_331, %and3A_333 : vector<16xi32>
      %bitcast_convert_type3A_335 = tpu.bitcast %and3A_334 : vector<16xi32> -> vector<16xf32>
      %swap3A_336 = arith.constant 2 : i32
      %swap3A_337 = arith.index_cast %swap3A_336 : i32 to index
      %swap3A_338 = arith.index_cast %add3A_201 : i32 to index
      %swap3A_339 = tpu.vector_load %arg7[%swap3A_337, %swap3A_338] {strides = array<i32>} : memref<3x4096xf32, #tpu.memory_space<vmem>>, vector<16xf32>,
      tpu.vector_store %arg7[%swap3A_337, %swap3A_338], %bitcast_convert_type3A_335 {strides = array<i32>} : memref<3x4096xf32, #tpu.memory_space<vmem>>, vector<16xf32>,
      %mul3A_340 = arith.constant 64 : i32
      %mul3A_341 = arith.muli %scan3A_61, %mul3A_340 : i32
      %add3A_342 = arith.constant 32 : i32
      %add3A_343 = arith.addi %mul3A_341, %add3A_342 : i32
      %get3A_344 = arith.constant 0 : i32
      %get3A_345 = arith.index_cast %get3A_344 : i32 to index
      %get3A_346 = arith.index_cast %add3A_343 : i32 to index
      %get3A_347 = tpu.vector_load %arg6[%get3A_345, %get3A_346] {strides = array<i32>} : memref<12x4096xf32, #tpu.memory_space<vmem>>, vector<16xf32>,
      %get3A_348 = arith.constant 3 : i32
      %get3A_349 = arith.index_cast %get3A_348 : i32 to index
      %get3A_350 = arith.index_cast %add3A_343 : i32 to index
      %get3A_351 = tpu.vector_load %arg6[%get3A_349, %get3A_350] {strides = array<i32>} : memref<12x4096xf32, #tpu.memory_space<vmem>>, vector<16xf32>,
      %add3A_352 = arith.addf %get3A_347, %get3A_351 : vector<16xf32>
      %get3A_353 = arith.constant 6 : i32
      %get3A_354 = arith.index_cast %get3A_353 : i32 to index
      %get3A_355 = arith.index_cast %add3A_343 : i32 to index
      %get3A_356 = tpu.vector_load %arg6[%get3A_354, %get3A_355] {strides = array<i32>} : memref<12x4096xf32, #tpu.memory_space<vmem>>, vector<16xf32>,
      %add3A_357 = arith.addf %add3A_352, %get3A_356 : vector<16xf32>
      %get3A_358 = arith.constant 9 : i32
      %get3A_359 = arith.index_cast %get3A_358 : i32 to index
      %get3A_360 = arith.index_cast %add3A_343 : i32 to index
      %get3A_361 = tpu.vector_load %arg6[%get3A_359, %get3A_360] {strides = array<i32>} : memref<12x4096xf32, #tpu.memory_space<vmem>>, vector<16xf32>,
      %add3A_362 = arith.addf %add3A_357, %get3A_361 : vector<16xf32>
      %mul3A_363 = arith.constant 2.500000e-01 : f32
      %mul3A_364 = vector.broadcast %mul3A_363 : f32 to vector<16xf32>
      %mul3A_365 = arith.mulf %add3A_362, %mul3A_364 : vector<16xf32>
      %get3A_366 = arith.constant 1 : i32
      %get3A_367 = arith.index_cast %get3A_366 : i32 to index
      %get3A_368 = arith.index_cast %add3A_343 : i32 to index
      %get3A_369 = tpu.vector_load %arg6[%get3A_367, %get3A_368] {strides = array<i32>} : memref<12x4096xf32, #tpu.memory_space<vmem>>, vector<16xf32>,
      %get3A_370 = arith.constant 4 : i32
      %get3A_371 = arith.index_cast %get3A_370 : i32 to index
      %get3A_372 = arith.index_cast %add3A_343 : i32 to index
      %get3A_373 = tpu.vector_load %arg6[%get3A_371, %get3A_372] {strides = array<i32>} : memref<12x4096xf32, #tpu.memory_space<vmem>>, vector<16xf32>,
      %add3A_374 = arith.addf %get3A_369, %get3A_373 : vector<16xf32>
      %get3A_375 = arith.constant 7 : i32
      %get3A_376 = arith.index_cast %get3A_375 : i32 to index
      %get3A_377 = arith.index_cast %add3A_343 : i32 to index
      %get3A_378 = tpu.vector_load %arg6[%get3A_376, %get3A_377] {strides = array<i32>} : memref<12x4096xf32, #tpu.memory_space<vmem>>, vector<16xf32>,
      %add3A_379 = arith.addf %add3A_374, %get3A_378 : vector<16xf32>
      %get3A_380 = arith.constant 10 : i32
      %get3A_381 = arith.index_cast %get3A_380 : i32 to index
      %get3A_382 = arith.index_cast %add3A_343 : i32 to index
      %get3A_383 = tpu.vector_load %arg6[%get3A_381, %get3A_382] {strides = array<i32>} : memref<12x4096xf32, #tpu.memory_space<vmem>>, vector<16xf32>,
      %add3A_384 = arith.addf %add3A_379, %get3A_383 : vector<16xf32>
      %mul3A_385 = arith.constant 2.500000e-01 : f32
      %mul3A_386 = vector.broadcast %mul3A_385 : f32 to vector<16xf32>
      %mul3A_387 = arith.mulf %add3A_384, %mul3A_386 : vector<16xf32>
      %get3A_388 = arith.constant 2 : i32
      %get3A_389 = arith.index_cast %get3A_388 : i32 to index
      %get3A_390 = arith.index_cast %add3A_343 : i32 to index
      %get3A_391 = tpu.vector_load %arg6[%get3A_389, %get3A_390] {strides = array<i32>} : memref<12x4096xf32, #tpu.memory_space<vmem>>, vector<16xf32>,
      %get3A_392 = arith.constant 5 : i32
      %get3A_393 = arith.index_cast %get3A_392 : i32 to index
      %get3A_394 = arith.index_cast %add3A_343 : i32 to index
      %get3A_395 = tpu.vector_load %arg6[%get3A_393, %get3A_394] {strides = array<i32>} : memref<12x4096xf32, #tpu.memory_space<vmem>>, vector<16xf32>,
      %add3A_396 = arith.addf %get3A_391, %get3A_395 : vector<16xf32>
      %get3A_397 = arith.constant 8 : i32
      %get3A_398 = arith.index_cast %get3A_397 : i32 to index
      %get3A_399 = arith.index_cast %add3A_343 : i32 to index
      %get3A_400 = tpu.vector_load %arg6[%get3A_398, %get3A_399] {strides = array<i32>} : memref<12x4096xf32, #tpu.memory_space<vmem>>, vector<16xf32>,
      %add3A_401 = arith.addf %add3A_396, %get3A_400 : vector<16xf32>
      %get3A_402 = arith.constant 11 : i32
      %get3A_403 = arith.index_cast %get3A_402 : i32 to index
      %get3A_404 = arith.index_cast %add3A_343 : i32 to index
      %get3A_405 = tpu.vector_load %arg6[%get3A_403, %get3A_404] {strides = array<i32>} : memref<12x4096xf32, #tpu.memory_space<vmem>>, vector<16xf32>,
      %add3A_406 = arith.addf %add3A_401, %get3A_405 : vector<16xf32>
      %mul3A_407 = arith.constant 2.500000e-01 : f32
      %mul3A_408 = vector.broadcast %mul3A_407 : f32 to vector<16xf32>
      %mul3A_409 = arith.mulf %add3A_406, %mul3A_408 : vector<16xf32>
      %mul3A_410 = arith.mulf %mul3A_365, %mul3A_365 : vector<16xf32>
      %mul3A_411 = arith.mulf %mul3A_387, %mul3A_387 : vector<16xf32>
      %add3A_412 = arith.addf %mul3A_410, %mul3A_411 : vector<16xf32>
      %mul3A_413 = arith.mulf %mul3A_409, %mul3A_409 : vector<16xf32>
      %add3A_414 = arith.addf %add3A_412, %mul3A_413 : vector<16xf32>
      %get3A_415 = arith.index_cast %add3A_343 : i32 to index
      %get3A_416 = tpu.vector_load %arg9[%get3A_415] {strides = array<i32>} : memref<4096xi32, #tpu.memory_space<vmem>>, vector<16xi32>,
      %gt3A_417 = arith.constant 0 : i32
      %gt3A_418 = vector.broadcast %gt3A_417 : i32 to vector<16xi32>
      %gt3A_419 = arith.cmpi sgt, %get3A_416, %gt3A_418 : vector<16xi32>
      %jit3A_420 = arith.constant 0x7F800000 : f32
      %broadcast_in_dim3A_421 = vector.broadcast %jit3A_420 : f32 to vector<16xf32>
      %select_n3A_422 = arith.select %gt3A_419, %add3A_414, %broadcast_in_dim3A_421 : vector<16xi1>, vector<16xf32>
      %swap3A_423 = arith.index_cast %add3A_343 : i32 to index
      %swap3A_424 = tpu.vector_load %arg8[%swap3A_423] {strides = array<i32>} : memref<4096xf32, #tpu.memory_space<vmem>>, vector<16xf32>,
      tpu.vector_store %arg8[%swap3A_423], %select_n3A_422 {strides = array<i32>} : memref<4096xf32, #tpu.memory_space<vmem>>, vector<16xf32>,
      %bitcast_convert_type3A_425 = tpu.bitcast %mul3A_365 : vector<16xf32> -> vector<16xi32>
      %add3A_426 = arith.constant 32767 : i32
      %add3A_427 = vector.broadcast %add3A_426 : i32 to vector<16xi32>
      %add3A_428 = arith.addi %bitcast_convert_type3A_425, %add3A_427 : vector<16xi32>
      %shift_right_arithmetic3A_429 = arith.constant 16 : i32
      %shift_right_arithmetic3A_430 = vector.broadcast %shift_right_arithmetic3A_429 : i32 to vector<16xi32>
      %shift_right_arithmetic3A_431 = arith.shrsi %bitcast_convert_type3A_425, %shift_right_arithmetic3A_430 : vector<16xi32>
      %and3A_432 = arith.constant 1 : i32
      %and3A_433 = vector.broadcast %and3A_432 : i32 to vector<16xi32>
      %and3A_434 = arith.andi %shift_right_arithmetic3A_431, %and3A_433 : vector<16xi32>
      %add3A_435 = arith.addi %add3A_428, %and3A_434 : vector<16xi32>
      %and3A_436 = arith.constant -65536 : i32
      %and3A_437 = vector.broadcast %and3A_436 : i32 to vector<16xi32>
      %and3A_438 = arith.andi %add3A_435, %and3A_437 : vector<16xi32>
      %bitcast_convert_type3A_439 = tpu.bitcast %and3A_438 : vector<16xi32> -> vector<16xf32>
      %swap3A_440 = arith.constant 0 : i32
      %swap3A_441 = arith.index_cast %swap3A_440 : i32 to index
      %swap3A_442 = arith.index_cast %add3A_343 : i32 to index
      %swap3A_443 = tpu.vector_load %arg7[%swap3A_441, %swap3A_442] {strides = array<i32>} : memref<3x4096xf32, #tpu.memory_space<vmem>>, vector<16xf32>,
      tpu.vector_store %arg7[%swap3A_441, %swap3A_442], %bitcast_convert_type3A_439 {strides = array<i32>} : memref<3x4096xf32, #tpu.memory_space<vmem>>, vector<16xf32>,
      %bitcast_convert_type3A_444 = tpu.bitcast %mul3A_387 : vector<16xf32> -> vector<16xi32>
      %add3A_445 = arith.constant 32767 : i32
      %add3A_446 = vector.broadcast %add3A_445 : i32 to vector<16xi32>
      %add3A_447 = arith.addi %bitcast_convert_type3A_444, %add3A_446 : vector<16xi32>
      %shift_right_arithmetic3A_448 = arith.constant 16 : i32
      %shift_right_arithmetic3A_449 = vector.broadcast %shift_right_arithmetic3A_448 : i32 to vector<16xi32>
      %shift_right_arithmetic3A_450 = arith.shrsi %bitcast_convert_type3A_444, %shift_right_arithmetic3A_449 : vector<16xi32>
      %and3A_451 = arith.constant 1 : i32
      %and3A_452 = vector.broadcast %and3A_451 : i32 to vector<16xi32>
      %and3A_453 = arith.andi %shift_right_arithmetic3A_450, %and3A_452 : vector<16xi32>
      %add3A_454 = arith.addi %add3A_447, %and3A_453 : vector<16xi32>
      %and3A_455 = arith.constant -65536 : i32
      %and3A_456 = vector.broadcast %and3A_455 : i32 to vector<16xi32>
      %and3A_457 = arith.andi %add3A_454, %and3A_456 : vector<16xi32>
      %bitcast_convert_type3A_458 = tpu.bitcast %and3A_457 : vector<16xi32> -> vector<16xf32>
      %swap3A_459 = arith.constant 1 : i32
      %swap3A_460 = arith.index_cast %swap3A_459 : i32 to index
      %swap3A_461 = arith.index_cast %add3A_343 : i32 to index
      %swap3A_462 = tpu.vector_load %arg7[%swap3A_460, %swap3A_461] {strides = array<i32>} : memref<3x4096xf32, #tpu.memory_space<vmem>>, vector<16xf32>,
      tpu.vector_store %arg7[%swap3A_460, %swap3A_461], %bitcast_convert_type3A_458 {strides = array<i32>} : memref<3x4096xf32, #tpu.memory_space<vmem>>, vector<16xf32>,
      %bitcast_convert_type3A_463 = tpu.bitcast %mul3A_409 : vector<16xf32> -> vector<16xi32>
      %add3A_464 = arith.constant 32767 : i32
      %add3A_465 = vector.broadcast %add3A_464 : i32 to vector<16xi32>
      %add3A_466 = arith.addi %bitcast_convert_type3A_463, %add3A_465 : vector<16xi32>
      %shift_right_arithmetic3A_467 = arith.constant 16 : i32
      %shift_right_arithmetic3A_468 = vector.broadcast %shift_right_arithmetic3A_467 : i32 to vector<16xi32>
      %shift_right_arithmetic3A_469 = arith.shrsi %bitcast_convert_type3A_463, %shift_right_arithmetic3A_468 : vector<16xi32>
      %and3A_470 = arith.constant 1 : i32
      %and3A_471 = vector.broadcast %and3A_470 : i32 to vector<16xi32>
      %and3A_472 = arith.andi %shift_right_arithmetic3A_469, %and3A_471 : vector<16xi32>
      %add3A_473 = arith.addi %add3A_466, %and3A_472 : vector<16xi32>
      %and3A_474 = arith.constant -65536 : i32
      %and3A_475 = vector.broadcast %and3A_474 : i32 to vector<16xi32>
      %and3A_476 = arith.andi %add3A_473, %and3A_475 : vector<16xi32>
      %bitcast_convert_type3A_477 = tpu.bitcast %and3A_476 : vector<16xi32> -> vector<16xf32>
      %swap3A_478 = arith.constant 2 : i32
      %swap3A_479 = arith.index_cast %swap3A_478 : i32 to index
      %swap3A_480 = arith.index_cast %add3A_343 : i32 to index
      %swap3A_481 = tpu.vector_load %arg7[%swap3A_479, %swap3A_480] {strides = array<i32>} : memref<3x4096xf32, #tpu.memory_space<vmem>>, vector<16xf32>,
      tpu.vector_store %arg7[%swap3A_479, %swap3A_480], %bitcast_convert_type3A_477 {strides = array<i32>} : memref<3x4096xf32, #tpu.memory_space<vmem>>, vector<16xf32>,
      %mul3A_482 = arith.constant 64 : i32
      %mul3A_483 = arith.muli %scan3A_61, %mul3A_482 : i32
      %add3A_484 = arith.constant 48 : i32
      %add3A_485 = arith.addi %mul3A_483, %add3A_484 : i32
      %get3A_486 = arith.constant 0 : i32
      %get3A_487 = arith.index_cast %get3A_486 : i32 to index
      %get3A_488 = arith.index_cast %add3A_485 : i32 to index
      %get3A_489 = tpu.vector_load %arg6[%get3A_487, %get3A_488] {strides = array<i32>} : memref<12x4096xf32, #tpu.memory_space<vmem>>, vector<16xf32>,
      %get3A_490 = arith.constant 3 : i32
      %get3A_491 = arith.index_cast %get3A_490 : i32 to index
      %get3A_492 = arith.index_cast %add3A_485 : i32 to index
      %get3A_493 = tpu.vector_load %arg6[%get3A_491, %get3A_492] {strides = array<i32>} : memref<12x4096xf32, #tpu.memory_space<vmem>>, vector<16xf32>,
      %add3A_494 = arith.addf %get3A_489, %get3A_493 : vector<16xf32>
      %get3A_495 = arith.constant 6 : i32
      %get3A_496 = arith.index_cast %get3A_495 : i32 to index
      %get3A_497 = arith.index_cast %add3A_485 : i32 to index
      %get3A_498 = tpu.vector_load %arg6[%get3A_496, %get3A_497] {strides = array<i32>} : memref<12x4096xf32, #tpu.memory_space<vmem>>, vector<16xf32>,
      %add3A_499 = arith.addf %add3A_494, %get3A_498 : vector<16xf32>
      %get3A_500 = arith.constant 9 : i32
      %get3A_501 = arith.index_cast %get3A_500 : i32 to index
      %get3A_502 = arith.index_cast %add3A_485 : i32 to index
      %get3A_503 = tpu.vector_load %arg6[%get3A_501, %get3A_502] {strides = array<i32>} : memref<12x4096xf32, #tpu.memory_space<vmem>>, vector<16xf32>,
      %add3A_504 = arith.addf %add3A_499, %get3A_503 : vector<16xf32>
      %mul3A_505 = arith.constant 2.500000e-01 : f32
      %mul3A_506 = vector.broadcast %mul3A_505 : f32 to vector<16xf32>
      %mul3A_507 = arith.mulf %add3A_504, %mul3A_506 : vector<16xf32>
      %get3A_508 = arith.constant 1 : i32
      %get3A_509 = arith.index_cast %get3A_508 : i32 to index
      %get3A_510 = arith.index_cast %add3A_485 : i32 to index
      %get3A_511 = tpu.vector_load %arg6[%get3A_509, %get3A_510] {strides = array<i32>} : memref<12x4096xf32, #tpu.memory_space<vmem>>, vector<16xf32>,
      %get3A_512 = arith.constant 4 : i32
      %get3A_513 = arith.index_cast %get3A_512 : i32 to index
      %get3A_514 = arith.index_cast %add3A_485 : i32 to index
      %get3A_515 = tpu.vector_load %arg6[%get3A_513, %get3A_514] {strides = array<i32>} : memref<12x4096xf32, #tpu.memory_space<vmem>>, vector<16xf32>,
      %add3A_516 = arith.addf %get3A_511, %get3A_515 : vector<16xf32>
      %get3A_517 = arith.constant 7 : i32
      %get3A_518 = arith.index_cast %get3A_517 : i32 to index
      %get3A_519 = arith.index_cast %add3A_485 : i32 to index
      %get3A_520 = tpu.vector_load %arg6[%get3A_518, %get3A_519] {strides = array<i32>} : memref<12x4096xf32, #tpu.memory_space<vmem>>, vector<16xf32>,
      %add3A_521 = arith.addf %add3A_516, %get3A_520 : vector<16xf32>
      %get3A_522 = arith.constant 10 : i32
      %get3A_523 = arith.index_cast %get3A_522 : i32 to index
      %get3A_524 = arith.index_cast %add3A_485 : i32 to index
      %get3A_525 = tpu.vector_load %arg6[%get3A_523, %get3A_524] {strides = array<i32>} : memref<12x4096xf32, #tpu.memory_space<vmem>>, vector<16xf32>,
      %add3A_526 = arith.addf %add3A_521, %get3A_525 : vector<16xf32>
      %mul3A_527 = arith.constant 2.500000e-01 : f32
      %mul3A_528 = vector.broadcast %mul3A_527 : f32 to vector<16xf32>
      %mul3A_529 = arith.mulf %add3A_526, %mul3A_528 : vector<16xf32>
      %get3A_530 = arith.constant 2 : i32
      %get3A_531 = arith.index_cast %get3A_530 : i32 to index
      %get3A_532 = arith.index_cast %add3A_485 : i32 to index
      %get3A_533 = tpu.vector_load %arg6[%get3A_531, %get3A_532] {strides = array<i32>} : memref<12x4096xf32, #tpu.memory_space<vmem>>, vector<16xf32>,
      %get3A_534 = arith.constant 5 : i32
      %get3A_535 = arith.index_cast %get3A_534 : i32 to index
      %get3A_536 = arith.index_cast %add3A_485 : i32 to index
      %get3A_537 = tpu.vector_load %arg6[%get3A_535, %get3A_536] {strides = array<i32>} : memref<12x4096xf32, #tpu.memory_space<vmem>>, vector<16xf32>,
      %add3A_538 = arith.addf %get3A_533, %get3A_537 : vector<16xf32>
      %get3A_539 = arith.constant 8 : i32
      %get3A_540 = arith.index_cast %get3A_539 : i32 to index
      %get3A_541 = arith.index_cast %add3A_485 : i32 to index
      %get3A_542 = tpu.vector_load %arg6[%get3A_540, %get3A_541] {strides = array<i32>} : memref<12x4096xf32, #tpu.memory_space<vmem>>, vector<16xf32>,
      %add3A_543 = arith.addf %add3A_538, %get3A_542 : vector<16xf32>
      %get3A_544 = arith.constant 11 : i32
      %get3A_545 = arith.index_cast %get3A_544 : i32 to index
      %get3A_546 = arith.index_cast %add3A_485 : i32 to index
      %get3A_547 = tpu.vector_load %arg6[%get3A_545, %get3A_546] {strides = array<i32>} : memref<12x4096xf32, #tpu.memory_space<vmem>>, vector<16xf32>,
      %add3A_548 = arith.addf %add3A_543, %get3A_547 : vector<16xf32>
      %mul3A_549 = arith.constant 2.500000e-01 : f32
      %mul3A_550 = vector.broadcast %mul3A_549 : f32 to vector<16xf32>
      %mul3A_551 = arith.mulf %add3A_548, %mul3A_550 : vector<16xf32>
      %mul3A_552 = arith.mulf %mul3A_507, %mul3A_507 : vector<16xf32>
      %mul3A_553 = arith.mulf %mul3A_529, %mul3A_529 : vector<16xf32>
      %add3A_554 = arith.addf %mul3A_552, %mul3A_553 : vector<16xf32>
      %mul3A_555 = arith.mulf %mul3A_551, %mul3A_551 : vector<16xf32>
      %add3A_556 = arith.addf %add3A_554, %mul3A_555 : vector<16xf32>
      %get3A_557 = arith.index_cast %add3A_485 : i32 to index
      %get3A_558 = tpu.vector_load %arg9[%get3A_557] {strides = array<i32>} : memref<4096xi32, #tpu.memory_space<vmem>>, vector<16xi32>,
      %gt3A_559 = arith.constant 0 : i32
      %gt3A_560 = vector.broadcast %gt3A_559 : i32 to vector<16xi32>
      %gt3A_561 = arith.cmpi sgt, %get3A_558, %gt3A_560 : vector<16xi32>
      %jit3A_562 = arith.constant 0x7F800000 : f32
      %broadcast_in_dim3A_563 = vector.broadcast %jit3A_562 : f32 to vector<16xf32>
      %select_n3A_564 = arith.select %gt3A_561, %add3A_556, %broadcast_in_dim3A_563 : vector<16xi1>, vector<16xf32>
      %swap3A_565 = arith.index_cast %add3A_485 : i32 to index
      %swap3A_566 = tpu.vector_load %arg8[%swap3A_565] {strides = array<i32>} : memref<4096xf32, #tpu.memory_space<vmem>>, vector<16xf32>,
      tpu.vector_store %arg8[%swap3A_565], %select_n3A_564 {strides = array<i32>} : memref<4096xf32, #tpu.memory_space<vmem>>, vector<16xf32>,
      %bitcast_convert_type3A_567 = tpu.bitcast %mul3A_507 : vector<16xf32> -> vector<16xi32>
      %add3A_568 = arith.constant 32767 : i32
      %add3A_569 = vector.broadcast %add3A_568 : i32 to vector<16xi32>
      %add3A_570 = arith.addi %bitcast_convert_type3A_567, %add3A_569 : vector<16xi32>
      %shift_right_arithmetic3A_571 = arith.constant 16 : i32
      %shift_right_arithmetic3A_572 = vector.broadcast %shift_right_arithmetic3A_571 : i32 to vector<16xi32>
      %shift_right_arithmetic3A_573 = arith.shrsi %bitcast_convert_type3A_567, %shift_right_arithmetic3A_572 : vector<16xi32>
      %and3A_574 = arith.constant 1 : i32
      %and3A_575 = vector.broadcast %and3A_574 : i32 to vector<16xi32>
      %and3A_576 = arith.andi %shift_right_arithmetic3A_573, %and3A_575 : vector<16xi32>
      %add3A_577 = arith.addi %add3A_570, %and3A_576 : vector<16xi32>
      %and3A_578 = arith.constant -65536 : i32
      %and3A_579 = vector.broadcast %and3A_578 : i32 to vector<16xi32>
      %and3A_580 = arith.andi %add3A_577, %and3A_579 : vector<16xi32>
      %bitcast_convert_type3A_581 = tpu.bitcast %and3A_580 : vector<16xi32> -> vector<16xf32>
      %swap3A_582 = arith.constant 0 : i32
      %swap3A_583 = arith.index_cast %swap3A_582 : i32 to index
      %swap3A_584 = arith.index_cast %add3A_485 : i32 to index
      %swap3A_585 = tpu.vector_load %arg7[%swap3A_583, %swap3A_584] {strides = array<i32>} : memref<3x4096xf32, #tpu.memory_space<vmem>>, vector<16xf32>,
      tpu.vector_store %arg7[%swap3A_583, %swap3A_584], %bitcast_convert_type3A_581 {strides = array<i32>} : memref<3x4096xf32, #tpu.memory_space<vmem>>, vector<16xf32>,
      %bitcast_convert_type3A_586 = tpu.bitcast %mul3A_529 : vector<16xf32> -> vector<16xi32>
      %add3A_587 = arith.constant 32767 : i32
      %add3A_588 = vector.broadcast %add3A_587 : i32 to vector<16xi32>
      %add3A_589 = arith.addi %bitcast_convert_type3A_586, %add3A_588 : vector<16xi32>
      %shift_right_arithmetic3A_590 = arith.constant 16 : i32
      %shift_right_arithmetic3A_591 = vector.broadcast %shift_right_arithmetic3A_590 : i32 to vector<16xi32>
      %shift_right_arithmetic3A_592 = arith.shrsi %bitcast_convert_type3A_586, %shift_right_arithmetic3A_591 : vector<16xi32>
      %and3A_593 = arith.constant 1 : i32
      %and3A_594 = vector.broadcast %and3A_593 : i32 to vector<16xi32>
      %and3A_595 = arith.andi %shift_right_arithmetic3A_592, %and3A_594 : vector<16xi32>
      %add3A_596 = arith.addi %add3A_589, %and3A_595 : vector<16xi32>
      %and3A_597 = arith.constant -65536 : i32
      %and3A_598 = vector.broadcast %and3A_597 : i32 to vector<16xi32>
      %and3A_599 = arith.andi %add3A_596, %and3A_598 : vector<16xi32>
      %bitcast_convert_type3A_600 = tpu.bitcast %and3A_599 : vector<16xi32> -> vector<16xf32>
      %swap3A_601 = arith.constant 1 : i32
      %swap3A_602 = arith.index_cast %swap3A_601 : i32 to index
      %swap3A_603 = arith.index_cast %add3A_485 : i32 to index
      %swap3A_604 = tpu.vector_load %arg7[%swap3A_602, %swap3A_603] {strides = array<i32>} : memref<3x4096xf32, #tpu.memory_space<vmem>>, vector<16xf32>,
      tpu.vector_store %arg7[%swap3A_602, %swap3A_603], %bitcast_convert_type3A_600 {strides = array<i32>} : memref<3x4096xf32, #tpu.memory_space<vmem>>, vector<16xf32>,
      %bitcast_convert_type3A_605 = tpu.bitcast %mul3A_551 : vector<16xf32> -> vector<16xi32>
      %add3A_606 = arith.constant 32767 : i32
      %add3A_607 = vector.broadcast %add3A_606 : i32 to vector<16xi32>
      %add3A_608 = arith.addi %bitcast_convert_type3A_605, %add3A_607 : vector<16xi32>
      %shift_right_arithmetic3A_609 = arith.constant 16 : i32
      %shift_right_arithmetic3A_610 = vector.broadcast %shift_right_arithmetic3A_609 : i32 to vector<16xi32>
      %shift_right_arithmetic3A_611 = arith.shrsi %bitcast_convert_type3A_605, %shift_right_arithmetic3A_610 : vector<16xi32>
      %and3A_612 = arith.constant 1 : i32
      %and3A_613 = vector.broadcast %and3A_612 : i32 to vector<16xi32>
      %and3A_614 = arith.andi %shift_right_arithmetic3A_611, %and3A_613 : vector<16xi32>
      %add3A_615 = arith.addi %add3A_608, %and3A_614 : vector<16xi32>
      %and3A_616 = arith.constant -65536 : i32
      %and3A_617 = vector.broadcast %and3A_616 : i32 to vector<16xi32>
      %and3A_618 = arith.andi %add3A_615, %and3A_617 : vector<16xi32>
      %bitcast_convert_type3A_619 = tpu.bitcast %and3A_618 : vector<16xi32> -> vector<16xf32>
      %swap3A_620 = arith.constant 2 : i32
      %swap3A_621 = arith.index_cast %swap3A_620 : i32 to index
      %swap3A_622 = arith.index_cast %add3A_485 : i32 to index
      %swap3A_623 = tpu.vector_load %arg7[%swap3A_621, %swap3A_622] {strides = array<i32>} : memref<3x4096xf32, #tpu.memory_space<vmem>>, vector<16xf32>,
      tpu.vector_store %arg7[%swap3A_621, %swap3A_622], %bitcast_convert_type3A_619 {strides = array<i32>} : memref<3x4096xf32, #tpu.memory_space<vmem>>, vector<16xf32>,
    }
    %scan3A_37 = arith.constant 64 : i32
    %scan3A_38 = arith.constant 0 : i32
    %scan3A_39 = arith.constant 0 : i32
    %scan3A_40 = arith.constant 256 : i32
    %scan3A_41 = arith.addi %scan3A_39, %scan3A_40 : i32
    %scan3A_42 = arith.constant 1 : i32
    %scan3A_43 = scf.for %scan3A_61 = %scan3A_39 to %scan3A_41 step %scan3A_42 iter_args(%scan3A_62 = %scan3A_38) -> (i32)  : i32 {
      %mul3A_63 = arith.constant 16 : i32
      %mul3A_64 = arith.muli %scan3A_61, %mul3A_63 : i32
      %get3A = arith.index_cast %mul3A_64 : i32 to index
      %get3A_65 = tpu.vector_load %arg9[%get3A] {strides = array<i32>} : memref<4096xi32, #tpu.memory_space<vmem>>, vector<16xi32>,
      %le3A = arith.constant 0 : i32
      %le3A_66 = vector.broadcast %le3A : i32 to vector<16xi32>
      %le3A_67 = arith.cmpi sle, %get3A_65, %le3A_66 : vector<16xi32>
      %all_reduce_population_count3A = tpu.all_reduce %le3A_67 {dim = 0 : i64, kind = #tpu.reduction_kind<sum>} : vector<16xi1> -> vector<16xi32>
      %slice3A = vector.extract_strided_slice %all_reduce_population_count3A {offsets = [0], sizes = [1], strides = [1]} : vector<16xi32> to vector<1xi32>
      %squeeze3A = vector.extract %slice3A[0] : i32 from vector<1xi32>
      %add3A_68 = vector.broadcast %mul3A_64 : i32 to vector<16xi32>
      %add3A_69 = arith.addi %iota3A, %add3A_68 : vector<16xi32>
      %swap3A = arith.index_cast %scan3A_62 : i32 to index
      %swap3A_70 = tpu.vector_load %arg16[%swap3A] masked %le3A_67 {strides = array<i32>} : memref<48xi32, #tpu.memory_space<vmem>>, vector<16xi32>, vector<16xi1>
      tpu.vector_store %arg16[%swap3A], %add3A_69 masked %le3A_67 {strides = array<i32>} : memref<48xi32, #tpu.memory_space<vmem>>, vector<16xi32>, vector<16xi1>
      %add3A_71 = arith.addi %scan3A_62, %squeeze3A : i32
      %min3A = arith.constant 32 : i32
      %min3A_72 = arith.minsi %add3A_71, %min3A : i32
      scf.yield %min3A_72 : i32
    }
    %scan3A_44 = arith.constant 256 : i32
    %scan3A_45 = arith.constant 0 : i32
    %scan3A_46 = arith.constant 0 : i32
    %scan3A_47 = arith.constant 64 : i32
    %scan3A_48 = arith.addi %scan3A_46, %scan3A_47 : i32
    %scan3A_49 = arith.constant 1 : i32
    scf.for %scan3A_61 = %scan3A_46 to %scan3A_48 step %scan3A_49  : i32 {
      %broadcast_in_dim3A = arith.constant 0x7F800000 : f32
      %broadcast_in_dim3A_62 = vector.broadcast %broadcast_in_dim3A : f32 to vector<16xf32>
      %mul3A_63 = arith.constant 16 : i32
      %mul3A_64 = arith.muli %scan3A_61, %mul3A_63 : i32
      %swap3A = arith.index_cast %mul3A_64 : i32 to index
      %swap3A_65 = tpu.vector_load %arg12[%swap3A] {strides = array<i32>} : memref<1024xf32, #tpu.memory_space<vmem>>, vector<16xf32>,
      tpu.vector_store %arg12[%swap3A], %broadcast_in_dim3A_62 {strides = array<i32>} : memref<1024xf32, #tpu.memory_space<vmem>>, vector<16xf32>,
      %broadcast_in_dim3A_66 = arith.constant 0x7F800000 : f32
      %broadcast_in_dim3A_67 = vector.broadcast %broadcast_in_dim3A_66 : f32 to vector<16xf32>
      %mul3A_68 = arith.constant 16 : i32
      %mul3A_69 = arith.muli %scan3A_61, %mul3A_68 : i32
      %swap3A_70 = arith.index_cast %mul3A_69 : i32 to index
      %swap3A_71 = tpu.vector_load %arg14[%swap3A_70] {strides = array<i32>} : memref<1024xf32, #tpu.memory_space<vmem>>, vector<16xf32>,
      tpu.vector_store %arg14[%swap3A_70], %broadcast_in_dim3A_67 {strides = array<i32>} : memref<1024xf32, #tpu.memory_space<vmem>>, vector<16xf32>,
    }
    %scan3A_50 = arith.constant 64 : i32
    %scan3A_51 = arith.constant 0 : i32
    %scan3A_52 = arith.constant 0 : i32
    %scan3A_53 = arith.constant 128 : i32
    %scan3A_54 = arith.addi %scan3A_52, %scan3A_53 : i32
    %scan3A_55 = arith.constant 1 : i32
    scf.for %scan3A_61 = %scan3A_52 to %scan3A_54 step %scan3A_55  : i32 {
      %mul3A_62 = arith.constant 2 : i32
      %mul3A_63 = arith.muli %scan3A_61, %mul3A_62 : i32
      %add3A_64 = arith.addi %mul3A_32, %mul3A_63 : i32
      %add3A_65 = arith.constant 1 : i32
      %add3A_66 = arith.addi %add3A_64, %add3A_65 : i32
      %jit3A_67 = arith.constant 16 : i32
      %div3A_68 = arith.divsi %add3A_64, %jit3A_67 : i32
      %sign3A_69 = arith.constant 0 : i32
      %sign3A_70 = arith.cmpi sgt, %add3A_64, %sign3A_69 : i32
      %sign3A_71 = arith.extui %sign3A_70 : i1 to i32
      %sign3A_72 = arith.constant 0 : i32
      %sign3A_73 = arith.cmpi slt, %add3A_64, %sign3A_72 : i32
      %sign3A_74 = arith.extui %sign3A_73 : i1 to i32
      %sign3A_75 = arith.subi %sign3A_71, %sign3A_74 : i32
      %sign3A_76 = arith.constant 0 : i32
      %sign3A_77 = arith.cmpi sgt, %jit3A_67, %sign3A_76 : i32
      %sign3A_78 = arith.extui %sign3A_77 : i1 to i32
      %sign3A_79 = arith.constant 0 : i32
      %sign3A_80 = arith.cmpi slt, %jit3A_67, %sign3A_79 : i32
      %sign3A_81 = arith.extui %sign3A_80 : i1 to i32
      %sign3A_82 = arith.subi %sign3A_78, %sign3A_81 : i32
      %ne3A_83 = arith.cmpi ne, %sign3A_75, %sign3A_82 : i32
      %rem3A_84 = arith.remsi %add3A_64, %jit3A_67 : i32
      %ne3A_85 = arith.constant 0 : i32
      %ne3A_86 = arith.cmpi ne, %rem3A_84, %ne3A_85 : i32
      %and3A_87 = arith.andi %ne3A_83, %ne3A_86 : i1
      %sub3A_88 = arith.constant 1 : i32
      %sub3A_89 = arith.subi %div3A_68, %sub3A_88 : i32
      %select_n3A_90 = arith.select %and3A_87, %sub3A_89, %div3A_68 : i32
      %mul3A_91 = arith.constant 16 : i32
      %mul3A_92 = arith.muli %select_n3A_90, %mul3A_91 : i32
      %jit3A_93 = arith.constant 16 : i32
      %eq3A_94 = arith.constant 0 : i32
      %eq3A_95 = arith.cmpi eq, %jit3A_93, %eq3A_94 : i32
      %jit3A_96 = arith.constant 1 : i32
      %select_n3A_97 = arith.select %eq3A_95, %jit3A_96, %jit3A_93 : i32
      %rem3A_98 = arith.remsi %add3A_64, %select_n3A_97 : i32
      %ne3A_99 = arith.constant 0 : i32
      %ne3A_100 = arith.cmpi ne, %rem3A_98, %ne3A_99 : i32
      %lt3A_101 = arith.constant 0 : i32
      %lt3A_102 = arith.cmpi slt, %rem3A_98, %lt3A_101 : i32
      %lt3A_103 = arith.constant 0 : i32
      %lt3A_104 = arith.cmpi slt, %select_n3A_97, %lt3A_103 : i32
      %ne3A_105 = arith.xori %lt3A_102, %lt3A_104 : i1
      %and3A_106 = arith.andi %ne3A_105, %ne3A_100 : i1
      %add3A_107 = arith.addi %rem3A_98, %select_n3A_97 : i32
      %select_n3A_108 = arith.select %and3A_106, %add3A_107, %rem3A_98 : i32
      %eq3A_109 = vector.broadcast %select_n3A_108 : i32 to vector<16xi32>
      %eq3A_110 = arith.cmpi eq, %iota3A, %eq3A_109 : vector<16xi32>
      %jit3A_111 = arith.constant 16 : i32
      %eq3A_112 = arith.constant 0 : i32
      %eq3A_113 = arith.cmpi eq, %jit3A_111, %eq3A_112 : i32
      %jit3A_114 = arith.constant 1 : i32
      %select_n3A_115 = arith.select %eq3A_113, %jit3A_114, %jit3A_111 : i32
      %rem3A_116 = arith.remsi %add3A_66, %select_n3A_115 : i32
      %ne3A_117 = arith.constant 0 : i32
      %ne3A_118 = arith.cmpi ne, %rem3A_116, %ne3A_117 : i32
      %lt3A_119 = arith.constant 0 : i32
      %lt3A_120 = arith.cmpi slt, %rem3A_116, %lt3A_119 : i32
      %lt3A_121 = arith.constant 0 : i32
      %lt3A_122 = arith.cmpi slt, %select_n3A_115, %lt3A_121 : i32
      %ne3A_123 = arith.xori %lt3A_120, %lt3A_122 : i1
      %and3A_124 = arith.andi %ne3A_123, %ne3A_118 : i1
      %add3A_125 = arith.addi %rem3A_116, %select_n3A_115 : i32
      %select_n3A_126 = arith.select %and3A_124, %add3A_125, %rem3A_116 : i32
      %eq3A_127 = vector.broadcast %select_n3A_126 : i32 to vector<16xi32>
      %eq3A_128 = arith.cmpi eq, %iota3A, %eq3A_127 : vector<16xi32>
      %get3A = arith.index_cast %mul3A_92 : i32 to index
      %get3A_129 = tpu.vector_load %arg9[%get3A] {strides = array<i32>} : memref<4096xi32, #tpu.memory_space<vmem>>, vector<16xi32>,
      %jit3A_130 = arith.constant -2147483647 : i32
      %broadcast_in_dim3A = vector.broadcast %jit3A_130 : i32 to vector<16xi32>
      %select_n3A_131 = arith.select %eq3A_110, %get3A_129, %broadcast_in_dim3A : vector<16xi1>, vector<16xi32>
      %reduce_max3A = arith.constant true
      %reduce_max3A_132 = vector.broadcast %reduce_max3A : i1 to vector<16xi1>
      %reduce_max3A_133 = arith.constant -2147483648 : i32
      %reduce_max3A_134 = vector.broadcast %reduce_max3A_133 : i32 to vector<16xi32>
      %reduce_max3A_135 = arith.xori %select_n3A_131, %reduce_max3A_134 : vector<16xi32>
      %reduce_max3A_136 = tpu.scan <max>, %reduce_max3A_135 masked %reduce_max3A_132 : vector<16xi32>, vector<16xi1> -> vector<16xi32>
      %reduce_max3A_137 = arith.xori %reduce_max3A_136, %reduce_max3A_134 : vector<16xi32>
      %reduce_max3A_138 = vector.extract %reduce_max3A_137[15] : i32 from vector<16xi32>
      %jit3A_139 = arith.constant -2147483647 : i32
      %broadcast_in_dim3A_140 = vector.broadcast %jit3A_139 : i32 to vector<16xi32>
      %select_n3A_141 = arith.select %eq3A_128, %get3A_129, %broadcast_in_dim3A_140 : vector<16xi1>, vector<16xi32>
      %reduce_max3A_142 = arith.constant true
      %reduce_max3A_143 = vector.broadcast %reduce_max3A_142 : i1 to vector<16xi1>
      %reduce_max3A_144 = arith.constant -2147483648 : i32
      %reduce_max3A_145 = vector.broadcast %reduce_max3A_144 : i32 to vector<16xi32>
      %reduce_max3A_146 = arith.xori %select_n3A_141, %reduce_max3A_145 : vector<16xi32>
      %reduce_max3A_147 = tpu.scan <max>, %reduce_max3A_146 masked %reduce_max3A_143 : vector<16xi32>, vector<16xi1> -> vector<16xi32>
      %reduce_max3A_148 = arith.xori %reduce_max3A_147, %reduce_max3A_145 : vector<16xi32>
      %reduce_max3A_149 = vector.extract %reduce_max3A_148[15] : i32 from vector<16xi32>
      %get3A_150 = arith.constant 0 : i32
      %get3A_151 = arith.index_cast %get3A_150 : i32 to index
      %get3A_152 = arith.index_cast %mul3A_92 : i32 to index
      %get3A_153 = tpu.vector_load %arg7[%get3A_151, %get3A_152] {strides = array<i32>} : memref<3x4096xf32, #tpu.memory_space<vmem>>, vector<16xf32>,
      %jit3A_154 = arith.constant 0.000000e+00 : f32
      %broadcast_in_dim3A_155 = vector.broadcast %jit3A_154 : f32 to vector<16xf32>
      %select_n3A_156 = arith.select %eq3A_110, %get3A_153, %broadcast_in_dim3A_155 : vector<16xi1>, vector<16xf32>
      %reduce_sum3A = arith.constant true
      %reduce_sum3A_157 = vector.broadcast %reduce_sum3A : i1 to vector<16xi1>
      %reduce_sum3A_158 = tpu.scan <sum>, %select_n3A_156 masked %reduce_sum3A_157 : vector<16xf32>, vector<16xi1> -> vector<16xf32>
      %reduce_sum3A_159 = vector.extract %reduce_sum3A_158[15] : f32 from vector<16xf32>
      %jit3A_160 = arith.constant 0.000000e+00 : f32
      %broadcast_in_dim3A_161 = vector.broadcast %jit3A_160 : f32 to vector<16xf32>
      %select_n3A_162 = arith.select %eq3A_128, %get3A_153, %broadcast_in_dim3A_161 : vector<16xi1>, vector<16xf32>
      %reduce_sum3A_163 = arith.constant true
      %reduce_sum3A_164 = vector.broadcast %reduce_sum3A_163 : i1 to vector<16xi1>
      %reduce_sum3A_165 = tpu.scan <sum>, %select_n3A_162 masked %reduce_sum3A_164 : vector<16xf32>, vector<16xi1> -> vector<16xf32>
      %reduce_sum3A_166 = vector.extract %reduce_sum3A_165[15] : f32 from vector<16xf32>
      %get3A_167 = arith.constant 1 : i32
      %get3A_168 = arith.index_cast %get3A_167 : i32 to index
      %get3A_169 = arith.index_cast %mul3A_92 : i32 to index
      %get3A_170 = tpu.vector_load %arg7[%get3A_168, %get3A_169] {strides = array<i32>} : memref<3x4096xf32, #tpu.memory_space<vmem>>, vector<16xf32>,
      %jit3A_171 = arith.constant 0.000000e+00 : f32
      %broadcast_in_dim3A_172 = vector.broadcast %jit3A_171 : f32 to vector<16xf32>
      %select_n3A_173 = arith.select %eq3A_110, %get3A_170, %broadcast_in_dim3A_172 : vector<16xi1>, vector<16xf32>
      %reduce_sum3A_174 = arith.constant true
      %reduce_sum3A_175 = vector.broadcast %reduce_sum3A_174 : i1 to vector<16xi1>
      %reduce_sum3A_176 = tpu.scan <sum>, %select_n3A_173 masked %reduce_sum3A_175 : vector<16xf32>, vector<16xi1> -> vector<16xf32>
      %reduce_sum3A_177 = vector.extract %reduce_sum3A_176[15] : f32 from vector<16xf32>
      %jit3A_178 = arith.constant 0.000000e+00 : f32
      %broadcast_in_dim3A_179 = vector.broadcast %jit3A_178 : f32 to vector<16xf32>
      %select_n3A_180 = arith.select %eq3A_128, %get3A_170, %broadcast_in_dim3A_179 : vector<16xi1>, vector<16xf32>
      %reduce_sum3A_181 = arith.constant true
      %reduce_sum3A_182 = vector.broadcast %reduce_sum3A_181 : i1 to vector<16xi1>
      %reduce_sum3A_183 = tpu.scan <sum>, %select_n3A_180 masked %reduce_sum3A_182 : vector<16xf32>, vector<16xi1> -> vector<16xf32>
      %reduce_sum3A_184 = vector.extract %reduce_sum3A_183[15] : f32 from vector<16xf32>
      %get3A_185 = arith.constant 2 : i32
      %get3A_186 = arith.index_cast %get3A_185 : i32 to index
      %get3A_187 = arith.index_cast %mul3A_92 : i32 to index
      %get3A_188 = tpu.vector_load %arg7[%get3A_186, %get3A_187] {strides = array<i32>} : memref<3x4096xf32, #tpu.memory_space<vmem>>, vector<16xf32>,
      %jit3A_189 = arith.constant 0.000000e+00 : f32
      %broadcast_in_dim3A_190 = vector.broadcast %jit3A_189 : f32 to vector<16xf32>
      %select_n3A_191 = arith.select %eq3A_110, %get3A_188, %broadcast_in_dim3A_190 : vector<16xi1>, vector<16xf32>
      %reduce_sum3A_192 = arith.constant true
      %reduce_sum3A_193 = vector.broadcast %reduce_sum3A_192 : i1 to vector<16xi1>
      %reduce_sum3A_194 = tpu.scan <sum>, %select_n3A_191 masked %reduce_sum3A_193 : vector<16xf32>, vector<16xi1> -> vector<16xf32>
      %reduce_sum3A_195 = vector.extract %reduce_sum3A_194[15] : f32 from vector<16xf32>
      %jit3A_196 = arith.constant 0.000000e+00 : f32
      %broadcast_in_dim3A_197 = vector.broadcast %jit3A_196 : f32 to vector<16xf32>
      %select_n3A_198 = arith.select %eq3A_128, %get3A_188, %broadcast_in_dim3A_197 : vector<16xi1>, vector<16xf32>
      %reduce_sum3A_199 = arith.constant true
      %reduce_sum3A_200 = vector.broadcast %reduce_sum3A_199 : i1 to vector<16xi1>
      %reduce_sum3A_201 = tpu.scan <sum>, %select_n3A_198 masked %reduce_sum3A_200 : vector<16xf32>, vector<16xi1> -> vector<16xf32>
      %reduce_sum3A_202 = vector.extract %reduce_sum3A_201[15] : f32 from vector<16xf32>
      %get3A_203 = arith.index_cast %mul3A_92 : i32 to index
      %get3A_204 = tpu.vector_load %arg8[%get3A_203] {strides = array<i32>} : memref<4096xf32, #tpu.memory_space<vmem>>, vector<16xf32>,
      %gt3A = arith.constant 0 : i32
      %gt3A_205 = vector.broadcast %gt3A : i32 to vector<16xi32>
      %gt3A_206 = arith.cmpi sgt, %get3A_129, %gt3A_205 : vector<16xi32>
      %and3A_207 = arith.andi %eq3A_110, %gt3A_206 : vector<16xi1>
      %jit3A_208 = arith.constant 0.000000e+00 : f32
      %broadcast_in_dim3A_209 = vector.broadcast %jit3A_208 : f32 to vector<16xf32>
      %select_n3A_210 = arith.select %and3A_207, %get3A_204, %broadcast_in_dim3A_209 : vector<16xi1>, vector<16xf32>
      %reduce_sum3A_211 = arith.constant true
      %reduce_sum3A_212 = vector.broadcast %reduce_sum3A_211 : i1 to vector<16xi1>
      %reduce_sum3A_213 = tpu.scan <sum>, %select_n3A_210 masked %reduce_sum3A_212 : vector<16xf32>, vector<16xi1> -> vector<16xf32>
      %reduce_sum3A_214 = vector.extract %reduce_sum3A_213[15] : f32 from vector<16xf32>
      %gt3A_215 = arith.constant 0 : i32
      %gt3A_216 = vector.broadcast %gt3A_215 : i32 to vector<16xi32>
      %gt3A_217 = arith.cmpi sgt, %get3A_129, %gt3A_216 : vector<16xi32>
      %and3A_218 = arith.andi %eq3A_128, %gt3A_217 : vector<16xi1>
      %jit3A_219 = arith.constant 0.000000e+00 : f32
      %broadcast_in_dim3A_220 = vector.broadcast %jit3A_219 : f32 to vector<16xf32>
      %select_n3A_221 = arith.select %and3A_218, %get3A_204, %broadcast_in_dim3A_220 : vector<16xi1>, vector<16xf32>
      %reduce_sum3A_222 = arith.constant true
      %reduce_sum3A_223 = vector.broadcast %reduce_sum3A_222 : i1 to vector<16xi1>
      %reduce_sum3A_224 = tpu.scan <sum>, %select_n3A_221 masked %reduce_sum3A_223 : vector<16xf32>, vector<16xi1> -> vector<16xf32>
      %reduce_sum3A_225 = vector.extract %reduce_sum3A_224[15] : f32 from vector<16xf32>
      %gt3A_226 = arith.constant 0 : i32
      %gt3A_227 = arith.cmpi sgt, %reduce_max3A_138, %gt3A_226 : i32
      %jit3A_228 = arith.constant 0x7F800000 : f32
      %select_n3A_229 = arith.select %gt3A_227, %reduce_sum3A_214, %jit3A_228 : f32
      %gt3A_230 = arith.constant 0 : i32
      %gt3A_231 = arith.cmpi sgt, %reduce_max3A_149, %gt3A_230 : i32
      %jit3A_232 = arith.constant 0x7F800000 : f32
      %select_n3A_233 = arith.select %gt3A_231, %reduce_sum3A_225, %jit3A_232 : f32
      %broadcast_in_dim3A_234 = arith.constant 0x7F800000 : f32
      %broadcast_in_dim3A_235 = vector.broadcast %broadcast_in_dim3A_234 : f32 to vector<16xf32>
      %scan3A_236 = arith.constant 0 : i32
      %scan3A_237 = arith.constant 32 : i32
      %scan3A_238 = arith.addi %scan3A_236, %scan3A_237 : i32
      %scan3A_239 = arith.constant 1 : i32
      %scan3A_240:4 = scf.for %scan3A_383 = %scan3A_236 to %scan3A_238 step %scan3A_239 iter_args(%scan3A_384 = %broadcast_in_dim3A_235, %scan3A_385 = %broadcast_in_dim3A_235, %scan3A_386 = %broadcast_in_dim3A_235, %scan3A_387 = %broadcast_in_dim3A_235) -> (vector<16xf32>, vector<16xf32>, vector<16xf32>, vector<16xf32>)  : i32 {
        %mul3A_388 = arith.constant 128 : i32
        %mul3A_389 = arith.muli %scan3A_383, %mul3A_388 : i32
        %add3A_390 = arith.constant 0 : i32
        %add3A_391 = arith.addi %mul3A_389, %add3A_390 : i32
        %get3A_392 = arith.constant 0 : i32
        %get3A_393 = arith.index_cast %get3A_392 : i32 to index
        %get3A_394 = arith.index_cast %add3A_391 : i32 to index
        %get3A_395 = tpu.vector_load %arg7[%get3A_393, %get3A_394] {strides = array<i32>} : memref<3x4096xf32, #tpu.memory_space<vmem>>, vector<16xf32>,
        %get3A_396 = arith.constant 1 : i32
        %get3A_397 = arith.index_cast %get3A_396 : i32 to index
        %get3A_398 = arith.index_cast %add3A_391 : i32 to index
        %get3A_399 = tpu.vector_load %arg7[%get3A_397, %get3A_398] {strides = array<i32>} : memref<3x4096xf32, #tpu.memory_space<vmem>>, vector<16xf32>,
        %get3A_400 = arith.constant 2 : i32
        %get3A_401 = arith.index_cast %get3A_400 : i32 to index
        %get3A_402 = arith.index_cast %add3A_391 : i32 to index
        %get3A_403 = tpu.vector_load %arg7[%get3A_401, %get3A_402] {strides = array<i32>} : memref<3x4096xf32, #tpu.memory_space<vmem>>, vector<16xf32>,
        %get3A_404 = arith.index_cast %add3A_391 : i32 to index
        %get3A_405 = tpu.vector_load %arg8[%get3A_404] {strides = array<i32>} : memref<4096xf32, #tpu.memory_space<vmem>>, vector<16xf32>,
        %mul3A_406 = vector.broadcast %reduce_sum3A_159 : f32 to vector<16xf32>
        %mul3A_407 = arith.mulf %mul3A_406, %get3A_395 : vector<16xf32>
        %mul3A_408 = vector.broadcast %reduce_sum3A_177 : f32 to vector<16xf32>
        %mul3A_409 = arith.mulf %mul3A_408, %get3A_399 : vector<16xf32>
        %add3A_410 = arith.addf %mul3A_407, %mul3A_409 : vector<16xf32>
        %mul3A_411 = vector.broadcast %reduce_sum3A_195 : f32 to vector<16xf32>
        %mul3A_412 = arith.mulf %mul3A_411, %get3A_403 : vector<16xf32>
        %add3A_413 = arith.addf %add3A_410, %mul3A_412 : vector<16xf32>
        %mul3A_414 = vector.broadcast %reduce_sum3A_166 : f32 to vector<16xf32>
        %mul3A_415 = arith.mulf %mul3A_414, %get3A_395 : vector<16xf32>
        %mul3A_416 = vector.broadcast %reduce_sum3A_184 : f32 to vector<16xf32>
        %mul3A_417 = arith.mulf %mul3A_416, %get3A_399 : vector<16xf32>
        %add3A_418 = arith.addf %mul3A_415, %mul3A_417 : vector<16xf32>
        %mul3A_419 = vector.broadcast %reduce_sum3A_202 : f32 to vector<16xf32>
        %mul3A_420 = arith.mulf %mul3A_419, %get3A_403 : vector<16xf32>
        %add3A_421 = arith.addf %add3A_418, %mul3A_420 : vector<16xf32>
        %add3A_422 = vector.broadcast %select_n3A_229 : f32 to vector<16xf32>
        %add3A_423 = arith.addf %add3A_422, %get3A_405 : vector<16xf32>
        %mul3A_424 = arith.constant 2.000000e+00 : f32
        %mul3A_425 = vector.broadcast %mul3A_424 : f32 to vector<16xf32>
        %mul3A_426 = arith.mulf %mul3A_425, %add3A_413 : vector<16xf32>
        %sub3A_427 = arith.subf %add3A_423, %mul3A_426 : vector<16xf32>
        %max3A_428 = arith.constant 0.000000e+00 : f32
        %max3A_429 = vector.broadcast %max3A_428 : f32 to vector<16xf32>
        %max3A_430 = arith.maximumf %sub3A_427, %max3A_429 : vector<16xf32>
        %add3A_431 = vector.broadcast %select_n3A_233 : f32 to vector<16xf32>
        %add3A_432 = arith.addf %add3A_431, %get3A_405 : vector<16xf32>
        %mul3A_433 = arith.constant 2.000000e+00 : f32
        %mul3A_434 = vector.broadcast %mul3A_433 : f32 to vector<16xf32>
        %mul3A_435 = arith.mulf %mul3A_434, %add3A_421 : vector<16xf32>
        %sub3A_436 = arith.subf %add3A_432, %mul3A_435 : vector<16xf32>
        %max3A_437 = arith.constant 0.000000e+00 : f32
        %max3A_438 = vector.broadcast %max3A_437 : f32 to vector<16xf32>
        %max3A_439 = arith.maximumf %sub3A_436, %max3A_438 : vector<16xf32>
        %swap3A_440 = arith.index_cast %add3A_391 : i32 to index
        %swap3A_441 = tpu.vector_load %arg10[%swap3A_440] {strides = array<i32>} : memref<4096xf32, #tpu.memory_space<vmem>>, vector<16xf32>,
        tpu.vector_store %arg10[%swap3A_440], %max3A_430 {strides = array<i32>} : memref<4096xf32, #tpu.memory_space<vmem>>, vector<16xf32>,
        %swap3A_442 = arith.index_cast %add3A_391 : i32 to index
        %swap3A_443 = tpu.vector_load %arg11[%swap3A_442] {strides = array<i32>} : memref<4096xf32, #tpu.memory_space<vmem>>, vector<16xf32>,
        tpu.vector_store %arg11[%swap3A_442], %max3A_439 {strides = array<i32>} : memref<4096xf32, #tpu.memory_space<vmem>>, vector<16xf32>,
        %min3A = arith.minimumf %scan3A_384, %max3A_430 : vector<16xf32>
        %min3A_444 = arith.minimumf %scan3A_386, %max3A_439 : vector<16xf32>
        %mul3A_445 = arith.constant 128 : i32
        %mul3A_446 = arith.muli %scan3A_383, %mul3A_445 : i32
        %add3A_447 = arith.constant 16 : i32
        %add3A_448 = arith.addi %mul3A_446, %add3A_447 : i32
        %get3A_449 = arith.constant 0 : i32
        %get3A_450 = arith.index_cast %get3A_449 : i32 to index
        %get3A_451 = arith.index_cast %add3A_448 : i32 to index
        %get3A_452 = tpu.vector_load %arg7[%get3A_450, %get3A_451] {strides = array<i32>} : memref<3x4096xf32, #tpu.memory_space<vmem>>, vector<16xf32>,
        %get3A_453 = arith.constant 1 : i32
        %get3A_454 = arith.index_cast %get3A_453 : i32 to index
        %get3A_455 = arith.index_cast %add3A_448 : i32 to index
        %get3A_456 = tpu.vector_load %arg7[%get3A_454, %get3A_455] {strides = array<i32>} : memref<3x4096xf32, #tpu.memory_space<vmem>>, vector<16xf32>,
        %get3A_457 = arith.constant 2 : i32
        %get3A_458 = arith.index_cast %get3A_457 : i32 to index
        %get3A_459 = arith.index_cast %add3A_448 : i32 to index
        %get3A_460 = tpu.vector_load %arg7[%get3A_458, %get3A_459] {strides = array<i32>} : memref<3x4096xf32, #tpu.memory_space<vmem>>, vector<16xf32>,
        %get3A_461 = arith.index_cast %add3A_448 : i32 to index
        %get3A_462 = tpu.vector_load %arg8[%get3A_461] {strides = array<i32>} : memref<4096xf32, #tpu.memory_space<vmem>>, vector<16xf32>,
        %mul3A_463 = vector.broadcast %reduce_sum3A_159 : f32 to vector<16xf32>
        %mul3A_464 = arith.mulf %mul3A_463, %get3A_452 : vector<16xf32>
        %mul3A_465 = vector.broadcast %reduce_sum3A_177 : f32 to vector<16xf32>
        %mul3A_466 = arith.mulf %mul3A_465, %get3A_456 : vector<16xf32>
        %add3A_467 = arith.addf %mul3A_464, %mul3A_466 : vector<16xf32>
        %mul3A_468 = vector.broadcast %reduce_sum3A_195 : f32 to vector<16xf32>
        %mul3A_469 = arith.mulf %mul3A_468, %get3A_460 : vector<16xf32>
        %add3A_470 = arith.addf %add3A_467, %mul3A_469 : vector<16xf32>
        %mul3A_471 = vector.broadcast %reduce_sum3A_166 : f32 to vector<16xf32>
        %mul3A_472 = arith.mulf %mul3A_471, %get3A_452 : vector<16xf32>
        %mul3A_473 = vector.broadcast %reduce_sum3A_184 : f32 to vector<16xf32>
        %mul3A_474 = arith.mulf %mul3A_473, %get3A_456 : vector<16xf32>
        %add3A_475 = arith.addf %mul3A_472, %mul3A_474 : vector<16xf32>
        %mul3A_476 = vector.broadcast %reduce_sum3A_202 : f32 to vector<16xf32>
        %mul3A_477 = arith.mulf %mul3A_476, %get3A_460 : vector<16xf32>
        %add3A_478 = arith.addf %add3A_475, %mul3A_477 : vector<16xf32>
        %add3A_479 = vector.broadcast %select_n3A_229 : f32 to vector<16xf32>
        %add3A_480 = arith.addf %add3A_479, %get3A_462 : vector<16xf32>
        %mul3A_481 = arith.constant 2.000000e+00 : f32
        %mul3A_482 = vector.broadcast %mul3A_481 : f32 to vector<16xf32>
        %mul3A_483 = arith.mulf %mul3A_482, %add3A_470 : vector<16xf32>
        %sub3A_484 = arith.subf %add3A_480, %mul3A_483 : vector<16xf32>
        %max3A_485 = arith.constant 0.000000e+00 : f32
        %max3A_486 = vector.broadcast %max3A_485 : f32 to vector<16xf32>
        %max3A_487 = arith.maximumf %sub3A_484, %max3A_486 : vector<16xf32>
        %add3A_488 = vector.broadcast %select_n3A_233 : f32 to vector<16xf32>
        %add3A_489 = arith.addf %add3A_488, %get3A_462 : vector<16xf32>
        %mul3A_490 = arith.constant 2.000000e+00 : f32
        %mul3A_491 = vector.broadcast %mul3A_490 : f32 to vector<16xf32>
        %mul3A_492 = arith.mulf %mul3A_491, %add3A_478 : vector<16xf32>
        %sub3A_493 = arith.subf %add3A_489, %mul3A_492 : vector<16xf32>
        %max3A_494 = arith.constant 0.000000e+00 : f32
        %max3A_495 = vector.broadcast %max3A_494 : f32 to vector<16xf32>
        %max3A_496 = arith.maximumf %sub3A_493, %max3A_495 : vector<16xf32>
        %swap3A_497 = arith.index_cast %add3A_448 : i32 to index
        %swap3A_498 = tpu.vector_load %arg10[%swap3A_497] {strides = array<i32>} : memref<4096xf32, #tpu.memory_space<vmem>>, vector<16xf32>,
        tpu.vector_store %arg10[%swap3A_497], %max3A_487 {strides = array<i32>} : memref<4096xf32, #tpu.memory_space<vmem>>, vector<16xf32>,
        %swap3A_499 = arith.index_cast %add3A_448 : i32 to index
        %swap3A_500 = tpu.vector_load %arg11[%swap3A_499] {strides = array<i32>} : memref<4096xf32, #tpu.memory_space<vmem>>, vector<16xf32>,
        tpu.vector_store %arg11[%swap3A_499], %max3A_496 {strides = array<i32>} : memref<4096xf32, #tpu.memory_space<vmem>>, vector<16xf32>,
        %min3A_501 = arith.minimumf %scan3A_385, %max3A_487 : vector<16xf32>
        %min3A_502 = arith.minimumf %scan3A_387, %max3A_496 : vector<16xf32>
        %mul3A_503 = arith.constant 128 : i32
        %mul3A_504 = arith.muli %scan3A_383, %mul3A_503 : i32
        %add3A_505 = arith.constant 32 : i32
        %add3A_506 = arith.addi %mul3A_504, %add3A_505 : i32
        %get3A_507 = arith.constant 0 : i32
        %get3A_508 = arith.index_cast %get3A_507 : i32 to index
        %get3A_509 = arith.index_cast %add3A_506 : i32 to index
        %get3A_510 = tpu.vector_load %arg7[%get3A_508, %get3A_509] {strides = array<i32>} : memref<3x4096xf32, #tpu.memory_space<vmem>>, vector<16xf32>,
        %get3A_511 = arith.constant 1 : i32
        %get3A_512 = arith.index_cast %get3A_511 : i32 to index
        %get3A_513 = arith.index_cast %add3A_506 : i32 to index
        %get3A_514 = tpu.vector_load %arg7[%get3A_512, %get3A_513] {strides = array<i32>} : memref<3x4096xf32, #tpu.memory_space<vmem>>, vector<16xf32>,
        %get3A_515 = arith.constant 2 : i32
        %get3A_516 = arith.index_cast %get3A_515 : i32 to index
        %get3A_517 = arith.index_cast %add3A_506 : i32 to index
        %get3A_518 = tpu.vector_load %arg7[%get3A_516, %get3A_517] {strides = array<i32>} : memref<3x4096xf32, #tpu.memory_space<vmem>>, vector<16xf32>,
        %get3A_519 = arith.index_cast %add3A_506 : i32 to index
        %get3A_520 = tpu.vector_load %arg8[%get3A_519] {strides = array<i32>} : memref<4096xf32, #tpu.memory_space<vmem>>, vector<16xf32>,
        %mul3A_521 = vector.broadcast %reduce_sum3A_159 : f32 to vector<16xf32>
        %mul3A_522 = arith.mulf %mul3A_521, %get3A_510 : vector<16xf32>
        %mul3A_523 = vector.broadcast %reduce_sum3A_177 : f32 to vector<16xf32>
        %mul3A_524 = arith.mulf %mul3A_523, %get3A_514 : vector<16xf32>
        %add3A_525 = arith.addf %mul3A_522, %mul3A_524 : vector<16xf32>
        %mul3A_526 = vector.broadcast %reduce_sum3A_195 : f32 to vector<16xf32>
        %mul3A_527 = arith.mulf %mul3A_526, %get3A_518 : vector<16xf32>
        %add3A_528 = arith.addf %add3A_525, %mul3A_527 : vector<16xf32>
        %mul3A_529 = vector.broadcast %reduce_sum3A_166 : f32 to vector<16xf32>
        %mul3A_530 = arith.mulf %mul3A_529, %get3A_510 : vector<16xf32>
        %mul3A_531 = vector.broadcast %reduce_sum3A_184 : f32 to vector<16xf32>
        %mul3A_532 = arith.mulf %mul3A_531, %get3A_514 : vector<16xf32>
        %add3A_533 = arith.addf %mul3A_530, %mul3A_532 : vector<16xf32>
        %mul3A_534 = vector.broadcast %reduce_sum3A_202 : f32 to vector<16xf32>
        %mul3A_535 = arith.mulf %mul3A_534, %get3A_518 : vector<16xf32>
        %add3A_536 = arith.addf %add3A_533, %mul3A_535 : vector<16xf32>
        %add3A_537 = vector.broadcast %select_n3A_229 : f32 to vector<16xf32>
        %add3A_538 = arith.addf %add3A_537, %get3A_520 : vector<16xf32>
        %mul3A_539 = arith.constant 2.000000e+00 : f32
        %mul3A_540 = vector.broadcast %mul3A_539 : f32 to vector<16xf32>
        %mul3A_541 = arith.mulf %mul3A_540, %add3A_528 : vector<16xf32>
        %sub3A_542 = arith.subf %add3A_538, %mul3A_541 : vector<16xf32>
        %max3A_543 = arith.constant 0.000000e+00 : f32
        %max3A_544 = vector.broadcast %max3A_543 : f32 to vector<16xf32>
        %max3A_545 = arith.maximumf %sub3A_542, %max3A_544 : vector<16xf32>
        %add3A_546 = vector.broadcast %select_n3A_233 : f32 to vector<16xf32>
        %add3A_547 = arith.addf %add3A_546, %get3A_520 : vector<16xf32>
        %mul3A_548 = arith.constant 2.000000e+00 : f32
        %mul3A_549 = vector.broadcast %mul3A_548 : f32 to vector<16xf32>
        %mul3A_550 = arith.mulf %mul3A_549, %add3A_536 : vector<16xf32>
        %sub3A_551 = arith.subf %add3A_547, %mul3A_550 : vector<16xf32>
        %max3A_552 = arith.constant 0.000000e+00 : f32
        %max3A_553 = vector.broadcast %max3A_552 : f32 to vector<16xf32>
        %max3A_554 = arith.maximumf %sub3A_551, %max3A_553 : vector<16xf32>
        %swap3A_555 = arith.index_cast %add3A_506 : i32 to index
        %swap3A_556 = tpu.vector_load %arg10[%swap3A_555] {strides = array<i32>} : memref<4096xf32, #tpu.memory_space<vmem>>, vector<16xf32>,
        tpu.vector_store %arg10[%swap3A_555], %max3A_545 {strides = array<i32>} : memref<4096xf32, #tpu.memory_space<vmem>>, vector<16xf32>,
        %swap3A_557 = arith.index_cast %add3A_506 : i32 to index
        %swap3A_558 = tpu.vector_load %arg11[%swap3A_557] {strides = array<i32>} : memref<4096xf32, #tpu.memory_space<vmem>>, vector<16xf32>,
        tpu.vector_store %arg11[%swap3A_557], %max3A_554 {strides = array<i32>} : memref<4096xf32, #tpu.memory_space<vmem>>, vector<16xf32>,
        %min3A_559 = arith.minimumf %min3A, %max3A_545 : vector<16xf32>
        %min3A_560 = arith.minimumf %min3A_444, %max3A_554 : vector<16xf32>
        %mul3A_561 = arith.constant 128 : i32
        %mul3A_562 = arith.muli %scan3A_383, %mul3A_561 : i32
        %add3A_563 = arith.constant 48 : i32
        %add3A_564 = arith.addi %mul3A_562, %add3A_563 : i32
        %get3A_565 = arith.constant 0 : i32
        %get3A_566 = arith.index_cast %get3A_565 : i32 to index
        %get3A_567 = arith.index_cast %add3A_564 : i32 to index
        %get3A_568 = tpu.vector_load %arg7[%get3A_566, %get3A_567] {strides = array<i32>} : memref<3x4096xf32, #tpu.memory_space<vmem>>, vector<16xf32>,
        %get3A_569 = arith.constant 1 : i32
        %get3A_570 = arith.index_cast %get3A_569 : i32 to index
        %get3A_571 = arith.index_cast %add3A_564 : i32 to index
        %get3A_572 = tpu.vector_load %arg7[%get3A_570, %get3A_571] {strides = array<i32>} : memref<3x4096xf32, #tpu.memory_space<vmem>>, vector<16xf32>,
        %get3A_573 = arith.constant 2 : i32
        %get3A_574 = arith.index_cast %get3A_573 : i32 to index
        %get3A_575 = arith.index_cast %add3A_564 : i32 to index
        %get3A_576 = tpu.vector_load %arg7[%get3A_574, %get3A_575] {strides = array<i32>} : memref<3x4096xf32, #tpu.memory_space<vmem>>, vector<16xf32>,
        %get3A_577 = arith.index_cast %add3A_564 : i32 to index
        %get3A_578 = tpu.vector_load %arg8[%get3A_577] {strides = array<i32>} : memref<4096xf32, #tpu.memory_space<vmem>>, vector<16xf32>,
        %mul3A_579 = vector.broadcast %reduce_sum3A_159 : f32 to vector<16xf32>
        %mul3A_580 = arith.mulf %mul3A_579, %get3A_568 : vector<16xf32>
        %mul3A_581 = vector.broadcast %reduce_sum3A_177 : f32 to vector<16xf32>
        %mul3A_582 = arith.mulf %mul3A_581, %get3A_572 : vector<16xf32>
        %add3A_583 = arith.addf %mul3A_580, %mul3A_582 : vector<16xf32>
        %mul3A_584 = vector.broadcast %reduce_sum3A_195 : f32 to vector<16xf32>
        %mul3A_585 = arith.mulf %mul3A_584, %get3A_576 : vector<16xf32>
        %add3A_586 = arith.addf %add3A_583, %mul3A_585 : vector<16xf32>
        %mul3A_587 = vector.broadcast %reduce_sum3A_166 : f32 to vector<16xf32>
        %mul3A_588 = arith.mulf %mul3A_587, %get3A_568 : vector<16xf32>
        %mul3A_589 = vector.broadcast %reduce_sum3A_184 : f32 to vector<16xf32>
        %mul3A_590 = arith.mulf %mul3A_589, %get3A_572 : vector<16xf32>
        %add3A_591 = arith.addf %mul3A_588, %mul3A_590 : vector<16xf32>
        %mul3A_592 = vector.broadcast %reduce_sum3A_202 : f32 to vector<16xf32>
        %mul3A_593 = arith.mulf %mul3A_592, %get3A_576 : vector<16xf32>
        %add3A_594 = arith.addf %add3A_591, %mul3A_593 : vector<16xf32>
        %add3A_595 = vector.broadcast %select_n3A_229 : f32 to vector<16xf32>
        %add3A_596 = arith.addf %add3A_595, %get3A_578 : vector<16xf32>
        %mul3A_597 = arith.constant 2.000000e+00 : f32
        %mul3A_598 = vector.broadcast %mul3A_597 : f32 to vector<16xf32>
        %mul3A_599 = arith.mulf %mul3A_598, %add3A_586 : vector<16xf32>
        %sub3A_600 = arith.subf %add3A_596, %mul3A_599 : vector<16xf32>
        %max3A_601 = arith.constant 0.000000e+00 : f32
        %max3A_602 = vector.broadcast %max3A_601 : f32 to vector<16xf32>
        %max3A_603 = arith.maximumf %sub3A_600, %max3A_602 : vector<16xf32>
        %add3A_604 = vector.broadcast %select_n3A_233 : f32 to vector<16xf32>
        %add3A_605 = arith.addf %add3A_604, %get3A_578 : vector<16xf32>
        %mul3A_606 = arith.constant 2.000000e+00 : f32
        %mul3A_607 = vector.broadcast %mul3A_606 : f32 to vector<16xf32>
        %mul3A_608 = arith.mulf %mul3A_607, %add3A_594 : vector<16xf32>
        %sub3A_609 = arith.subf %add3A_605, %mul3A_608 : vector<16xf32>
        %max3A_610 = arith.constant 0.000000e+00 : f32
        %max3A_611 = vector.broadcast %max3A_610 : f32 to vector<16xf32>
        %max3A_612 = arith.maximumf %sub3A_609, %max3A_611 : vector<16xf32>
        %swap3A_613 = arith.index_cast %add3A_564 : i32 to index
        %swap3A_614 = tpu.vector_load %arg10[%swap3A_613] {strides = array<i32>} : memref<4096xf32, #tpu.memory_space<vmem>>, vector<16xf32>,
        tpu.vector_store %arg10[%swap3A_613], %max3A_603 {strides = array<i32>} : memref<4096xf32, #tpu.memory_space<vmem>>, vector<16xf32>,
        %swap3A_615 = arith.index_cast %add3A_564 : i32 to index
        %swap3A_616 = tpu.vector_load %arg11[%swap3A_615] {strides = array<i32>} : memref<4096xf32, #tpu.memory_space<vmem>>, vector<16xf32>,
        tpu.vector_store %arg11[%swap3A_615], %max3A_612 {strides = array<i32>} : memref<4096xf32, #tpu.memory_space<vmem>>, vector<16xf32>,
        %min3A_617 = arith.minimumf %min3A_501, %max3A_603 : vector<16xf32>
        %min3A_618 = arith.minimumf %min3A_502, %max3A_612 : vector<16xf32>
        %mul3A_619 = arith.constant 128 : i32
        %mul3A_620 = arith.muli %scan3A_383, %mul3A_619 : i32
        %add3A_621 = arith.constant 64 : i32
        %add3A_622 = arith.addi %mul3A_620, %add3A_621 : i32
        %get3A_623 = arith.constant 0 : i32
        %get3A_624 = arith.index_cast %get3A_623 : i32 to index
        %get3A_625 = arith.index_cast %add3A_622 : i32 to index
        %get3A_626 = tpu.vector_load %arg7[%get3A_624, %get3A_625] {strides = array<i32>} : memref<3x4096xf32, #tpu.memory_space<vmem>>, vector<16xf32>,
        %get3A_627 = arith.constant 1 : i32
        %get3A_628 = arith.index_cast %get3A_627 : i32 to index
        %get3A_629 = arith.index_cast %add3A_622 : i32 to index
        %get3A_630 = tpu.vector_load %arg7[%get3A_628, %get3A_629] {strides = array<i32>} : memref<3x4096xf32, #tpu.memory_space<vmem>>, vector<16xf32>,
        %get3A_631 = arith.constant 2 : i32
        %get3A_632 = arith.index_cast %get3A_631 : i32 to index
        %get3A_633 = arith.index_cast %add3A_622 : i32 to index
        %get3A_634 = tpu.vector_load %arg7[%get3A_632, %get3A_633] {strides = array<i32>} : memref<3x4096xf32, #tpu.memory_space<vmem>>, vector<16xf32>,
        %get3A_635 = arith.index_cast %add3A_622 : i32 to index
        %get3A_636 = tpu.vector_load %arg8[%get3A_635] {strides = array<i32>} : memref<4096xf32, #tpu.memory_space<vmem>>, vector<16xf32>,
        %mul3A_637 = vector.broadcast %reduce_sum3A_159 : f32 to vector<16xf32>
        %mul3A_638 = arith.mulf %mul3A_637, %get3A_626 : vector<16xf32>
        %mul3A_639 = vector.broadcast %reduce_sum3A_177 : f32 to vector<16xf32>
        %mul3A_640 = arith.mulf %mul3A_639, %get3A_630 : vector<16xf32>
        %add3A_641 = arith.addf %mul3A_638, %mul3A_640 : vector<16xf32>
        %mul3A_642 = vector.broadcast %reduce_sum3A_195 : f32 to vector<16xf32>
        %mul3A_643 = arith.mulf %mul3A_642, %get3A_634 : vector<16xf32>
        %add3A_644 = arith.addf %add3A_641, %mul3A_643 : vector<16xf32>
        %mul3A_645 = vector.broadcast %reduce_sum3A_166 : f32 to vector<16xf32>
        %mul3A_646 = arith.mulf %mul3A_645, %get3A_626 : vector<16xf32>
        %mul3A_647 = vector.broadcast %reduce_sum3A_184 : f32 to vector<16xf32>
        %mul3A_648 = arith.mulf %mul3A_647, %get3A_630 : vector<16xf32>
        %add3A_649 = arith.addf %mul3A_646, %mul3A_648 : vector<16xf32>
        %mul3A_650 = vector.broadcast %reduce_sum3A_202 : f32 to vector<16xf32>
        %mul3A_651 = arith.mulf %mul3A_650, %get3A_634 : vector<16xf32>
        %add3A_652 = arith.addf %add3A_649, %mul3A_651 : vector<16xf32>
        %add3A_653 = vector.broadcast %select_n3A_229 : f32 to vector<16xf32>
        %add3A_654 = arith.addf %add3A_653, %get3A_636 : vector<16xf32>
        %mul3A_655 = arith.constant 2.000000e+00 : f32
        %mul3A_656 = vector.broadcast %mul3A_655 : f32 to vector<16xf32>
        %mul3A_657 = arith.mulf %mul3A_656, %add3A_644 : vector<16xf32>
        %sub3A_658 = arith.subf %add3A_654, %mul3A_657 : vector<16xf32>
        %max3A_659 = arith.constant 0.000000e+00 : f32
        %max3A_660 = vector.broadcast %max3A_659 : f32 to vector<16xf32>
        %max3A_661 = arith.maximumf %sub3A_658, %max3A_660 : vector<16xf32>
        %add3A_662 = vector.broadcast %select_n3A_233 : f32 to vector<16xf32>
        %add3A_663 = arith.addf %add3A_662, %get3A_636 : vector<16xf32>
        %mul3A_664 = arith.constant 2.000000e+00 : f32
        %mul3A_665 = vector.broadcast %mul3A_664 : f32 to vector<16xf32>
        %mul3A_666 = arith.mulf %mul3A_665, %add3A_652 : vector<16xf32>
        %sub3A_667 = arith.subf %add3A_663, %mul3A_666 : vector<16xf32>
        %max3A_668 = arith.constant 0.000000e+00 : f32
        %max3A_669 = vector.broadcast %max3A_668 : f32 to vector<16xf32>
        %max3A_670 = arith.maximumf %sub3A_667, %max3A_669 : vector<16xf32>
        %swap3A_671 = arith.index_cast %add3A_622 : i32 to index
        %swap3A_672 = tpu.vector_load %arg10[%swap3A_671] {strides = array<i32>} : memref<4096xf32, #tpu.memory_space<vmem>>, vector<16xf32>,
        tpu.vector_store %arg10[%swap3A_671], %max3A_661 {strides = array<i32>} : memref<4096xf32, #tpu.memory_space<vmem>>, vector<16xf32>,
        %swap3A_673 = arith.index_cast %add3A_622 : i32 to index
        %swap3A_674 = tpu.vector_load %arg11[%swap3A_673] {strides = array<i32>} : memref<4096xf32, #tpu.memory_space<vmem>>, vector<16xf32>,
        tpu.vector_store %arg11[%swap3A_673], %max3A_670 {strides = array<i32>} : memref<4096xf32, #tpu.memory_space<vmem>>, vector<16xf32>,
        %min3A_675 = arith.minimumf %min3A_559, %max3A_661 : vector<16xf32>
        %min3A_676 = arith.minimumf %min3A_560, %max3A_670 : vector<16xf32>
        %mul3A_677 = arith.constant 128 : i32
        %mul3A_678 = arith.muli %scan3A_383, %mul3A_677 : i32
        %add3A_679 = arith.constant 80 : i32
        %add3A_680 = arith.addi %mul3A_678, %add3A_679 : i32
        %get3A_681 = arith.constant 0 : i32
        %get3A_682 = arith.index_cast %get3A_681 : i32 to index
        %get3A_683 = arith.index_cast %add3A_680 : i32 to index
        %get3A_684 = tpu.vector_load %arg7[%get3A_682, %get3A_683] {strides = array<i32>} : memref<3x4096xf32, #tpu.memory_space<vmem>>, vector<16xf32>,
        %get3A_685 = arith.constant 1 : i32
        %get3A_686 = arith.index_cast %get3A_685 : i32 to index
        %get3A_687 = arith.index_cast %add3A_680 : i32 to index
        %get3A_688 = tpu.vector_load %arg7[%get3A_686, %get3A_687] {strides = array<i32>} : memref<3x4096xf32, #tpu.memory_space<vmem>>, vector<16xf32>,
        %get3A_689 = arith.constant 2 : i32
        %get3A_690 = arith.index_cast %get3A_689 : i32 to index
        %get3A_691 = arith.index_cast %add3A_680 : i32 to index
        %get3A_692 = tpu.vector_load %arg7[%get3A_690, %get3A_691] {strides = array<i32>} : memref<3x4096xf32, #tpu.memory_space<vmem>>, vector<16xf32>,
        %get3A_693 = arith.index_cast %add3A_680 : i32 to index
        %get3A_694 = tpu.vector_load %arg8[%get3A_693] {strides = array<i32>} : memref<4096xf32, #tpu.memory_space<vmem>>, vector<16xf32>,
        %mul3A_695 = vector.broadcast %reduce_sum3A_159 : f32 to vector<16xf32>
        %mul3A_696 = arith.mulf %mul3A_695, %get3A_684 : vector<16xf32>
        %mul3A_697 = vector.broadcast %reduce_sum3A_177 : f32 to vector<16xf32>
        %mul3A_698 = arith.mulf %mul3A_697, %get3A_688 : vector<16xf32>
        %add3A_699 = arith.addf %mul3A_696, %mul3A_698 : vector<16xf32>
        %mul3A_700 = vector.broadcast %reduce_sum3A_195 : f32 to vector<16xf32>
        %mul3A_701 = arith.mulf %mul3A_700, %get3A_692 : vector<16xf32>
        %add3A_702 = arith.addf %add3A_699, %mul3A_701 : vector<16xf32>
        %mul3A_703 = vector.broadcast %reduce_sum3A_166 : f32 to vector<16xf32>
        %mul3A_704 = arith.mulf %mul3A_703, %get3A_684 : vector<16xf32>
        %mul3A_705 = vector.broadcast %reduce_sum3A_184 : f32 to vector<16xf32>
        %mul3A_706 = arith.mulf %mul3A_705, %get3A_688 : vector<16xf32>
        %add3A_707 = arith.addf %mul3A_704, %mul3A_706 : vector<16xf32>
        %mul3A_708 = vector.broadcast %reduce_sum3A_202 : f32 to vector<16xf32>
        %mul3A_709 = arith.mulf %mul3A_708, %get3A_692 : vector<16xf32>
        %add3A_710 = arith.addf %add3A_707, %mul3A_709 : vector<16xf32>
        %add3A_711 = vector.broadcast %select_n3A_229 : f32 to vector<16xf32>
        %add3A_712 = arith.addf %add3A_711, %get3A_694 : vector<16xf32>
        %mul3A_713 = arith.constant 2.000000e+00 : f32
        %mul3A_714 = vector.broadcast %mul3A_713 : f32 to vector<16xf32>
        %mul3A_715 = arith.mulf %mul3A_714, %add3A_702 : vector<16xf32>
        %sub3A_716 = arith.subf %add3A_712, %mul3A_715 : vector<16xf32>
        %max3A_717 = arith.constant 0.000000e+00 : f32
        %max3A_718 = vector.broadcast %max3A_717 : f32 to vector<16xf32>
        %max3A_719 = arith.maximumf %sub3A_716, %max3A_718 : vector<16xf32>
        %add3A_720 = vector.broadcast %select_n3A_233 : f32 to vector<16xf32>
        %add3A_721 = arith.addf %add3A_720, %get3A_694 : vector<16xf32>
        %mul3A_722 = arith.constant 2.000000e+00 : f32
        %mul3A_723 = vector.broadcast %mul3A_722 : f32 to vector<16xf32>
        %mul3A_724 = arith.mulf %mul3A_723, %add3A_710 : vector<16xf32>
        %sub3A_725 = arith.subf %add3A_721, %mul3A_724 : vector<16xf32>
        %max3A_726 = arith.constant 0.000000e+00 : f32
        %max3A_727 = vector.broadcast %max3A_726 : f32 to vector<16xf32>
        %max3A_728 = arith.maximumf %sub3A_725, %max3A_727 : vector<16xf32>
        %swap3A_729 = arith.index_cast %add3A_680 : i32 to index
        %swap3A_730 = tpu.vector_load %arg10[%swap3A_729] {strides = array<i32>} : memref<4096xf32, #tpu.memory_space<vmem>>, vector<16xf32>,
        tpu.vector_store %arg10[%swap3A_729], %max3A_719 {strides = array<i32>} : memref<4096xf32, #tpu.memory_space<vmem>>, vector<16xf32>,
        %swap3A_731 = arith.index_cast %add3A_680 : i32 to index
        %swap3A_732 = tpu.vector_load %arg11[%swap3A_731] {strides = array<i32>} : memref<4096xf32, #tpu.memory_space<vmem>>, vector<16xf32>,
        tpu.vector_store %arg11[%swap3A_731], %max3A_728 {strides = array<i32>} : memref<4096xf32, #tpu.memory_space<vmem>>, vector<16xf32>,
        %min3A_733 = arith.minimumf %min3A_617, %max3A_719 : vector<16xf32>
        %min3A_734 = arith.minimumf %min3A_618, %max3A_728 : vector<16xf32>
        %mul3A_735 = arith.constant 128 : i32
        %mul3A_736 = arith.muli %scan3A_383, %mul3A_735 : i32
        %add3A_737 = arith.constant 96 : i32
        %add3A_738 = arith.addi %mul3A_736, %add3A_737 : i32
        %get3A_739 = arith.constant 0 : i32
        %get3A_740 = arith.index_cast %get3A_739 : i32 to index
        %get3A_741 = arith.index_cast %add3A_738 : i32 to index
        %get3A_742 = tpu.vector_load %arg7[%get3A_740, %get3A_741] {strides = array<i32>} : memref<3x4096xf32, #tpu.memory_space<vmem>>, vector<16xf32>,
        %get3A_743 = arith.constant 1 : i32
        %get3A_744 = arith.index_cast %get3A_743 : i32 to index
        %get3A_745 = arith.index_cast %add3A_738 : i32 to index
        %get3A_746 = tpu.vector_load %arg7[%get3A_744, %get3A_745] {strides = array<i32>} : memref<3x4096xf32, #tpu.memory_space<vmem>>, vector<16xf32>,
        %get3A_747 = arith.constant 2 : i32
        %get3A_748 = arith.index_cast %get3A_747 : i32 to index
        %get3A_749 = arith.index_cast %add3A_738 : i32 to index
        %get3A_750 = tpu.vector_load %arg7[%get3A_748, %get3A_749] {strides = array<i32>} : memref<3x4096xf32, #tpu.memory_space<vmem>>, vector<16xf32>,
        %get3A_751 = arith.index_cast %add3A_738 : i32 to index
        %get3A_752 = tpu.vector_load %arg8[%get3A_751] {strides = array<i32>} : memref<4096xf32, #tpu.memory_space<vmem>>, vector<16xf32>,
        %mul3A_753 = vector.broadcast %reduce_sum3A_159 : f32 to vector<16xf32>
        %mul3A_754 = arith.mulf %mul3A_753, %get3A_742 : vector<16xf32>
        %mul3A_755 = vector.broadcast %reduce_sum3A_177 : f32 to vector<16xf32>
        %mul3A_756 = arith.mulf %mul3A_755, %get3A_746 : vector<16xf32>
        %add3A_757 = arith.addf %mul3A_754, %mul3A_756 : vector<16xf32>
        %mul3A_758 = vector.broadcast %reduce_sum3A_195 : f32 to vector<16xf32>
        %mul3A_759 = arith.mulf %mul3A_758, %get3A_750 : vector<16xf32>
        %add3A_760 = arith.addf %add3A_757, %mul3A_759 : vector<16xf32>
        %mul3A_761 = vector.broadcast %reduce_sum3A_166 : f32 to vector<16xf32>
        %mul3A_762 = arith.mulf %mul3A_761, %get3A_742 : vector<16xf32>
        %mul3A_763 = vector.broadcast %reduce_sum3A_184 : f32 to vector<16xf32>
        %mul3A_764 = arith.mulf %mul3A_763, %get3A_746 : vector<16xf32>
        %add3A_765 = arith.addf %mul3A_762, %mul3A_764 : vector<16xf32>
        %mul3A_766 = vector.broadcast %reduce_sum3A_202 : f32 to vector<16xf32>
        %mul3A_767 = arith.mulf %mul3A_766, %get3A_750 : vector<16xf32>
        %add3A_768 = arith.addf %add3A_765, %mul3A_767 : vector<16xf32>
        %add3A_769 = vector.broadcast %select_n3A_229 : f32 to vector<16xf32>
        %add3A_770 = arith.addf %add3A_769, %get3A_752 : vector<16xf32>
        %mul3A_771 = arith.constant 2.000000e+00 : f32
        %mul3A_772 = vector.broadcast %mul3A_771 : f32 to vector<16xf32>
        %mul3A_773 = arith.mulf %mul3A_772, %add3A_760 : vector<16xf32>
        %sub3A_774 = arith.subf %add3A_770, %mul3A_773 : vector<16xf32>
        %max3A_775 = arith.constant 0.000000e+00 : f32
        %max3A_776 = vector.broadcast %max3A_775 : f32 to vector<16xf32>
        %max3A_777 = arith.maximumf %sub3A_774, %max3A_776 : vector<16xf32>
        %add3A_778 = vector.broadcast %select_n3A_233 : f32 to vector<16xf32>
        %add3A_779 = arith.addf %add3A_778, %get3A_752 : vector<16xf32>
        %mul3A_780 = arith.constant 2.000000e+00 : f32
        %mul3A_781 = vector.broadcast %mul3A_780 : f32 to vector<16xf32>
        %mul3A_782 = arith.mulf %mul3A_781, %add3A_768 : vector<16xf32>
        %sub3A_783 = arith.subf %add3A_779, %mul3A_782 : vector<16xf32>
        %max3A_784 = arith.constant 0.000000e+00 : f32
        %max3A_785 = vector.broadcast %max3A_784 : f32 to vector<16xf32>
        %max3A_786 = arith.maximumf %sub3A_783, %max3A_785 : vector<16xf32>
        %swap3A_787 = arith.index_cast %add3A_738 : i32 to index
        %swap3A_788 = tpu.vector_load %arg10[%swap3A_787] {strides = array<i32>} : memref<4096xf32, #tpu.memory_space<vmem>>, vector<16xf32>,
        tpu.vector_store %arg10[%swap3A_787], %max3A_777 {strides = array<i32>} : memref<4096xf32, #tpu.memory_space<vmem>>, vector<16xf32>,
        %swap3A_789 = arith.index_cast %add3A_738 : i32 to index
        %swap3A_790 = tpu.vector_load %arg11[%swap3A_789] {strides = array<i32>} : memref<4096xf32, #tpu.memory_space<vmem>>, vector<16xf32>,
        tpu.vector_store %arg11[%swap3A_789], %max3A_786 {strides = array<i32>} : memref<4096xf32, #tpu.memory_space<vmem>>, vector<16xf32>,
        %min3A_791 = arith.minimumf %min3A_675, %max3A_777 : vector<16xf32>
        %min3A_792 = arith.minimumf %min3A_676, %max3A_786 : vector<16xf32>
        %mul3A_793 = arith.constant 128 : i32
        %mul3A_794 = arith.muli %scan3A_383, %mul3A_793 : i32
        %add3A_795 = arith.constant 112 : i32
        %add3A_796 = arith.addi %mul3A_794, %add3A_795 : i32
        %get3A_797 = arith.constant 0 : i32
        %get3A_798 = arith.index_cast %get3A_797 : i32 to index
        %get3A_799 = arith.index_cast %add3A_796 : i32 to index
        %get3A_800 = tpu.vector_load %arg7[%get3A_798, %get3A_799] {strides = array<i32>} : memref<3x4096xf32, #tpu.memory_space<vmem>>, vector<16xf32>,
        %get3A_801 = arith.constant 1 : i32
        %get3A_802 = arith.index_cast %get3A_801 : i32 to index
        %get3A_803 = arith.index_cast %add3A_796 : i32 to index
        %get3A_804 = tpu.vector_load %arg7[%get3A_802, %get3A_803] {strides = array<i32>} : memref<3x4096xf32, #tpu.memory_space<vmem>>, vector<16xf32>,
        %get3A_805 = arith.constant 2 : i32
        %get3A_806 = arith.index_cast %get3A_805 : i32 to index
        %get3A_807 = arith.index_cast %add3A_796 : i32 to index
        %get3A_808 = tpu.vector_load %arg7[%get3A_806, %get3A_807] {strides = array<i32>} : memref<3x4096xf32, #tpu.memory_space<vmem>>, vector<16xf32>,
        %get3A_809 = arith.index_cast %add3A_796 : i32 to index
        %get3A_810 = tpu.vector_load %arg8[%get3A_809] {strides = array<i32>} : memref<4096xf32, #tpu.memory_space<vmem>>, vector<16xf32>,
        %mul3A_811 = vector.broadcast %reduce_sum3A_159 : f32 to vector<16xf32>
        %mul3A_812 = arith.mulf %mul3A_811, %get3A_800 : vector<16xf32>
        %mul3A_813 = vector.broadcast %reduce_sum3A_177 : f32 to vector<16xf32>
        %mul3A_814 = arith.mulf %mul3A_813, %get3A_804 : vector<16xf32>
        %add3A_815 = arith.addf %mul3A_812, %mul3A_814 : vector<16xf32>
        %mul3A_816 = vector.broadcast %reduce_sum3A_195 : f32 to vector<16xf32>
        %mul3A_817 = arith.mulf %mul3A_816, %get3A_808 : vector<16xf32>
        %add3A_818 = arith.addf %add3A_815, %mul3A_817 : vector<16xf32>
        %mul3A_819 = vector.broadcast %reduce_sum3A_166 : f32 to vector<16xf32>
        %mul3A_820 = arith.mulf %mul3A_819, %get3A_800 : vector<16xf32>
        %mul3A_821 = vector.broadcast %reduce_sum3A_184 : f32 to vector<16xf32>
        %mul3A_822 = arith.mulf %mul3A_821, %get3A_804 : vector<16xf32>
        %add3A_823 = arith.addf %mul3A_820, %mul3A_822 : vector<16xf32>
        %mul3A_824 = vector.broadcast %reduce_sum3A_202 : f32 to vector<16xf32>
        %mul3A_825 = arith.mulf %mul3A_824, %get3A_808 : vector<16xf32>
        %add3A_826 = arith.addf %add3A_823, %mul3A_825 : vector<16xf32>
        %add3A_827 = vector.broadcast %select_n3A_229 : f32 to vector<16xf32>
        %add3A_828 = arith.addf %add3A_827, %get3A_810 : vector<16xf32>
        %mul3A_829 = arith.constant 2.000000e+00 : f32
        %mul3A_830 = vector.broadcast %mul3A_829 : f32 to vector<16xf32>
        %mul3A_831 = arith.mulf %mul3A_830, %add3A_818 : vector<16xf32>
        %sub3A_832 = arith.subf %add3A_828, %mul3A_831 : vector<16xf32>
        %max3A_833 = arith.constant 0.000000e+00 : f32
        %max3A_834 = vector.broadcast %max3A_833 : f32 to vector<16xf32>
        %max3A_835 = arith.maximumf %sub3A_832, %max3A_834 : vector<16xf32>
        %add3A_836 = vector.broadcast %select_n3A_233 : f32 to vector<16xf32>
        %add3A_837 = arith.addf %add3A_836, %get3A_810 : vector<16xf32>
        %mul3A_838 = arith.constant 2.000000e+00 : f32
        %mul3A_839 = vector.broadcast %mul3A_838 : f32 to vector<16xf32>
        %mul3A_840 = arith.mulf %mul3A_839, %add3A_826 : vector<16xf32>
        %sub3A_841 = arith.subf %add3A_837, %mul3A_840 : vector<16xf32>
        %max3A_842 = arith.constant 0.000000e+00 : f32
        %max3A_843 = vector.broadcast %max3A_842 : f32 to vector<16xf32>
        %max3A_844 = arith.maximumf %sub3A_841, %max3A_843 : vector<16xf32>
        %swap3A_845 = arith.index_cast %add3A_796 : i32 to index
        %swap3A_846 = tpu.vector_load %arg10[%swap3A_845] {strides = array<i32>} : memref<4096xf32, #tpu.memory_space<vmem>>, vector<16xf32>,
        tpu.vector_store %arg10[%swap3A_845], %max3A_835 {strides = array<i32>} : memref<4096xf32, #tpu.memory_space<vmem>>, vector<16xf32>,
        %swap3A_847 = arith.index_cast %add3A_796 : i32 to index
        %swap3A_848 = tpu.vector_load %arg11[%swap3A_847] {strides = array<i32>} : memref<4096xf32, #tpu.memory_space<vmem>>, vector<16xf32>,
        tpu.vector_store %arg11[%swap3A_847], %max3A_844 {strides = array<i32>} : memref<4096xf32, #tpu.memory_space<vmem>>, vector<16xf32>,
        %min3A_849 = arith.minimumf %min3A_733, %max3A_835 : vector<16xf32>
        %min3A_850 = arith.minimumf %min3A_734, %max3A_844 : vector<16xf32>
        scf.yield %min3A_791, %min3A_849, %min3A_792, %min3A_850 : vector<16xf32>, vector<16xf32>, vector<16xf32>, vector<16xf32>
      }
      %scan3A_241 = arith.constant 32 : i32
      %max3A = arith.maximumf %scan3A_240#0, %scan3A_240#1 : vector<16xf32>
      %reduce_max3A_242 = arith.constant true
      %reduce_max3A_243 = vector.broadcast %reduce_max3A_242 : i1 to vector<16xi1>
      %reduce_max3A_244 = tpu.scan <max>, %max3A masked %reduce_max3A_243 : vector<16xf32>, vector<16xi1> -> vector<16xf32>
      %reduce_max3A_245 = vector.extract %reduce_max3A_244[15] : f32 from vector<16xf32>
      %max3A_246 = arith.maximumf %scan3A_240#2, %scan3A_240#3 : vector<16xf32>
      %reduce_max3A_247 = arith.constant true
      %reduce_max3A_248 = vector.broadcast %reduce_max3A_247 : i1 to vector<16xi1>
      %reduce_max3A_249 = tpu.scan <max>, %max3A_246 masked %reduce_max3A_248 : vector<16xf32>, vector<16xi1> -> vector<16xf32>
      %reduce_max3A_250 = vector.extract %reduce_max3A_249[15] : f32 from vector<16xf32>
      %scan3A_251 = arith.constant 0 : i32
      %scan3A_252 = arith.constant 0 : i32
      %scan3A_253 = arith.constant 0 : i32
      %scan3A_254 = arith.constant 64 : i32
      %scan3A_255 = arith.addi %scan3A_253, %scan3A_254 : i32
      %scan3A_256 = arith.constant 1 : i32
      %scan3A_257:2 = scf.for %scan3A_383 = %scan3A_253 to %scan3A_255 step %scan3A_256 iter_args(%scan3A_384 = %scan3A_251, %scan3A_385 = %scan3A_252) -> (i32, i32)  : i32 {
        %mul3A_386 = arith.constant 64 : i32
        %mul3A_387 = arith.muli %scan3A_383, %mul3A_386 : i32
        %add3A_388 = arith.constant 0 : i32
        %add3A_389 = arith.addi %mul3A_387, %add3A_388 : i32
        %get3A_390 = arith.index_cast %add3A_389 : i32 to index
        %get3A_391 = tpu.vector_load %arg10[%get3A_390] {strides = array<i32>} : memref<4096xf32, #tpu.memory_space<vmem>>, vector<16xf32>,
        %get3A_392 = arith.index_cast %add3A_389 : i32 to index
        %get3A_393 = tpu.vector_load %arg11[%get3A_392] {strides = array<i32>} : memref<4096xf32, #tpu.memory_space<vmem>>, vector<16xf32>,
        %le3A_394 = vector.broadcast %reduce_max3A_245 : f32 to vector<16xf32>
        %le3A_395 = arith.cmpf ole, %get3A_391, %le3A_394 : vector<16xf32>
        %lt3A_396 = arith.constant 0x7F800000 : f32
        %lt3A_397 = vector.broadcast %lt3A_396 : f32 to vector<16xf32>
        %lt3A_398 = arith.cmpf olt, %get3A_391, %lt3A_397 : vector<16xf32>
        %and3A_399 = arith.andi %le3A_395, %lt3A_398 : vector<16xi1>
        %le3A_400 = vector.broadcast %reduce_max3A_250 : f32 to vector<16xf32>
        %le3A_401 = arith.cmpf ole, %get3A_393, %le3A_400 : vector<16xf32>
        %lt3A_402 = arith.constant 0x7F800000 : f32
        %lt3A_403 = vector.broadcast %lt3A_402 : f32 to vector<16xf32>
        %lt3A_404 = arith.cmpf olt, %get3A_393, %lt3A_403 : vector<16xf32>
        %and3A_405 = arith.andi %le3A_401, %lt3A_404 : vector<16xi1>
        %all_reduce_population_count3A = tpu.all_reduce %and3A_399 {dim = 0 : i64, kind = #tpu.reduction_kind<sum>} : vector<16xi1> -> vector<16xi32>
        %slice3A = vector.extract_strided_slice %all_reduce_population_count3A {offsets = [0], sizes = [1], strides = [1]} : vector<16xi32> to vector<1xi32>
        %squeeze3A = vector.extract %slice3A[0] : i32 from vector<1xi32>
        %all_reduce_population_count3A_406 = tpu.all_reduce %and3A_405 {dim = 0 : i64, kind = #tpu.reduction_kind<sum>} : vector<16xi1> -> vector<16xi32>
        %slice3A_407 = vector.extract_strided_slice %all_reduce_population_count3A_406 {offsets = [0], sizes = [1], strides = [1]} : vector<16xi32> to vector<1xi32>
        %squeeze3A_408 = vector.extract %slice3A_407[0] : i32 from vector<1xi32>
        %swap3A_409 = arith.index_cast %scan3A_384 : i32 to index
        %swap3A_410 = tpu.vector_load %arg12[%swap3A_409] masked %and3A_399 {strides = array<i32>} : memref<1024xf32, #tpu.memory_space<vmem>>, vector<16xf32>, vector<16xi1>
        tpu.vector_store %arg12[%swap3A_409], %get3A_391 masked %and3A_399 {strides = array<i32>} : memref<1024xf32, #tpu.memory_space<vmem>>, vector<16xf32>, vector<16xi1>
        %add3A_411 = vector.broadcast %add3A_389 : i32 to vector<16xi32>
        %add3A_412 = arith.addi %iota3A, %add3A_411 : vector<16xi32>
        %swap3A_413 = arith.index_cast %scan3A_384 : i32 to index
        %swap3A_414 = tpu.vector_load %arg13[%swap3A_413] masked %and3A_399 {strides = array<i32>} : memref<1024xi32, #tpu.memory_space<vmem>>, vector<16xi32>, vector<16xi1>
        tpu.vector_store %arg13[%swap3A_413], %add3A_412 masked %and3A_399 {strides = array<i32>} : memref<1024xi32, #tpu.memory_space<vmem>>, vector<16xi32>, vector<16xi1>
        %swap3A_415 = arith.index_cast %scan3A_385 : i32 to index
        %swap3A_416 = tpu.vector_load %arg14[%swap3A_415] masked %and3A_405 {strides = array<i32>} : memref<1024xf32, #tpu.memory_space<vmem>>, vector<16xf32>, vector<16xi1>
        tpu.vector_store %arg14[%swap3A_415], %get3A_393 masked %and3A_405 {strides = array<i32>} : memref<1024xf32, #tpu.memory_space<vmem>>, vector<16xf32>, vector<16xi1>
        %add3A_417 = vector.broadcast %add3A_389 : i32 to vector<16xi32>
        %add3A_418 = arith.addi %iota3A, %add3A_417 : vector<16xi32>
        %swap3A_419 = arith.index_cast %scan3A_385 : i32 to index
        %swap3A_420 = tpu.vector_load %arg15[%swap3A_419] masked %and3A_405 {strides = array<i32>} : memref<1024xi32, #tpu.memory_space<vmem>>, vector<16xi32>, vector<16xi1>
        tpu.vector_store %arg15[%swap3A_419], %add3A_418 masked %and3A_405 {strides = array<i32>} : memref<1024xi32, #tpu.memory_space<vmem>>, vector<16xi32>, vector<16xi1>
        %add3A_421 = arith.addi %scan3A_384, %squeeze3A : i32
        %min3A = arith.constant 1008 : i32
        %min3A_422 = arith.minsi %add3A_421, %min3A : i32
        %add3A_423 = arith.addi %scan3A_385, %squeeze3A_408 : i32
        %min3A_424 = arith.constant 1008 : i32
        %min3A_425 = arith.minsi %add3A_423, %min3A_424 : i32
        %mul3A_426 = arith.constant 64 : i32
        %mul3A_427 = arith.muli %scan3A_383, %mul3A_426 : i32
        %add3A_428 = arith.constant 16 : i32
        %add3A_429 = arith.addi %mul3A_427, %add3A_428 : i32
        %get3A_430 = arith.index_cast %add3A_429 : i32 to index
        %get3A_431 = tpu.vector_load %arg10[%get3A_430] {strides = array<i32>} : memref<4096xf32, #tpu.memory_space<vmem>>, vector<16xf32>,
        %get3A_432 = arith.index_cast %add3A_429 : i32 to index
        %get3A_433 = tpu.vector_load %arg11[%get3A_432] {strides = array<i32>} : memref<4096xf32, #tpu.memory_space<vmem>>, vector<16xf32>,
        %le3A_434 = vector.broadcast %reduce_max3A_245 : f32 to vector<16xf32>
        %le3A_435 = arith.cmpf ole, %get3A_431, %le3A_434 : vector<16xf32>
        %lt3A_436 = arith.constant 0x7F800000 : f32
        %lt3A_437 = vector.broadcast %lt3A_436 : f32 to vector<16xf32>
        %lt3A_438 = arith.cmpf olt, %get3A_431, %lt3A_437 : vector<16xf32>
        %and3A_439 = arith.andi %le3A_435, %lt3A_438 : vector<16xi1>
        %le3A_440 = vector.broadcast %reduce_max3A_250 : f32 to vector<16xf32>
        %le3A_441 = arith.cmpf ole, %get3A_433, %le3A_440 : vector<16xf32>
        %lt3A_442 = arith.constant 0x7F800000 : f32
        %lt3A_443 = vector.broadcast %lt3A_442 : f32 to vector<16xf32>
        %lt3A_444 = arith.cmpf olt, %get3A_433, %lt3A_443 : vector<16xf32>
        %and3A_445 = arith.andi %le3A_441, %lt3A_444 : vector<16xi1>
        %all_reduce_population_count3A_446 = tpu.all_reduce %and3A_439 {dim = 0 : i64, kind = #tpu.reduction_kind<sum>} : vector<16xi1> -> vector<16xi32>
        %slice3A_447 = vector.extract_strided_slice %all_reduce_population_count3A_446 {offsets = [0], sizes = [1], strides = [1]} : vector<16xi32> to vector<1xi32>
        %squeeze3A_448 = vector.extract %slice3A_447[0] : i32 from vector<1xi32>
        %all_reduce_population_count3A_449 = tpu.all_reduce %and3A_445 {dim = 0 : i64, kind = #tpu.reduction_kind<sum>} : vector<16xi1> -> vector<16xi32>
        %slice3A_450 = vector.extract_strided_slice %all_reduce_population_count3A_449 {offsets = [0], sizes = [1], strides = [1]} : vector<16xi32> to vector<1xi32>
        %squeeze3A_451 = vector.extract %slice3A_450[0] : i32 from vector<1xi32>
        %swap3A_452 = arith.index_cast %min3A_422 : i32 to index
        %swap3A_453 = tpu.vector_load %arg12[%swap3A_452] masked %and3A_439 {strides = array<i32>} : memref<1024xf32, #tpu.memory_space<vmem>>, vector<16xf32>, vector<16xi1>
        tpu.vector_store %arg12[%swap3A_452], %get3A_431 masked %and3A_439 {strides = array<i32>} : memref<1024xf32, #tpu.memory_space<vmem>>, vector<16xf32>, vector<16xi1>
        %add3A_454 = vector.broadcast %add3A_429 : i32 to vector<16xi32>
        %add3A_455 = arith.addi %iota3A, %add3A_454 : vector<16xi32>
        %swap3A_456 = arith.index_cast %min3A_422 : i32 to index
        %swap3A_457 = tpu.vector_load %arg13[%swap3A_456] masked %and3A_439 {strides = array<i32>} : memref<1024xi32, #tpu.memory_space<vmem>>, vector<16xi32>, vector<16xi1>
        tpu.vector_store %arg13[%swap3A_456], %add3A_455 masked %and3A_439 {strides = array<i32>} : memref<1024xi32, #tpu.memory_space<vmem>>, vector<16xi32>, vector<16xi1>
        %swap3A_458 = arith.index_cast %min3A_425 : i32 to index
        %swap3A_459 = tpu.vector_load %arg14[%swap3A_458] masked %and3A_445 {strides = array<i32>} : memref<1024xf32, #tpu.memory_space<vmem>>, vector<16xf32>, vector<16xi1>
        tpu.vector_store %arg14[%swap3A_458], %get3A_433 masked %and3A_445 {strides = array<i32>} : memref<1024xf32, #tpu.memory_space<vmem>>, vector<16xf32>, vector<16xi1>
        %add3A_460 = vector.broadcast %add3A_429 : i32 to vector<16xi32>
        %add3A_461 = arith.addi %iota3A, %add3A_460 : vector<16xi32>
        %swap3A_462 = arith.index_cast %min3A_425 : i32 to index
        %swap3A_463 = tpu.vector_load %arg15[%swap3A_462] masked %and3A_445 {strides = array<i32>} : memref<1024xi32, #tpu.memory_space<vmem>>, vector<16xi32>, vector<16xi1>
        tpu.vector_store %arg15[%swap3A_462], %add3A_461 masked %and3A_445 {strides = array<i32>} : memref<1024xi32, #tpu.memory_space<vmem>>, vector<16xi32>, vector<16xi1>
        %add3A_464 = arith.addi %min3A_422, %squeeze3A_448 : i32
        %min3A_465 = arith.constant 1008 : i32
        %min3A_466 = arith.minsi %add3A_464, %min3A_465 : i32
        %add3A_467 = arith.addi %min3A_425, %squeeze3A_451 : i32
        %min3A_468 = arith.constant 1008 : i32
        %min3A_469 = arith.minsi %add3A_467, %min3A_468 : i32
        %mul3A_470 = arith.constant 64 : i32
        %mul3A_471 = arith.muli %scan3A_383, %mul3A_470 : i32
        %add3A_472 = arith.constant 32 : i32
        %add3A_473 = arith.addi %mul3A_471, %add3A_472 : i32
        %get3A_474 = arith.index_cast %add3A_473 : i32 to index
        %get3A_475 = tpu.vector_load %arg10[%get3A_474] {strides = array<i32>} : memref<4096xf32, #tpu.memory_space<vmem>>, vector<16xf32>,
        %get3A_476 = arith.index_cast %add3A_473 : i32 to index
        %get3A_477 = tpu.vector_load %arg11[%get3A_476] {strides = array<i32>} : memref<4096xf32, #tpu.memory_space<vmem>>, vector<16xf32>,
        %le3A_478 = vector.broadcast %reduce_max3A_245 : f32 to vector<16xf32>
        %le3A_479 = arith.cmpf ole, %get3A_475, %le3A_478 : vector<16xf32>
        %lt3A_480 = arith.constant 0x7F800000 : f32
        %lt3A_481 = vector.broadcast %lt3A_480 : f32 to vector<16xf32>
        %lt3A_482 = arith.cmpf olt, %get3A_475, %lt3A_481 : vector<16xf32>
        %and3A_483 = arith.andi %le3A_479, %lt3A_482 : vector<16xi1>
        %le3A_484 = vector.broadcast %reduce_max3A_250 : f32 to vector<16xf32>
        %le3A_485 = arith.cmpf ole, %get3A_477, %le3A_484 : vector<16xf32>
        %lt3A_486 = arith.constant 0x7F800000 : f32
        %lt3A_487 = vector.broadcast %lt3A_486 : f32 to vector<16xf32>
        %lt3A_488 = arith.cmpf olt, %get3A_477, %lt3A_487 : vector<16xf32>
        %and3A_489 = arith.andi %le3A_485, %lt3A_488 : vector<16xi1>
        %all_reduce_population_count3A_490 = tpu.all_reduce %and3A_483 {dim = 0 : i64, kind = #tpu.reduction_kind<sum>} : vector<16xi1> -> vector<16xi32>
        %slice3A_491 = vector.extract_strided_slice %all_reduce_population_count3A_490 {offsets = [0], sizes = [1], strides = [1]} : vector<16xi32> to vector<1xi32>
        %squeeze3A_492 = vector.extract %slice3A_491[0] : i32 from vector<1xi32>
        %all_reduce_population_count3A_493 = tpu.all_reduce %and3A_489 {dim = 0 : i64, kind = #tpu.reduction_kind<sum>} : vector<16xi1> -> vector<16xi32>
        %slice3A_494 = vector.extract_strided_slice %all_reduce_population_count3A_493 {offsets = [0], sizes = [1], strides = [1]} : vector<16xi32> to vector<1xi32>
        %squeeze3A_495 = vector.extract %slice3A_494[0] : i32 from vector<1xi32>
        %swap3A_496 = arith.index_cast %min3A_466 : i32 to index
        %swap3A_497 = tpu.vector_load %arg12[%swap3A_496] masked %and3A_483 {strides = array<i32>} : memref<1024xf32, #tpu.memory_space<vmem>>, vector<16xf32>, vector<16xi1>
        tpu.vector_store %arg12[%swap3A_496], %get3A_475 masked %and3A_483 {strides = array<i32>} : memref<1024xf32, #tpu.memory_space<vmem>>, vector<16xf32>, vector<16xi1>
        %add3A_498 = vector.broadcast %add3A_473 : i32 to vector<16xi32>
        %add3A_499 = arith.addi %iota3A, %add3A_498 : vector<16xi32>
        %swap3A_500 = arith.index_cast %min3A_466 : i32 to index
        %swap3A_501 = tpu.vector_load %arg13[%swap3A_500] masked %and3A_483 {strides = array<i32>} : memref<1024xi32, #tpu.memory_space<vmem>>, vector<16xi32>, vector<16xi1>
        tpu.vector_store %arg13[%swap3A_500], %add3A_499 masked %and3A_483 {strides = array<i32>} : memref<1024xi32, #tpu.memory_space<vmem>>, vector<16xi32>, vector<16xi1>
        %swap3A_502 = arith.index_cast %min3A_469 : i32 to index
        %swap3A_503 = tpu.vector_load %arg14[%swap3A_502] masked %and3A_489 {strides = array<i32>} : memref<1024xf32, #tpu.memory_space<vmem>>, vector<16xf32>, vector<16xi1>
        tpu.vector_store %arg14[%swap3A_502], %get3A_477 masked %and3A_489 {strides = array<i32>} : memref<1024xf32, #tpu.memory_space<vmem>>, vector<16xf32>, vector<16xi1>
        %add3A_504 = vector.broadcast %add3A_473 : i32 to vector<16xi32>
        %add3A_505 = arith.addi %iota3A, %add3A_504 : vector<16xi32>
        %swap3A_506 = arith.index_cast %min3A_469 : i32 to index
        %swap3A_507 = tpu.vector_load %arg15[%swap3A_506] masked %and3A_489 {strides = array<i32>} : memref<1024xi32, #tpu.memory_space<vmem>>, vector<16xi32>, vector<16xi1>
        tpu.vector_store %arg15[%swap3A_506], %add3A_505 masked %and3A_489 {strides = array<i32>} : memref<1024xi32, #tpu.memory_space<vmem>>, vector<16xi32>, vector<16xi1>
        %add3A_508 = arith.addi %min3A_466, %squeeze3A_492 : i32
        %min3A_509 = arith.constant 1008 : i32
        %min3A_510 = arith.minsi %add3A_508, %min3A_509 : i32
        %add3A_511 = arith.addi %min3A_469, %squeeze3A_495 : i32
        %min3A_512 = arith.constant 1008 : i32
        %min3A_513 = arith.minsi %add3A_511, %min3A_512 : i32
        %mul3A_514 = arith.constant 64 : i32
        %mul3A_515 = arith.muli %scan3A_383, %mul3A_514 : i32
        %add3A_516 = arith.constant 48 : i32
        %add3A_517 = arith.addi %mul3A_515, %add3A_516 : i32
        %get3A_518 = arith.index_cast %add3A_517 : i32 to index
        %get3A_519 = tpu.vector_load %arg10[%get3A_518] {strides = array<i32>} : memref<4096xf32, #tpu.memory_space<vmem>>, vector<16xf32>,
        %get3A_520 = arith.index_cast %add3A_517 : i32 to index
        %get3A_521 = tpu.vector_load %arg11[%get3A_520] {strides = array<i32>} : memref<4096xf32, #tpu.memory_space<vmem>>, vector<16xf32>,
        %le3A_522 = vector.broadcast %reduce_max3A_245 : f32 to vector<16xf32>
        %le3A_523 = arith.cmpf ole, %get3A_519, %le3A_522 : vector<16xf32>
        %lt3A_524 = arith.constant 0x7F800000 : f32
        %lt3A_525 = vector.broadcast %lt3A_524 : f32 to vector<16xf32>
        %lt3A_526 = arith.cmpf olt, %get3A_519, %lt3A_525 : vector<16xf32>
        %and3A_527 = arith.andi %le3A_523, %lt3A_526 : vector<16xi1>
        %le3A_528 = vector.broadcast %reduce_max3A_250 : f32 to vector<16xf32>
        %le3A_529 = arith.cmpf ole, %get3A_521, %le3A_528 : vector<16xf32>
        %lt3A_530 = arith.constant 0x7F800000 : f32
        %lt3A_531 = vector.broadcast %lt3A_530 : f32 to vector<16xf32>
        %lt3A_532 = arith.cmpf olt, %get3A_521, %lt3A_531 : vector<16xf32>
        %and3A_533 = arith.andi %le3A_529, %lt3A_532 : vector<16xi1>
        %all_reduce_population_count3A_534 = tpu.all_reduce %and3A_527 {dim = 0 : i64, kind = #tpu.reduction_kind<sum>} : vector<16xi1> -> vector<16xi32>
        %slice3A_535 = vector.extract_strided_slice %all_reduce_population_count3A_534 {offsets = [0], sizes = [1], strides = [1]} : vector<16xi32> to vector<1xi32>
        %squeeze3A_536 = vector.extract %slice3A_535[0] : i32 from vector<1xi32>
        %all_reduce_population_count3A_537 = tpu.all_reduce %and3A_533 {dim = 0 : i64, kind = #tpu.reduction_kind<sum>} : vector<16xi1> -> vector<16xi32>
        %slice3A_538 = vector.extract_strided_slice %all_reduce_population_count3A_537 {offsets = [0], sizes = [1], strides = [1]} : vector<16xi32> to vector<1xi32>
        %squeeze3A_539 = vector.extract %slice3A_538[0] : i32 from vector<1xi32>
        %swap3A_540 = arith.index_cast %min3A_510 : i32 to index
        %swap3A_541 = tpu.vector_load %arg12[%swap3A_540] masked %and3A_527 {strides = array<i32>} : memref<1024xf32, #tpu.memory_space<vmem>>, vector<16xf32>, vector<16xi1>
        tpu.vector_store %arg12[%swap3A_540], %get3A_519 masked %and3A_527 {strides = array<i32>} : memref<1024xf32, #tpu.memory_space<vmem>>, vector<16xf32>, vector<16xi1>
        %add3A_542 = vector.broadcast %add3A_517 : i32 to vector<16xi32>
        %add3A_543 = arith.addi %iota3A, %add3A_542 : vector<16xi32>
        %swap3A_544 = arith.index_cast %min3A_510 : i32 to index
        %swap3A_545 = tpu.vector_load %arg13[%swap3A_544] masked %and3A_527 {strides = array<i32>} : memref<1024xi32, #tpu.memory_space<vmem>>, vector<16xi32>, vector<16xi1>
        tpu.vector_store %arg13[%swap3A_544], %add3A_543 masked %and3A_527 {strides = array<i32>} : memref<1024xi32, #tpu.memory_space<vmem>>, vector<16xi32>, vector<16xi1>
        %swap3A_546 = arith.index_cast %min3A_513 : i32 to index
        %swap3A_547 = tpu.vector_load %arg14[%swap3A_546] masked %and3A_533 {strides = array<i32>} : memref<1024xf32, #tpu.memory_space<vmem>>, vector<16xf32>, vector<16xi1>
        tpu.vector_store %arg14[%swap3A_546], %get3A_521 masked %and3A_533 {strides = array<i32>} : memref<1024xf32, #tpu.memory_space<vmem>>, vector<16xf32>, vector<16xi1>
        %add3A_548 = vector.broadcast %add3A_517 : i32 to vector<16xi32>
        %add3A_549 = arith.addi %iota3A, %add3A_548 : vector<16xi32>
        %swap3A_550 = arith.index_cast %min3A_513 : i32 to index
        %swap3A_551 = tpu.vector_load %arg15[%swap3A_550] masked %and3A_533 {strides = array<i32>} : memref<1024xi32, #tpu.memory_space<vmem>>, vector<16xi32>, vector<16xi1>
        tpu.vector_store %arg15[%swap3A_550], %add3A_549 masked %and3A_533 {strides = array<i32>} : memref<1024xi32, #tpu.memory_space<vmem>>, vector<16xi32>, vector<16xi1>
        %add3A_552 = arith.addi %min3A_510, %squeeze3A_536 : i32
        %min3A_553 = arith.constant 1008 : i32
        %min3A_554 = arith.minsi %add3A_552, %min3A_553 : i32
        %add3A_555 = arith.addi %min3A_513, %squeeze3A_539 : i32
        %min3A_556 = arith.constant 1008 : i32
        %min3A_557 = arith.minsi %add3A_555, %min3A_556 : i32
        scf.yield %min3A_554, %min3A_557 : i32, i32
      }
      %scan3A_258 = arith.constant 64 : i32
      %add3A_259 = arith.constant 15 : i32
      %add3A_260 = arith.addi %scan3A_257#0, %add3A_259 : i32
      %jit3A_261 = arith.constant 16 : i32
      %div3A_262 = arith.divsi %add3A_260, %jit3A_261 : i32
      %sign3A_263 = arith.constant 0 : i32
      %sign3A_264 = arith.cmpi sgt, %add3A_260, %sign3A_263 : i32
      %sign3A_265 = arith.extui %sign3A_264 : i1 to i32
      %sign3A_266 = arith.constant 0 : i32
      %sign3A_267 = arith.cmpi slt, %add3A_260, %sign3A_266 : i32
      %sign3A_268 = arith.extui %sign3A_267 : i1 to i32
      %sign3A_269 = arith.subi %sign3A_265, %sign3A_268 : i32
      %sign3A_270 = arith.constant 0 : i32
      %sign3A_271 = arith.cmpi sgt, %jit3A_261, %sign3A_270 : i32
      %sign3A_272 = arith.extui %sign3A_271 : i1 to i32
      %sign3A_273 = arith.constant 0 : i32
      %sign3A_274 = arith.cmpi slt, %jit3A_261, %sign3A_273 : i32
      %sign3A_275 = arith.extui %sign3A_274 : i1 to i32
      %sign3A_276 = arith.subi %sign3A_272, %sign3A_275 : i32
      %ne3A_277 = arith.cmpi ne, %sign3A_269, %sign3A_276 : i32
      %rem3A_278 = arith.remsi %add3A_260, %jit3A_261 : i32
      %ne3A_279 = arith.constant 0 : i32
      %ne3A_280 = arith.cmpi ne, %rem3A_278, %ne3A_279 : i32
      %and3A_281 = arith.andi %ne3A_277, %ne3A_280 : i1
      %sub3A_282 = arith.constant 1 : i32
      %sub3A_283 = arith.subi %div3A_262, %sub3A_282 : i32
      %select_n3A_284 = arith.select %and3A_281, %sub3A_283, %div3A_262 : i32
      %add3A_285 = arith.constant 15 : i32
      %add3A_286 = arith.addi %scan3A_257#1, %add3A_285 : i32
      %jit3A_287 = arith.constant 16 : i32
      %div3A_288 = arith.divsi %add3A_286, %jit3A_287 : i32
      %sign3A_289 = arith.constant 0 : i32
      %sign3A_290 = arith.cmpi sgt, %add3A_286, %sign3A_289 : i32
      %sign3A_291 = arith.extui %sign3A_290 : i1 to i32
      %sign3A_292 = arith.constant 0 : i32
      %sign3A_293 = arith.cmpi slt, %add3A_286, %sign3A_292 : i32
      %sign3A_294 = arith.extui %sign3A_293 : i1 to i32
      %sign3A_295 = arith.subi %sign3A_291, %sign3A_294 : i32
      %sign3A_296 = arith.constant 0 : i32
      %sign3A_297 = arith.cmpi sgt, %jit3A_287, %sign3A_296 : i32
      %sign3A_298 = arith.extui %sign3A_297 : i1 to i32
      %sign3A_299 = arith.constant 0 : i32
      %sign3A_300 = arith.cmpi slt, %jit3A_287, %sign3A_299 : i32
      %sign3A_301 = arith.extui %sign3A_300 : i1 to i32
      %sign3A_302 = arith.subi %sign3A_298, %sign3A_301 : i32
      %ne3A_303 = arith.cmpi ne, %sign3A_295, %sign3A_302 : i32
      %rem3A_304 = arith.remsi %add3A_286, %jit3A_287 : i32
      %ne3A_305 = arith.constant 0 : i32
      %ne3A_306 = arith.cmpi ne, %rem3A_304, %ne3A_305 : i32
      %and3A_307 = arith.andi %ne3A_303, %ne3A_306 : i1
      %sub3A_308 = arith.constant 1 : i32
      %sub3A_309 = arith.subi %div3A_288, %sub3A_308 : i32
      %select_n3A_310 = arith.select %and3A_307, %sub3A_309, %div3A_288 : i32
      %max3A_311 = arith.maxsi %select_n3A_284, %select_n3A_310 : i32
      %broadcast_in_dim3A_312 = arith.constant 0 : i32
      %broadcast_in_dim3A_313 = vector.broadcast %broadcast_in_dim3A_312 : i32 to vector<16xi32>
      %broadcast_in_dim3A_314 = arith.constant 0.000000e+00 : f32
      %broadcast_in_dim3A_315 = vector.broadcast %broadcast_in_dim3A_314 : f32 to vector<16xf32>
      %scan3A_316 = arith.constant 0 : i32
      %scan3A_317 = arith.constant 32 : i32
      %scan3A_318 = arith.addi %scan3A_316, %scan3A_317 : i32
      %scan3A_319 = arith.constant 1 : i32
      %scan3A_320:10 = scf.for %scan3A_383 = %scan3A_316 to %scan3A_318 step %scan3A_319 iter_args(%scan3A_384 = %broadcast_in_dim3A_313, %scan3A_385 = %broadcast_in_dim3A_313, %scan3A_386 = %broadcast_in_dim3A_315, %scan3A_387 = %broadcast_in_dim3A_315, %scan3A_388 = %broadcast_in_dim3A_313, %scan3A_389 = %broadcast_in_dim3A_313, %scan3A_390 = %broadcast_in_dim3A_313, %scan3A_391 = %broadcast_in_dim3A_315, %scan3A_392 = %broadcast_in_dim3A_315, %scan3A_393 = %broadcast_in_dim3A_313) -> (vector<16xi32>, vector<16xi32>, vector<16xf32>, vector<16xf32>, vector<16xi32>, vector<16xi32>, vector<16xi32>, vector<16xf32>, vector<16xf32>, vector<16xi32>)  : i32 {
        %broadcast_in_dim3A_394 = arith.constant 1073741824 : i32
        %broadcast_in_dim3A_395 = vector.broadcast %broadcast_in_dim3A_394 : i32 to vector<16xi32>
        %add3A_396 = arith.constant 3 : i32
        %add3A_397 = arith.addi %max3A_311, %add3A_396 : i32
        %jit3A_398 = arith.constant 4 : i32
        %div3A_399 = arith.divsi %add3A_397, %jit3A_398 : i32
        %sign3A_400 = arith.constant 0 : i32
        %sign3A_401 = arith.cmpi sgt, %add3A_397, %sign3A_400 : i32
        %sign3A_402 = arith.extui %sign3A_401 : i1 to i32
        %sign3A_403 = arith.constant 0 : i32
        %sign3A_404 = arith.cmpi slt, %add3A_397, %sign3A_403 : i32
        %sign3A_405 = arith.extui %sign3A_404 : i1 to i32
        %sign3A_406 = arith.subi %sign3A_402, %sign3A_405 : i32
        %sign3A_407 = arith.constant 0 : i32
        %sign3A_408 = arith.cmpi sgt, %jit3A_398, %sign3A_407 : i32
        %sign3A_409 = arith.extui %sign3A_408 : i1 to i32
        %sign3A_410 = arith.constant 0 : i32
        %sign3A_411 = arith.cmpi slt, %jit3A_398, %sign3A_410 : i32
        %sign3A_412 = arith.extui %sign3A_411 : i1 to i32
        %sign3A_413 = arith.subi %sign3A_409, %sign3A_412 : i32
        %ne3A_414 = arith.cmpi ne, %sign3A_406, %sign3A_413 : i32
        %rem3A_415 = arith.remsi %add3A_397, %jit3A_398 : i32
        %ne3A_416 = arith.constant 0 : i32
        %ne3A_417 = arith.cmpi ne, %rem3A_415, %ne3A_416 : i32
        %and3A_418 = arith.andi %ne3A_414, %ne3A_417 : i1
        %sub3A_419 = arith.constant 1 : i32
        %sub3A_420 = arith.subi %div3A_399, %sub3A_419 : i32
        %select_n3A_421 = arith.select %and3A_418, %sub3A_420, %div3A_399 : i32
        %while3A_422 = arith.constant 0 : i32
        %while3A_423 = arith.subi %select_n3A_421, %while3A_422 : i32
        %while3A_424 = arith.addi %while3A_422, %while3A_423 : i32
        %while3A_425 = arith.constant 1 : i32
        %while3A_426 = arith.divsi %while3A_423, %while3A_425 : i32
        %while3A_427 = arith.muli %while3A_426, %while3A_425 : i32
        %while3A_428 = arith.addi %while3A_422, %while3A_427 : i32
        %while3A_429 = arith.constant 1 : i32
        %while3A_430:4 = scf.for %while3A_572 = %while3A_422 to %while3A_428 step %while3A_429 iter_args(%while3A_573 = %broadcast_in_dim3A_235, %while3A_574 = %broadcast_in_dim3A_395, %while3A_575 = %broadcast_in_dim3A_235, %while3A_576 = %broadcast_in_dim3A_395) -> (vector<16xf32>, vector<16xi32>, vector<16xf32>, vector<16xi32>)  : i32 {
          %mul3A_577 = arith.constant 4 : i32
          %mul3A_578 = arith.muli %while3A_572, %mul3A_577 : i32
          %add3A_579 = arith.constant 0 : i32
          %add3A_580 = arith.addi %mul3A_578, %add3A_579 : i32
          %mul3A_581 = arith.constant 16 : i32
          %mul3A_582 = arith.muli %add3A_580, %mul3A_581 : i32
          %get3A_583 = arith.index_cast %mul3A_582 : i32 to index
          %get3A_584 = tpu.vector_load %arg12[%get3A_583] {strides = array<i32>} : memref<1024xf32, #tpu.memory_space<vmem>>, vector<16xf32>,
          %mul3A_585 = arith.constant 16 : i32
          %mul3A_586 = arith.muli %add3A_580, %mul3A_585 : i32
          %get3A_587 = arith.index_cast %mul3A_586 : i32 to index
          %get3A_588 = tpu.vector_load %arg14[%get3A_587] {strides = array<i32>} : memref<1024xf32, #tpu.memory_space<vmem>>, vector<16xf32>,
          %mul3A_589 = arith.constant 16 : i32
          %mul3A_590 = arith.muli %add3A_580, %mul3A_589 : i32
          %add3A_591 = vector.broadcast %mul3A_590 : i32 to vector<16xi32>
          %add3A_592 = arith.addi %iota3A, %add3A_591 : vector<16xi32>
          %lt3A_593 = arith.cmpf olt, %get3A_584, %while3A_573 : vector<16xf32>
          %lt3A_594 = arith.cmpf olt, %get3A_588, %while3A_575 : vector<16xf32>
          %select_n3A_595 = arith.select %lt3A_593, %get3A_584, %while3A_573 : vector<16xi1>, vector<16xf32>
          %select_n3A_596 = arith.select %lt3A_593, %add3A_592, %while3A_574 : vector<16xi1>, vector<16xi32>
          %select_n3A_597 = arith.select %lt3A_594, %get3A_588, %while3A_575 : vector<16xi1>, vector<16xf32>
          %select_n3A_598 = arith.select %lt3A_594, %add3A_592, %while3A_576 : vector<16xi1>, vector<16xi32>
          %mul3A_599 = arith.constant 4 : i32
          %mul3A_600 = arith.muli %while3A_572, %mul3A_599 : i32
          %add3A_601 = arith.constant 1 : i32
          %add3A_602 = arith.addi %mul3A_600, %add3A_601 : i32
          %mul3A_603 = arith.constant 16 : i32
          %mul3A_604 = arith.muli %add3A_602, %mul3A_603 : i32
          %get3A_605 = arith.index_cast %mul3A_604 : i32 to index
          %get3A_606 = tpu.vector_load %arg12[%get3A_605] {strides = array<i32>} : memref<1024xf32, #tpu.memory_space<vmem>>, vector<16xf32>,
          %mul3A_607 = arith.constant 16 : i32
          %mul3A_608 = arith.muli %add3A_602, %mul3A_607 : i32
          %get3A_609 = arith.index_cast %mul3A_608 : i32 to index
          %get3A_610 = tpu.vector_load %arg14[%get3A_609] {strides = array<i32>} : memref<1024xf32, #tpu.memory_space<vmem>>, vector<16xf32>,
          %mul3A_611 = arith.constant 16 : i32
          %mul3A_612 = arith.muli %add3A_602, %mul3A_611 : i32
          %add3A_613 = vector.broadcast %mul3A_612 : i32 to vector<16xi32>
          %add3A_614 = arith.addi %iota3A, %add3A_613 : vector<16xi32>
          %lt3A_615 = arith.cmpf olt, %get3A_606, %select_n3A_595 : vector<16xf32>
          %lt3A_616 = arith.cmpf olt, %get3A_610, %select_n3A_597 : vector<16xf32>
          %select_n3A_617 = arith.select %lt3A_615, %get3A_606, %select_n3A_595 : vector<16xi1>, vector<16xf32>
          %select_n3A_618 = arith.select %lt3A_615, %add3A_614, %select_n3A_596 : vector<16xi1>, vector<16xi32>
          %select_n3A_619 = arith.select %lt3A_616, %get3A_610, %select_n3A_597 : vector<16xi1>, vector<16xf32>
          %select_n3A_620 = arith.select %lt3A_616, %add3A_614, %select_n3A_598 : vector<16xi1>, vector<16xi32>
          %mul3A_621 = arith.constant 4 : i32
          %mul3A_622 = arith.muli %while3A_572, %mul3A_621 : i32
          %add3A_623 = arith.constant 2 : i32
          %add3A_624 = arith.addi %mul3A_622, %add3A_623 : i32
          %mul3A_625 = arith.constant 16 : i32
          %mul3A_626 = arith.muli %add3A_624, %mul3A_625 : i32
          %get3A_627 = arith.index_cast %mul3A_626 : i32 to index
          %get3A_628 = tpu.vector_load %arg12[%get3A_627] {strides = array<i32>} : memref<1024xf32, #tpu.memory_space<vmem>>, vector<16xf32>,
          %mul3A_629 = arith.constant 16 : i32
          %mul3A_630 = arith.muli %add3A_624, %mul3A_629 : i32
          %get3A_631 = arith.index_cast %mul3A_630 : i32 to index
          %get3A_632 = tpu.vector_load %arg14[%get3A_631] {strides = array<i32>} : memref<1024xf32, #tpu.memory_space<vmem>>, vector<16xf32>,
          %mul3A_633 = arith.constant 16 : i32
          %mul3A_634 = arith.muli %add3A_624, %mul3A_633 : i32
          %add3A_635 = vector.broadcast %mul3A_634 : i32 to vector<16xi32>
          %add3A_636 = arith.addi %iota3A, %add3A_635 : vector<16xi32>
          %lt3A_637 = arith.cmpf olt, %get3A_628, %select_n3A_617 : vector<16xf32>
          %lt3A_638 = arith.cmpf olt, %get3A_632, %select_n3A_619 : vector<16xf32>
          %select_n3A_639 = arith.select %lt3A_637, %get3A_628, %select_n3A_617 : vector<16xi1>, vector<16xf32>
          %select_n3A_640 = arith.select %lt3A_637, %add3A_636, %select_n3A_618 : vector<16xi1>, vector<16xi32>
          %select_n3A_641 = arith.select %lt3A_638, %get3A_632, %select_n3A_619 : vector<16xi1>, vector<16xf32>
          %select_n3A_642 = arith.select %lt3A_638, %add3A_636, %select_n3A_620 : vector<16xi1>, vector<16xi32>
          %mul3A_643 = arith.constant 4 : i32
          %mul3A_644 = arith.muli %while3A_572, %mul3A_643 : i32
          %add3A_645 = arith.constant 3 : i32
          %add3A_646 = arith.addi %mul3A_644, %add3A_645 : i32
          %mul3A_647 = arith.constant 16 : i32
          %mul3A_648 = arith.muli %add3A_646, %mul3A_647 : i32
          %get3A_649 = arith.index_cast %mul3A_648 : i32 to index
          %get3A_650 = tpu.vector_load %arg12[%get3A_649] {strides = array<i32>} : memref<1024xf32, #tpu.memory_space<vmem>>, vector<16xf32>,
          %mul3A_651 = arith.constant 16 : i32
          %mul3A_652 = arith.muli %add3A_646, %mul3A_651 : i32
          %get3A_653 = arith.index_cast %mul3A_652 : i32 to index
          %get3A_654 = tpu.vector_load %arg14[%get3A_653] {strides = array<i32>} : memref<1024xf32, #tpu.memory_space<vmem>>, vector<16xf32>,
          %mul3A_655 = arith.constant 16 : i32
          %mul3A_656 = arith.muli %add3A_646, %mul3A_655 : i32
          %add3A_657 = vector.broadcast %mul3A_656 : i32 to vector<16xi32>
          %add3A_658 = arith.addi %iota3A, %add3A_657 : vector<16xi32>
          %lt3A_659 = arith.cmpf olt, %get3A_650, %select_n3A_639 : vector<16xf32>
          %lt3A_660 = arith.cmpf olt, %get3A_654, %select_n3A_641 : vector<16xf32>
          %select_n3A_661 = arith.select %lt3A_659, %get3A_650, %select_n3A_639 : vector<16xi1>, vector<16xf32>
          %select_n3A_662 = arith.select %lt3A_659, %add3A_658, %select_n3A_640 : vector<16xi1>, vector<16xi32>
          %select_n3A_663 = arith.select %lt3A_660, %get3A_654, %select_n3A_641 : vector<16xi1>, vector<16xf32>
          %select_n3A_664 = arith.select %lt3A_660, %add3A_658, %select_n3A_642 : vector<16xi1>, vector<16xi32>
          scf.yield %select_n3A_661, %select_n3A_662, %select_n3A_663, %select_n3A_664 : vector<16xf32>, vector<16xi32>, vector<16xf32>, vector<16xi32>
        }
        %while3A_431 = arith.constant 1 : i32
        %while3A_432:4 = scf.for %while3A_572 = %while3A_428 to %while3A_424 step %while3A_431 iter_args(%while3A_573 = %while3A_430#0, %while3A_574 = %while3A_430#1, %while3A_575 = %while3A_430#2, %while3A_576 = %while3A_430#3) -> (vector<16xf32>, vector<16xi32>, vector<16xf32>, vector<16xi32>)  : i32 {
          %mul3A_577 = arith.constant 4 : i32
          %mul3A_578 = arith.muli %while3A_572, %mul3A_577 : i32
          %add3A_579 = arith.constant 0 : i32
          %add3A_580 = arith.addi %mul3A_578, %add3A_579 : i32
          %mul3A_581 = arith.constant 16 : i32
          %mul3A_582 = arith.muli %add3A_580, %mul3A_581 : i32
          %get3A_583 = arith.index_cast %mul3A_582 : i32 to index
          %get3A_584 = tpu.vector_load %arg12[%get3A_583] {strides = array<i32>} : memref<1024xf32, #tpu.memory_space<vmem>>, vector<16xf32>,
          %mul3A_585 = arith.constant 16 : i32
          %mul3A_586 = arith.muli %add3A_580, %mul3A_585 : i32
          %get3A_587 = arith.index_cast %mul3A_586 : i32 to index
          %get3A_588 = tpu.vector_load %arg14[%get3A_587] {strides = array<i32>} : memref<1024xf32, #tpu.memory_space<vmem>>, vector<16xf32>,
          %mul3A_589 = arith.constant 16 : i32
          %mul3A_590 = arith.muli %add3A_580, %mul3A_589 : i32
          %add3A_591 = vector.broadcast %mul3A_590 : i32 to vector<16xi32>
          %add3A_592 = arith.addi %iota3A, %add3A_591 : vector<16xi32>
          %lt3A_593 = arith.cmpf olt, %get3A_584, %while3A_573 : vector<16xf32>
          %lt3A_594 = arith.cmpf olt, %get3A_588, %while3A_575 : vector<16xf32>
          %select_n3A_595 = arith.select %lt3A_593, %get3A_584, %while3A_573 : vector<16xi1>, vector<16xf32>
          %select_n3A_596 = arith.select %lt3A_593, %add3A_592, %while3A_574 : vector<16xi1>, vector<16xi32>
          %select_n3A_597 = arith.select %lt3A_594, %get3A_588, %while3A_575 : vector<16xi1>, vector<16xf32>
          %select_n3A_598 = arith.select %lt3A_594, %add3A_592, %while3A_576 : vector<16xi1>, vector<16xi32>
          %mul3A_599 = arith.constant 4 : i32
          %mul3A_600 = arith.muli %while3A_572, %mul3A_599 : i32
          %add3A_601 = arith.constant 1 : i32
          %add3A_602 = arith.addi %mul3A_600, %add3A_601 : i32
          %mul3A_603 = arith.constant 16 : i32
          %mul3A_604 = arith.muli %add3A_602, %mul3A_603 : i32
          %get3A_605 = arith.index_cast %mul3A_604 : i32 to index
          %get3A_606 = tpu.vector_load %arg12[%get3A_605] {strides = array<i32>} : memref<1024xf32, #tpu.memory_space<vmem>>, vector<16xf32>,
          %mul3A_607 = arith.constant 16 : i32
          %mul3A_608 = arith.muli %add3A_602, %mul3A_607 : i32
          %get3A_609 = arith.index_cast %mul3A_608 : i32 to index
          %get3A_610 = tpu.vector_load %arg14[%get3A_609] {strides = array<i32>} : memref<1024xf32, #tpu.memory_space<vmem>>, vector<16xf32>,
          %mul3A_611 = arith.constant 16 : i32
          %mul3A_612 = arith.muli %add3A_602, %mul3A_611 : i32
          %add3A_613 = vector.broadcast %mul3A_612 : i32 to vector<16xi32>
          %add3A_614 = arith.addi %iota3A, %add3A_613 : vector<16xi32>
          %lt3A_615 = arith.cmpf olt, %get3A_606, %select_n3A_595 : vector<16xf32>
          %lt3A_616 = arith.cmpf olt, %get3A_610, %select_n3A_597 : vector<16xf32>
          %select_n3A_617 = arith.select %lt3A_615, %get3A_606, %select_n3A_595 : vector<16xi1>, vector<16xf32>
          %select_n3A_618 = arith.select %lt3A_615, %add3A_614, %select_n3A_596 : vector<16xi1>, vector<16xi32>
          %select_n3A_619 = arith.select %lt3A_616, %get3A_610, %select_n3A_597 : vector<16xi1>, vector<16xf32>
          %select_n3A_620 = arith.select %lt3A_616, %add3A_614, %select_n3A_598 : vector<16xi1>, vector<16xi32>
          %mul3A_621 = arith.constant 4 : i32
          %mul3A_622 = arith.muli %while3A_572, %mul3A_621 : i32
          %add3A_623 = arith.constant 2 : i32
          %add3A_624 = arith.addi %mul3A_622, %add3A_623 : i32
          %mul3A_625 = arith.constant 16 : i32
          %mul3A_626 = arith.muli %add3A_624, %mul3A_625 : i32
          %get3A_627 = arith.index_cast %mul3A_626 : i32 to index
          %get3A_628 = tpu.vector_load %arg12[%get3A_627] {strides = array<i32>} : memref<1024xf32, #tpu.memory_space<vmem>>, vector<16xf32>,
          %mul3A_629 = arith.constant 16 : i32
          %mul3A_630 = arith.muli %add3A_624, %mul3A_629 : i32
          %get3A_631 = arith.index_cast %mul3A_630 : i32 to index
          %get3A_632 = tpu.vector_load %arg14[%get3A_631] {strides = array<i32>} : memref<1024xf32, #tpu.memory_space<vmem>>, vector<16xf32>,
          %mul3A_633 = arith.constant 16 : i32
          %mul3A_634 = arith.muli %add3A_624, %mul3A_633 : i32
          %add3A_635 = vector.broadcast %mul3A_634 : i32 to vector<16xi32>
          %add3A_636 = arith.addi %iota3A, %add3A_635 : vector<16xi32>
          %lt3A_637 = arith.cmpf olt, %get3A_628, %select_n3A_617 : vector<16xf32>
          %lt3A_638 = arith.cmpf olt, %get3A_632, %select_n3A_619 : vector<16xf32>
          %select_n3A_639 = arith.select %lt3A_637, %get3A_628, %select_n3A_617 : vector<16xi1>, vector<16xf32>
          %select_n3A_640 = arith.select %lt3A_637, %add3A_636, %select_n3A_618 : vector<16xi1>, vector<16xi32>
          %select_n3A_641 = arith.select %lt3A_638, %get3A_632, %select_n3A_619 : vector<16xi1>, vector<16xf32>
          %select_n3A_642 = arith.select %lt3A_638, %add3A_636, %select_n3A_620 : vector<16xi1>, vector<16xi32>
          %mul3A_643 = arith.constant 4 : i32
          %mul3A_644 = arith.muli %while3A_572, %mul3A_643 : i32
          %add3A_645 = arith.constant 3 : i32
          %add3A_646 = arith.addi %mul3A_644, %add3A_645 : i32
          %mul3A_647 = arith.constant 16 : i32
          %mul3A_648 = arith.muli %add3A_646, %mul3A_647 : i32
          %get3A_649 = arith.index_cast %mul3A_648 : i32 to index
          %get3A_650 = tpu.vector_load %arg12[%get3A_649] {strides = array<i32>} : memref<1024xf32, #tpu.memory_space<vmem>>, vector<16xf32>,
          %mul3A_651 = arith.constant 16 : i32
          %mul3A_652 = arith.muli %add3A_646, %mul3A_651 : i32
          %get3A_653 = arith.index_cast %mul3A_652 : i32 to index
          %get3A_654 = tpu.vector_load %arg14[%get3A_653] {strides = array<i32>} : memref<1024xf32, #tpu.memory_space<vmem>>, vector<16xf32>,
          %mul3A_655 = arith.constant 16 : i32
          %mul3A_656 = arith.muli %add3A_646, %mul3A_655 : i32
          %add3A_657 = vector.broadcast %mul3A_656 : i32 to vector<16xi32>
          %add3A_658 = arith.addi %iota3A, %add3A_657 : vector<16xi32>
          %lt3A_659 = arith.cmpf olt, %get3A_650, %select_n3A_639 : vector<16xf32>
          %lt3A_660 = arith.cmpf olt, %get3A_654, %select_n3A_641 : vector<16xf32>
          %select_n3A_661 = arith.select %lt3A_659, %get3A_650, %select_n3A_639 : vector<16xi1>, vector<16xf32>
          %select_n3A_662 = arith.select %lt3A_659, %add3A_658, %select_n3A_640 : vector<16xi1>, vector<16xi32>
          %select_n3A_663 = arith.select %lt3A_660, %get3A_654, %select_n3A_641 : vector<16xi1>, vector<16xf32>
          %select_n3A_664 = arith.select %lt3A_660, %add3A_658, %select_n3A_642 : vector<16xi1>, vector<16xi32>
          scf.yield %select_n3A_661, %select_n3A_662, %select_n3A_663, %select_n3A_664 : vector<16xf32>, vector<16xi32>, vector<16xf32>, vector<16xi32>
        }
        %reduce_min3A = arith.constant true
        %reduce_min3A_433 = vector.broadcast %reduce_min3A : i1 to vector<16xi1>
        %reduce_min3A_434 = tpu.scan <min>, %while3A_432#0 masked %reduce_min3A_433 : vector<16xf32>, vector<16xi1> -> vector<16xf32>
        %reduce_min3A_435 = vector.extract %reduce_min3A_434[15] : f32 from vector<16xf32>
        %reduce_min3A_436 = arith.constant true
        %reduce_min3A_437 = vector.broadcast %reduce_min3A_436 : i1 to vector<16xi1>
        %reduce_min3A_438 = tpu.scan <min>, %while3A_432#2 masked %reduce_min3A_437 : vector<16xf32>, vector<16xi1> -> vector<16xf32>
        %reduce_min3A_439 = vector.extract %reduce_min3A_438[15] : f32 from vector<16xf32>
        %eq3A_440 = vector.broadcast %reduce_min3A_435 : f32 to vector<16xf32>
        %eq3A_441 = arith.cmpf oeq, %while3A_432#0, %eq3A_440 : vector<16xf32>
        %jit3A_442 = arith.constant 1073741824 : i32
        %broadcast_in_dim3A_443 = vector.broadcast %jit3A_442 : i32 to vector<16xi32>
        %select_n3A_444 = arith.select %eq3A_441, %while3A_432#1, %broadcast_in_dim3A_443 : vector<16xi1>, vector<16xi32>
        %reduce_min3A_445 = arith.constant true
        %reduce_min3A_446 = vector.broadcast %reduce_min3A_445 : i1 to vector<16xi1>
        %reduce_min3A_447 = arith.constant -2147483648 : i32
        %reduce_min3A_448 = vector.broadcast %reduce_min3A_447 : i32 to vector<16xi32>
        %reduce_min3A_449 = arith.xori %select_n3A_444, %reduce_min3A_448 : vector<16xi32>
        %reduce_min3A_450 = tpu.scan <min>, %reduce_min3A_449 masked %reduce_min3A_446 : vector<16xi32>, vector<16xi1> -> vector<16xi32>
        %reduce_min3A_451 = arith.xori %reduce_min3A_450, %reduce_min3A_448 : vector<16xi32>
        %reduce_min3A_452 = vector.extract %reduce_min3A_451[15] : i32 from vector<16xi32>
        %eq3A_453 = vector.broadcast %reduce_min3A_439 : f32 to vector<16xf32>
        %eq3A_454 = arith.cmpf oeq, %while3A_432#2, %eq3A_453 : vector<16xf32>
        %jit3A_455 = arith.constant 1073741824 : i32
        %broadcast_in_dim3A_456 = vector.broadcast %jit3A_455 : i32 to vector<16xi32>
        %select_n3A_457 = arith.select %eq3A_454, %while3A_432#3, %broadcast_in_dim3A_456 : vector<16xi1>, vector<16xi32>
        %reduce_min3A_458 = arith.constant true
        %reduce_min3A_459 = vector.broadcast %reduce_min3A_458 : i1 to vector<16xi1>
        %reduce_min3A_460 = arith.constant -2147483648 : i32
        %reduce_min3A_461 = vector.broadcast %reduce_min3A_460 : i32 to vector<16xi32>
        %reduce_min3A_462 = arith.xori %select_n3A_457, %reduce_min3A_461 : vector<16xi32>
        %reduce_min3A_463 = tpu.scan <min>, %reduce_min3A_462 masked %reduce_min3A_459 : vector<16xi32>, vector<16xi1> -> vector<16xi32>
        %reduce_min3A_464 = arith.xori %reduce_min3A_463, %reduce_min3A_461 : vector<16xi32>
        %reduce_min3A_465 = vector.extract %reduce_min3A_464[15] : i32 from vector<16xi32>
        %lt3A_466 = arith.constant 0x7F800000 : f32
        %lt3A_467 = arith.cmpf olt, %reduce_min3A_435, %lt3A_466 : f32
        %lt3A_468 = arith.constant 0x7F800000 : f32
        %lt3A_469 = arith.cmpf olt, %reduce_min3A_439, %lt3A_468 : f32
        %broadcast_in_dim3A_470 = arith.constant 0 : i32
        %broadcast_in_dim3A_471 = vector.broadcast %broadcast_in_dim3A_470 : i32 to vector<16xi32>
        %jit3A_472 = arith.constant 0 : i32
        %select_n3A_473 = arith.select %lt3A_467, %reduce_min3A_452, %jit3A_472 : i32
        %add3A_474 = vector.broadcast %select_n3A_473 : i32 to vector<16xi32>
        %add3A_475 = arith.addi %broadcast_in_dim3A_471, %add3A_474 : vector<16xi32>
        %broadcast_in_dim3A_476 = arith.constant 0 : i32
        %broadcast_in_dim3A_477 = vector.broadcast %broadcast_in_dim3A_476 : i32 to vector<16xi32>
        %jit3A_478 = arith.constant 0 : i32
        %select_n3A_479 = arith.select %lt3A_469, %reduce_min3A_465, %jit3A_478 : i32
        %add3A_480 = vector.broadcast %select_n3A_479 : i32 to vector<16xi32>
        %add3A_481 = arith.addi %broadcast_in_dim3A_477, %add3A_480 : vector<16xi32>
        %gather3A = tpu.vector_load_idx %arg13[%add3A_475] : memref<1024xi32, #tpu.memory_space<vmem>>[vector<16xi32>], vector<16xi32>,
        %gather3A_482 = tpu.vector_load_idx %arg15[%add3A_481] : memref<1024xi32, #tpu.memory_space<vmem>>[vector<16xi32>], vector<16xi32>,
        %gather3A_483 = tpu.vector_load_idx %arg16[%scan3A_388] : memref<48xi32, #tpu.memory_space<vmem>>[vector<16xi32>], vector<16xi32>,
        %gather3A_484 = tpu.vector_load_idx %arg16[%scan3A_393] : memref<48xi32, #tpu.memory_space<vmem>>[vector<16xi32>], vector<16xi32>,
        %select_n3A_485 = arith.select %lt3A_467, %gather3A, %gather3A_483 : vector<16xi32>
        %select_n3A_486 = arith.select %lt3A_469, %gather3A_482, %gather3A_484 : vector<16xi32>
        %jit3A_487 = arith.constant 0 : i32
        %jit3A_488 = arith.constant 1 : i32
        %select_n3A_489 = arith.select %lt3A_467, %jit3A_487, %jit3A_488 : i32
        %add3A_490 = vector.broadcast %select_n3A_489 : i32 to vector<16xi32>
        %add3A_491 = arith.addi %scan3A_388, %add3A_490 : vector<16xi32>
        %jit3A_492 = arith.constant 0 : i32
        %jit3A_493 = arith.constant 1 : i32
        %select_n3A_494 = arith.select %lt3A_469, %jit3A_492, %jit3A_493 : i32
        %add3A_495 = vector.broadcast %select_n3A_494 : i32 to vector<16xi32>
        %add3A_496 = arith.addi %scan3A_393, %add3A_495 : vector<16xi32>
        %eq3A_497 = arith.constant 0 : i32
        %eq3A_498 = vector.broadcast %eq3A_497 : i32 to vector<16xi32>
        %eq3A_499 = arith.cmpi eq, %iota3A, %eq3A_498 : vector<16xi32>
        %and3A_500 = vector.broadcast %lt3A_467 : i1 to vector<16xi1>
        %and3A_501 = arith.andi %eq3A_499, %and3A_500 : vector<16xi1>
        tpu.vector_store_idx %arg12[%add3A_475], %broadcast_in_dim3A_235 masked %and3A_501 : memref<1024xf32, #tpu.memory_space<vmem>>[vector<16xi32>], vector<16xf32>, vector<16xi1>
        %eq3A_502 = arith.constant 0 : i32
        %eq3A_503 = vector.broadcast %eq3A_502 : i32 to vector<16xi32>
        %eq3A_504 = arith.cmpi eq, %iota3A, %eq3A_503 : vector<16xi32>
        %and3A_505 = vector.broadcast %lt3A_469 : i1 to vector<16xi1>
        %and3A_506 = arith.andi %eq3A_504, %and3A_505 : vector<16xi1>
        tpu.vector_store_idx %arg14[%add3A_481], %broadcast_in_dim3A_235 masked %and3A_506 : memref<1024xf32, #tpu.memory_space<vmem>>[vector<16xi32>], vector<16xf32>, vector<16xi1>
        %jit3A_507 = arith.constant 16 : i32
        %eq3A_508 = arith.constant 0 : i32
        %eq3A_509 = arith.cmpi eq, %jit3A_507, %eq3A_508 : i32
        %jit3A_510 = arith.constant 1 : i32
        %select_n3A_511 = arith.select %eq3A_509, %jit3A_510, %jit3A_507 : i32
        %rem3A_512 = arith.remsi %scan3A_383, %select_n3A_511 : i32
        %ne3A_513 = arith.constant 0 : i32
        %ne3A_514 = arith.cmpi ne, %rem3A_512, %ne3A_513 : i32
        %lt3A_515 = arith.constant 0 : i32
        %lt3A_516 = arith.cmpi slt, %rem3A_512, %lt3A_515 : i32
        %lt3A_517 = arith.constant 0 : i32
        %lt3A_518 = arith.cmpi slt, %select_n3A_511, %lt3A_517 : i32
        %ne3A_519 = arith.xori %lt3A_516, %lt3A_518 : i1
        %and3A_520 = arith.andi %ne3A_519, %ne3A_514 : i1
        %add3A_521 = arith.addi %rem3A_512, %select_n3A_511 : i32
        %select_n3A_522 = arith.select %and3A_520, %add3A_521, %rem3A_512 : i32
        %eq3A_523 = vector.broadcast %select_n3A_522 : i32 to vector<16xi32>
        %eq3A_524 = arith.cmpi eq, %iota3A, %eq3A_523 : vector<16xi32>
        %lt3A_525 = arith.constant 16 : i32
        %lt3A_526 = arith.cmpi slt, %scan3A_383, %lt3A_525 : i32
        %broadcast_in_dim3A_527 = arith.constant 0.000000e+00 : f32
        %broadcast_in_dim3A_528 = vector.broadcast %broadcast_in_dim3A_527 : f32 to vector<16xf32>
        %jit3A_529 = arith.constant 1.000000e+00 : f32
        %jit3A_530 = arith.constant 0.000000e+00 : f32
        %select_n3A_531 = arith.select %lt3A_467, %jit3A_529, %jit3A_530 : f32
        %add3A_532 = vector.broadcast %select_n3A_531 : f32 to vector<16xf32>
        %add3A_533 = arith.addf %broadcast_in_dim3A_528, %add3A_532 : vector<16xf32>
        %broadcast_in_dim3A_534 = arith.constant 0.000000e+00 : f32
        %broadcast_in_dim3A_535 = vector.broadcast %broadcast_in_dim3A_534 : f32 to vector<16xf32>
        %jit3A_536 = arith.constant 1.000000e+00 : f32
        %jit3A_537 = arith.constant 0.000000e+00 : f32
        %select_n3A_538 = arith.select %lt3A_469, %jit3A_536, %jit3A_537 : f32
        %add3A_539 = vector.broadcast %select_n3A_538 : f32 to vector<16xf32>
        %add3A_540 = arith.addf %broadcast_in_dim3A_535, %add3A_539 : vector<16xf32>
        %and3A_541 = vector.broadcast %lt3A_526 : i1 to vector<16xi1>
        %and3A_542 = arith.andi %eq3A_524, %and3A_541 : vector<16xi1>
        %select_n3A_543 = arith.select %and3A_542, %select_n3A_485, %scan3A_384 : vector<16xi1>, vector<16xi32>
        %not3A = arith.constant true
        %not3A_544 = arith.xori %lt3A_526, %not3A : i1
        %and3A_545 = vector.broadcast %not3A_544 : i1 to vector<16xi1>
        %and3A_546 = arith.andi %eq3A_524, %and3A_545 : vector<16xi1>
        %select_n3A_547 = arith.select %and3A_546, %select_n3A_485, %scan3A_385 : vector<16xi1>, vector<16xi32>
        %and3A_548 = vector.broadcast %lt3A_526 : i1 to vector<16xi1>
        %and3A_549 = arith.andi %eq3A_524, %and3A_548 : vector<16xi1>
        %select_n3A_550 = arith.select %and3A_549, %add3A_533, %scan3A_386 : vector<16xi1>, vector<16xf32>
        %not3A_551 = arith.constant true
        %not3A_552 = arith.xori %lt3A_526, %not3A_551 : i1
        %and3A_553 = vector.broadcast %not3A_552 : i1 to vector<16xi1>
        %and3A_554 = arith.andi %eq3A_524, %and3A_553 : vector<16xi1>
        %select_n3A_555 = arith.select %and3A_554, %add3A_533, %scan3A_387 : vector<16xi1>, vector<16xf32>
        %and3A_556 = vector.broadcast %lt3A_526 : i1 to vector<16xi1>
        %and3A_557 = arith.andi %eq3A_524, %and3A_556 : vector<16xi1>
        %select_n3A_558 = arith.select %and3A_557, %select_n3A_486, %scan3A_389 : vector<16xi1>, vector<16xi32>
        %not3A_559 = arith.constant true
        %not3A_560 = arith.xori %lt3A_526, %not3A_559 : i1
        %and3A_561 = vector.broadcast %not3A_560 : i1 to vector<16xi1>
        %and3A_562 = arith.andi %eq3A_524, %and3A_561 : vector<16xi1>
        %select_n3A_563 = arith.select %and3A_562, %select_n3A_486, %scan3A_390 : vector<16xi1>, vector<16xi32>
        %and3A_564 = vector.broadcast %lt3A_526 : i1 to vector<16xi1>
        %and3A_565 = arith.andi %eq3A_524, %and3A_564 : vector<16xi1>
        %select_n3A_566 = arith.select %and3A_565, %add3A_540, %scan3A_391 : vector<16xi1>, vector<16xf32>
        %not3A_567 = arith.constant true
        %not3A_568 = arith.xori %lt3A_526, %not3A_567 : i1
        %and3A_569 = vector.broadcast %not3A_568 : i1 to vector<16xi1>
        %and3A_570 = arith.andi %eq3A_524, %and3A_569 : vector<16xi1>
        %select_n3A_571 = arith.select %and3A_570, %add3A_540, %scan3A_392 : vector<16xi1>, vector<16xf32>
        scf.yield %select_n3A_543, %select_n3A_547, %select_n3A_550, %select_n3A_555, %add3A_491, %select_n3A_558, %select_n3A_563, %select_n3A_566, %select_n3A_571, %add3A_496 : vector<16xi32>, vector<16xi32>, vector<16xf32>, vector<16xf32>, vector<16xi32>, vector<16xi32>, vector<16xi32>, vector<16xf32>, vector<16xf32>, vector<16xi32>
      }
      %scan3A_321 = arith.constant 32 : i32
      %le3A = arith.constant 0 : i32
      %le3A_322 = arith.cmpi sle, %reduce_max3A_138, %le3A : i32
      %le3A_323 = arith.constant 0 : i32
      %le3A_324 = arith.cmpi sle, %reduce_max3A_149, %le3A_323 : i32
      %mul3A_325 = arith.constant 2 : i32
      %mul3A_326 = arith.muli %scan3A_61, %mul3A_325 : i32
      %add3A_327 = arith.constant 1 : i32
      %add3A_328 = arith.addi %mul3A_326, %add3A_327 : i32
      %select_n3A_329 = arith.select %le3A_322, %iota3A, %scan3A_320#0 : vector<16xi32>
      %swap3A = arith.index_cast %mul3A_326 : i32 to index
      %swap3A_330 = arith.constant 0 : index
      %swap3A_331 = tpu.vector_load %arg17[%swap3A, %swap3A_330] {strides = array<i32>} : memref<256x32xi32, #tpu.memory_space<vmem>>, vector<16xi32>,
      tpu.vector_store %arg17[%swap3A, %swap3A_330], %select_n3A_329 {strides = array<i32>} : memref<256x32xi32, #tpu.memory_space<vmem>>, vector<16xi32>,
      %add3A_332 = arith.constant 16 : i32
      %add3A_333 = vector.broadcast %add3A_332 : i32 to vector<16xi32>
      %add3A_334 = arith.addi %iota3A, %add3A_333 : vector<16xi32>
      %select_n3A_335 = arith.select %le3A_322, %add3A_334, %scan3A_320#1 : vector<16xi32>
      %swap3A_336 = arith.index_cast %mul3A_326 : i32 to index
      %swap3A_337 = arith.constant 16 : index
      %swap3A_338 = tpu.vector_load %arg17[%swap3A_336, %swap3A_337] {strides = array<i32>} : memref<256x32xi32, #tpu.memory_space<vmem>>, vector<16xi32>,
      tpu.vector_store %arg17[%swap3A_336, %swap3A_337], %select_n3A_335 {strides = array<i32>} : memref<256x32xi32, #tpu.memory_space<vmem>>, vector<16xi32>,
      %jit3A_339 = arith.constant 0.000000e+00 : f32
      %broadcast_in_dim3A_340 = vector.broadcast %jit3A_339 : f32 to vector<16xf32>
      %select_n3A_341 = arith.select %le3A_322, %broadcast_in_dim3A_340, %scan3A_320#2 : vector<16xf32>
      %swap3A_342 = arith.index_cast %mul3A_326 : i32 to index
      %swap3A_343 = arith.constant 0 : index
      %swap3A_344 = tpu.vector_load %arg18[%swap3A_342, %swap3A_343] {strides = array<i32>} : memref<256x32xf32, #tpu.memory_space<vmem>>, vector<16xf32>,
      tpu.vector_store %arg18[%swap3A_342, %swap3A_343], %select_n3A_341 {strides = array<i32>} : memref<256x32xf32, #tpu.memory_space<vmem>>, vector<16xf32>,
      %jit3A_345 = arith.constant 0.000000e+00 : f32
      %broadcast_in_dim3A_346 = vector.broadcast %jit3A_345 : f32 to vector<16xf32>
      %select_n3A_347 = arith.select %le3A_322, %broadcast_in_dim3A_346, %scan3A_320#3 : vector<16xf32>
      %swap3A_348 = arith.index_cast %mul3A_326 : i32 to index
      %swap3A_349 = arith.constant 16 : index
      %swap3A_350 = tpu.vector_load %arg18[%swap3A_348, %swap3A_349] {strides = array<i32>} : memref<256x32xf32, #tpu.memory_space<vmem>>, vector<16xf32>,
      tpu.vector_store %arg18[%swap3A_348, %swap3A_349], %select_n3A_347 {strides = array<i32>} : memref<256x32xf32, #tpu.memory_space<vmem>>, vector<16xf32>,
      %select_n3A_351 = arith.select %le3A_324, %iota3A, %scan3A_320#5 : vector<16xi32>
      %swap3A_352 = arith.index_cast %add3A_328 : i32 to index
      %swap3A_353 = arith.constant 0 : index
      %swap3A_354 = tpu.vector_load %arg17[%swap3A_352, %swap3A_353] {strides = array<i32>} : memref<256x32xi32, #tpu.memory_space<vmem>>, vector<16xi32>,
      tpu.vector_store %arg17[%swap3A_352, %swap3A_353], %select_n3A_351 {strides = array<i32>} : memref<256x32xi32, #tpu.memory_space<vmem>>, vector<16xi32>,
      %add3A_355 = arith.constant 16 : i32
      %add3A_356 = vector.broadcast %add3A_355 : i32 to vector<16xi32>
      %add3A_357 = arith.addi %iota3A, %add3A_356 : vector<16xi32>
      %select_n3A_358 = arith.select %le3A_324, %add3A_357, %scan3A_320#6 : vector<16xi32>
      %swap3A_359 = arith.index_cast %add3A_328 : i32 to index
      %swap3A_360 = arith.constant 16 : index
      %swap3A_361 = tpu.vector_load %arg17[%swap3A_359, %swap3A_360] {strides = array<i32>} : memref<256x32xi32, #tpu.memory_space<vmem>>, vector<16xi32>,
      tpu.vector_store %arg17[%swap3A_359, %swap3A_360], %select_n3A_358 {strides = array<i32>} : memref<256x32xi32, #tpu.memory_space<vmem>>, vector<16xi32>,
      %jit3A_362 = arith.constant 0.000000e+00 : f32
      %broadcast_in_dim3A_363 = vector.broadcast %jit3A_362 : f32 to vector<16xf32>
      %select_n3A_364 = arith.select %le3A_324, %broadcast_in_dim3A_363, %scan3A_320#7 : vector<16xf32>
      %swap3A_365 = arith.index_cast %add3A_328 : i32 to index
      %swap3A_366 = arith.constant 0 : index
      %swap3A_367 = tpu.vector_load %arg18[%swap3A_365, %swap3A_366] {strides = array<i32>} : memref<256x32xf32, #tpu.memory_space<vmem>>, vector<16xf32>,
      tpu.vector_store %arg18[%swap3A_365, %swap3A_366], %select_n3A_364 {strides = array<i32>} : memref<256x32xf32, #tpu.memory_space<vmem>>, vector<16xf32>,
      %jit3A_368 = arith.constant 0.000000e+00 : f32
      %broadcast_in_dim3A_369 = vector.broadcast %jit3A_368 : f32 to vector<16xf32>
      %select_n3A_370 = arith.select %le3A_324, %broadcast_in_dim3A_369, %scan3A_320#8 : vector<16xf32>
      %swap3A_371 = arith.index_cast %add3A_328 : i32 to index
      %swap3A_372 = arith.constant 16 : index
      %swap3A_373 = tpu.vector_load %arg18[%swap3A_371, %swap3A_372] {strides = array<i32>} : memref<256x32xf32, #tpu.memory_space<vmem>>, vector<16xf32>,
      tpu.vector_store %arg18[%swap3A_371, %swap3A_372], %select_n3A_370 {strides = array<i32>} : memref<256x32xf32, #tpu.memory_space<vmem>>, vector<16xf32>,
      %while3A = arith.constant 0 : i32
      %while3A_374 = arith.constant 0 : i32
      %while3A_375 = arith.subi %max3A_311, %while3A_374 : i32
      %while3A_376 = arith.addi %while3A_374, %while3A_375 : i32
      %while3A_377 = arith.constant 1 : i32
      %while3A_378 = arith.divsi %while3A_375, %while3A_377 : i32
      %while3A_379 = arith.muli %while3A_378, %while3A_377 : i32
      %while3A_380 = arith.addi %while3A_374, %while3A_379 : i32
      %while3A_381 = arith.constant 1 : i32
      scf.for %while3A_383 = %while3A_374 to %while3A_380 step %while3A_381  : i32 {
        %mul3A_384 = arith.constant 16 : i32
        %mul3A_385 = arith.muli %while3A_383, %mul3A_384 : i32
        %swap3A_386 = arith.index_cast %mul3A_385 : i32 to index
        %swap3A_387 = tpu.vector_load %arg12[%swap3A_386] {strides = array<i32>} : memref<1024xf32, #tpu.memory_space<vmem>>, vector<16xf32>,
        tpu.vector_store %arg12[%swap3A_386], %broadcast_in_dim3A_235 {strides = array<i32>} : memref<1024xf32, #tpu.memory_space<vmem>>, vector<16xf32>,
        %mul3A_388 = arith.constant 16 : i32
        %mul3A_389 = arith.muli %while3A_383, %mul3A_388 : i32
        %swap3A_390 = arith.index_cast %mul3A_389 : i32 to index
        %swap3A_391 = tpu.vector_load %arg14[%swap3A_390] {strides = array<i32>} : memref<1024xf32, #tpu.memory_space<vmem>>, vector<16xf32>,
        tpu.vector_store %arg14[%swap3A_390], %broadcast_in_dim3A_235 {strides = array<i32>} : memref<1024xf32, #tpu.memory_space<vmem>>, vector<16xf32>,
      }
      %while3A_382 = arith.constant 1 : i32
      scf.for %while3A_383 = %while3A_380 to %while3A_376 step %while3A_382  : i32 {
        %mul3A_384 = arith.constant 16 : i32
        %mul3A_385 = arith.muli %while3A_383, %mul3A_384 : i32
        %swap3A_386 = arith.index_cast %mul3A_385 : i32 to index
        %swap3A_387 = tpu.vector_load %arg12[%swap3A_386] {strides = array<i32>} : memref<1024xf32, #tpu.memory_space<vmem>>, vector<16xf32>,
        tpu.vector_store %arg12[%swap3A_386], %broadcast_in_dim3A_235 {strides = array<i32>} : memref<1024xf32, #tpu.memory_space<vmem>>, vector<16xf32>,
        %mul3A_388 = arith.constant 16 : i32
        %mul3A_389 = arith.muli %while3A_383, %mul3A_388 : i32
        %swap3A_390 = arith.index_cast %mul3A_389 : i32 to index
        %swap3A_391 = tpu.vector_load %arg14[%swap3A_390] {strides = array<i32>} : memref<1024xf32, #tpu.memory_space<vmem>>, vector<16xf32>,
        tpu.vector_store %arg14[%swap3A_390], %broadcast_in_dim3A_235 {strides = array<i32>} : memref<1024xf32, #tpu.memory_space<vmem>>, vector<16xf32>,
      }
    }
    %scan3A_56 = arith.constant 128 : i32
    %mul3A_57 = arith.constant 256 : i32
    %mul3A_58 = arith.muli %add3A, %mul3A_57 : i32
    "tpu.region"() ({
      %run_scoped3A = tpu.sem_alloc : memref<!tpu.dma_semaphore, #tpu.memory_space<semaphore_mem>>
      %dma_start3A = arith.constant 0 : i32
      %dma_start3A_61 = tpu.memref_slice %arg4[%mul3A_58, %dma_start3A] : memref<8192x32xi32, #tpu.memory_space<hbm>> -> memref<256x32xi32, #tpu.memory_space<hbm>>
      %dma_start3A_62 = arith.constant 0 : i32
      %dma_start3A_63 = tpu.memref_slice %arg4[%mul3A_58, %dma_start3A_62] : memref<8192x32xi32, #tpu.memory_space<hbm>> -> memref<256x32xi32, #tpu.memory_space<hbm>>
      tpu.enqueue_dma source(%arg17 : memref<256x32xi32, #tpu.memory_space<vmem>>) target(%dma_start3A_63 : memref<256x32xi32, #tpu.memory_space<hbm>>) target_semaphore(%run_scoped3A : memref<!tpu.dma_semaphore, #tpu.memory_space<semaphore_mem>>)
      %dma_wait3A = arith.constant 0 : i32
      %dma_wait3A_64 = tpu.memref_slice %arg4[%mul3A_58, %dma_wait3A] : memref<8192x32xi32, #tpu.memory_space<hbm>> -> memref<256x32xi32, #tpu.memory_space<hbm>>
      %dma_wait3A_65 = arith.constant 0 : i32
      %dma_wait3A_66 = tpu.memref_slice %arg4[%mul3A_58, %dma_wait3A_65] : memref<8192x32xi32, #tpu.memory_space<hbm>> -> memref<256x32xi32, #tpu.memory_space<hbm>>
      tpu.wait_dma2 semaphore(%run_scoped3A : memref<!tpu.dma_semaphore, #tpu.memory_space<semaphore_mem>>) src(%arg17 : memref<256x32xi32, #tpu.memory_space<vmem>>) dst(%dma_wait3A_66 : memref<256x32xi32, #tpu.memory_space<hbm>>)
      tpu.yield
    }) : () -> ()
    %mul3A_59 = arith.constant 256 : i32
    %mul3A_60 = arith.muli %add3A, %mul3A_59 : i32
    "tpu.region"() ({
      %run_scoped3A = tpu.sem_alloc : memref<!tpu.dma_semaphore, #tpu.memory_space<semaphore_mem>>
      %dma_start3A = arith.constant 0 : i32
      %dma_start3A_61 = tpu.memref_slice %arg5[%mul3A_60, %dma_start3A] : memref<8192x32xf32, #tpu.memory_space<hbm>> -> memref<256x32xf32, #tpu.memory_space<hbm>>
      %dma_start3A_62 = arith.constant 0 : i32
      %dma_start3A_63 = tpu.memref_slice %arg5[%mul3A_60, %dma_start3A_62] : memref<8192x32xf32, #tpu.memory_space<hbm>> -> memref<256x32xf32, #tpu.memory_space<hbm>>
      tpu.enqueue_dma source(%arg18 : memref<256x32xf32, #tpu.memory_space<vmem>>) target(%dma_start3A_63 : memref<256x32xf32, #tpu.memory_space<hbm>>) target_semaphore(%run_scoped3A : memref<!tpu.dma_semaphore, #tpu.memory_space<semaphore_mem>>)
      %dma_wait3A = arith.constant 0 : i32
      %dma_wait3A_64 = tpu.memref_slice %arg5[%mul3A_60, %dma_wait3A] : memref<8192x32xf32, #tpu.memory_space<hbm>> -> memref<256x32xf32, #tpu.memory_space<hbm>>
      %dma_wait3A_65 = arith.constant 0 : i32
      %dma_wait3A_66 = tpu.memref_slice %arg5[%mul3A_60, %dma_wait3A_65] : memref<8192x32xf32, #tpu.memory_space<hbm>> -> memref<256x32xf32, #tpu.memory_space<hbm>>
      tpu.wait_dma2 semaphore(%run_scoped3A : memref<!tpu.dma_semaphore, #tpu.memory_space<semaphore_mem>>) src(%arg18 : memref<256x32xf32, #tpu.memory_space<vmem>>) dst(%dma_wait3A_66 : memref<256x32xf32, #tpu.memory_space<hbm>>)
      tpu.yield
    }) : () -> ()
    return
  }
}

</mosaic_0001>

<sc_bundles>
// kernel: kernel.3.cloned.1.call-start
scs
__scs_entry_jumppad:
0x0: {  	(pc) =	sbr.rel $0x88, $3  }
0x1: {  	(tag) =	ssettag $0x0;
	lr =	simm.s32 $0x1  }
0x2: {  	[smem:$0x3F9F] =	sst lr;
	_ =	strace $0xD0000000  }
0x3: {  	_ = 	snop  }
0x4: {  	_ = 	snop  }
0x5: {  	_ = 	snop  }
0x6: {  	_ = 	snop  }
0x7: {  	_ = 	snop  }
__scs_overlays_trampoline_lowered:
0x8: {  	[smem:$0x3FAE] =	sst s0  }
0x9: {  	[smem:$0x3FAF] =	sst s1  }
0xa: {  	[smem:$0x3FB0] =	sst s2  }
0xb: {  	[smem:$0x3FB1] =	sst s3  }
0xc: {  	[smem:$0x3FB2] =	sst s4  }
0xd: {  	[smem:$0x3FB3] =	sst s5  }
0xe: {  	[smem:$0x3FB4] =	sst s6  }
0xf: {  	[smem:$0x3FB5] =	sst s7  }
0x10: {  	[smem:$0x3FB6] =	sst s8  }
0x11: {  	[smem:$0x3FB7] =	sst s9;
	s0 =	simm.s32 @!p0 $0x0  }
0x12: {  	s1 =	sld [smem:$0x3F9D];
	s0 =	simm.s32 @p0 $0x1  }
0x13: {  	[smem:$0x3FB8] =	sst s0;
	s0 =	simm.s32 @!p1 $0x0  }
0x14: {  	s2 =	sld [smem:$0x3F9C];
	s0 =	simm.s32 @p1 $0x1  }
0x15: {  	[smem:$0x3FB9] =	sst s0;
	s0 =	simm.s32 @!p2 $0x0  }
0x16: {  	s3 =	sld [smem:$0x3FDB];
	s0 =	simm.s32 @p2 $0x1  }
0x17: {  	s4 =	simm.s32 $0x1BF5;
	[smem:$0x3FBB] =	sst s0  }
0x18: {  	s0 =	sld [smem:$0x3F9E];
	_ =	swait.ge [sflag:s4], $0x0  }
0x19: {  	s7 =	sld [smem:$0x3F9F]  }
0x1a: {  	s8 =	sadd.s32 $0xFFFFE003, lr  }
0x1b: {  	s9 =	sadd.s32 $0xFFFFFEF7, lr;
	s5 =	simm.s32 $0xFFFFFFFF;
	p2 =	slt.u32 s8, $0xFFFFF086  }
0x1c: {  	p1 =	slt.u32 s9, $0xF7A;
	s5 =	simm.s32 @!p2 $0x0  }
0x1d: {  	s5 =	simm.s32 @p1 $0x1;
	p0 =	seq.s32 s7, s2  }
0x1e: {  	s7 =	smul.u32 @!p0 $0xF7A, s2;
	p2 =	seq.s32 @!p0 s5, $0x0  }
0x1f: {  	s9 =	smul.u32 $0xF7A, s1;
	s8 =	simm.s32 @!p0 $0x1BF5;
	p2 =	por !p2, p0  }
0x20: {  	[sflag:s8] =	ssyncset.s32 @!p0 $0xFFFFF086;
	s6 =	sadd.s32 @!p0 s3, s7;
	s7 =	simm.s32 @!p0 $0x108  }
0x21: {  	s3 =	sadd.s32 s3, s9;
	s6 =	sadd.s32 @!p0 $0x88, s6;
	s7 =	simm.s32 @p2 $0x1082  }
0x22: {  	[simem:s7], [sflag:s8] =	dma.local @!p0 [hbm:s6], $0xF7A  }
0x23: {  	s9 =	sor.u32 $0xD0000000, s2;
	s6 =	simm.s32 $0x108;
	_ =	swait.ge @!p0 [sflag:s8], $0x0  }
0x24: {  	s3 =	sadd.s32 $0x88, s3;
	s6 =	simm.s32 @!p1 $0x1082;
	[sflag:s4] =	ssyncset.s32 $0xFFFFF086  }
0x25: {  	[simem:s6], [sflag:s4] =	dma.local [hbm:s3], $0xF7A  }
0x26: {  	[smem:$0x3F9F] =	sst s1;
	(tag) =	ssettag s2;
	_ =	strace s9  }
0x27: {  	s1 =	sld [smem:$0x3FAF]  }
0x28: {  	s2 =	sld [smem:$0x3FB0]  }
0x29: {  	s4 =	sld [smem:$0x3FB2]  }
0x2a: {  	p0 =	seq.s32 s5, $0x0;
	s5 =	sld [smem:$0x3FB3]  }
0x2b: {  	s6 =	sld [smem:$0x3FB4]  }
0x2c: {  	s7 =	sld [smem:$0x3FB5]  }
0x2d: {  	s3 =	simm.s32 $0x108;
	s8 =	sld [smem:$0x3FB6]  }
0x2e: {  	s3 =	simm.s32 @!p0 $0x1082;
	s9 =	sld [smem:$0x3FB7]  }
0x2f: {  	lr =	sadd.s32 s0, s3;
	s0 =	sld [smem:$0x3FAE]  }
0x30: {  	s3 =	sld [smem:$0x3FB1]  }
0x31: {  	[smem:$0x3FBA] =	sst s10  }
0x32: {  	s10 =	sld [smem:$0x3FB8];
	_ =	sdelay $0x3  }
0x33: {  	p0 =	seq.s32 s10, $0x1;
	s10 =	sld [smem:$0x3FBA];
	_ =	sdelay $0x3  }
0x34: {  	[smem:$0x3FBA] =	sst s10  }
0x35: {  	s10 =	sld [smem:$0x3FB9];
	_ =	sdelay $0x3  }
0x36: {  	p1 =	seq.s32 s10, $0x1;
	s10 =	sld [smem:$0x3FBA];
	_ =	sdelay $0x3  }
0x37: {  	[smem:$0x3FBA] =	sst s10  }
0x38: {  	s10 =	sld [smem:$0x3FBB]  }
0x39: {  	_ = 	snop;
	(pc) =	sbr.ind lr, $3  }
0x3a: {  	_ = 	snop  }
0x3b: {  	_ = 	snop  }
0x3c: {  	p2 =	seq.s32 s10, $0x1;
	s10 =	sld [smem:$0x3FBA]  }
0x3d: {  	_ =	shalt  }
0x3e: {  	_ =	shalt  }
0x3f: {  	_ =	shalt  }
0x40: {  	_ =	shalt  }
0x41: {  	_ =	shalt  }
0x42: {  	_ =	shalt  }
0x43: {  	_ =	shalt  }
0x44: {  	_ =	shalt  }
0x45: {  	_ =	shalt  }
0x46: {  	_ =	shalt  }
0x47: {  	_ =	shalt  }
0x48: {  	_ =	shalt  }
0x49: {  	_ =	shalt  }
0x4a: {  	_ =	shalt  }
0x4b: {  	_ =	shalt  }
0x4c: {  	_ =	shalt  }
0x4d: {  	_ =	shalt  }
0x4e: {  	_ =	shalt  }
0x4f: {  	_ =	shalt  }
0x50: {  	_ =	shalt  }
0x51: {  	_ =	shalt  }
0x52: {  	_ =	shalt  }
0x53: {  	_ =	shalt  }
0x54: {  	_ =	shalt  }
0x55: {  	_ =	shalt  }
0x56: {  	_ =	shalt  }
0x57: {  	_ =	shalt  }
0x58: {  	_ =	shalt  }
0x59: {  	_ =	shalt  }
0x5a: {  	_ =	shalt  }
0x5b: {  	_ =	shalt  }
0x5c: {  	_ =	shalt  }
0x5d: {  	_ =	shalt  }
0x5e: {  	_ =	shalt  }
0x5f: {  	_ =	shalt  }
0x60: {  	_ =	shalt  }
0x61: {  	_ =	shalt  }
0x62: {  	_ =	shalt  }
0x63: {  	_ =	shalt  }
0x64: {  	_ =	shalt  }
0x65: {  	_ =	shalt  }
0x66: {  	_ =	shalt  }
0x67: {  	_ =	shalt  }
0x68: {  	_ =	shalt  }
0x69: {  	_ =	shalt  }
0x6a: {  	_ =	shalt  }
0x6b: {  	_ =	shalt  }
0x6c: {  	_ =	shalt  }
0x6d: {  	_ =	shalt  }
0x6e: {  	_ =	shalt  }
0x6f: {  	_ =	shalt  }
0x70: {  	_ =	shalt  }
0x71: {  	_ =	shalt  }
0x72: {  	_ =	shalt  }
0x73: {  	_ =	shalt  }
0x74: {  	_ =	shalt  }
0x75: {  	_ =	shalt  }
0x76: {  	_ =	shalt  }
0x77: {  	_ =	shalt  }
0x78: {  	_ =	shalt  }
0x79: {  	_ =	shalt  }
0x7a: {  	_ =	shalt  }
0x7b: {  	_ =	shalt  }
0x7c: {  	_ =	shalt  }
0x7d: {  	_ =	shalt  }
0x7e: {  	_ =	shalt  }
0x7f: {  	_ =	shalt  }
0x80: {  	_ =	shalt  }
0x81: {  	_ =	shalt  }
0x82: {  	_ =	shalt  }
0x83: {  	_ =	shalt  }
0x84: {  	_ =	shalt  }
0x85: {  	_ =	shalt  }
0x86: {  	_ =	shalt  }
0x87: {  	_ =	shalt  }
.Lfunc_end0:
.L_simem_size_0:
called_computation_lowered:
.L_overlay_start_0:
0x88: {  	s2 =	sld [smem:$0x3FD9]  }
0x89: {  	s3 =	sld [smem:$0x3FFE];
	_ =	sdelay $0x1  }
0x8a: {  	s1 =	srdreg.scid  }
0x8b: {  	s0 =	sand.u32 $0x1, s1  }
0x8c: {  	s14 =	sshll.u32 s0, $0xA;
	s2 =	sadd.s32 s3, s2  }
0x8d: {  	s2 =	sadd.s32 s2, s14  }
0x8e: {  	[smem:$0x3FC6] =	sst s2  }
0x8f: {  	_ = 	snop  }
0x90: {  	s2 =	sld [smem:$0x3FD0];
	_ =	sdelay $0x2  }
0x91: {  	s15 =	simm.s32 $0xA;
	s4 =	simm.s32 $0x10  }
0x92: {  	[smem:s4], [sflag:s15] =	dma.local [hbm:s2], $0x1  }
0x93: {  	_ =	swait.eq [sflag:s15], $0x1  }
0x94: {  	[sflag:s15] =	ssyncset.done $0x0  }
0x95: {  	s16 =	sld [smem:$0x10];
	[sflag:s15] =	ssyncadd.s32 $0xFFFFFFFF  }
0x96: {  	s17 =	sld [smem:$0x11];
	(tm) =	ssettm $0x1  }
0x97: {  	s18 =	sld [smem:$0x3FFB];
	_ =	sdelay $0x3  }
0x98: {  	_ =	strace s18  }
0x99: {  	s4 =	sld [smem:$0x3FFC];
	_ =	sdelay $0x3  }
0x9a: {  	_ =	strace s4  }
0x9b: {  	s4 =	sld [smem:$0x3FFD];
	_ =	sdelay $0x3  }
0x9c: {  	_ =	strace s4  }
0x9d: {  	_ =	strace $0x8FFFFFFF  }
0x9e: {  	s19 =	sld [smem:$0x3FDB];
	_ =	sdelay $0x1  }
0x9f: {  	s5 =	simm.s32 $_scs_section_size  }
0xa0: {  	s6 =	simm.s32 $_size__tile_overlayer_lowered;
	s7 =	simm.s32 $_tile_overlayer_lowered  }
0xa1: {  	s22 =	simm.s32 $0x1BFF;
	s21 =	sshll.u32 s7, $0x1;
	s4 =	sadd.s32 s5, s19  }
0xa2: {  	s8 =	simm.s32 $0x0;
	s20 =	sshll.u32 s6, $0x1;
	s6 =	sadd.s32 s21, s4  }
0xa3: {  	[timem:s8], [sflag:s22] =	dma.local [hbm:s6], s20  }
0xa4: {  	_ =	swait.ge [sflag:s22], s20  }
0xa5: {  	s5 =	ssub.s32 $0x0, s20;
	[sflag:s22] =	ssyncset.done $0x0  }
0xa6: {  	[sflag:s22] =	ssyncadd.s32 s5;
	_ =	sdelay $0x1  }
0xa7: {  	s23 =	simm.s32 $0x1B8B  }
0xa8: {  	_ =	swait.ge [sflag:s23], $0x1  }
0xa9: {  	[sflag:s23] =	ssyncset.done $0x0  }
0xaa: {  	s25 =	simm.s32 $0x1B8E;
	s24 =	sld [smem:$0x3FFE];
	[sflag:s23] =	ssyncadd.s32 $0xFFFFFFFF  }
0xab: {  	s26 =	simm.s32 $execute0_lowered;
	[smem:$0x3FD2] =	sst s25  }
0xac: {  	s6 =	sshll.u32 s26, $0x1;
	_ =	strace $0x80000046;
	[dreg:$0x1] =	wrdreg $0xFFFFFFFF  }
0xad: {  	s28 =	simm.s32 $_size_execute0_lowered;
	s4 =	sadd.s32 s4, s6;
	[dreg:$0x0] =	wrdreg $0x0  }
0xae: {  	s6 =	sshll.u32 s28, $0x1;
	[dreg:$0x2] =	wrdreg s4  }
0xaf: {  	[dreg:$0x3] =	wrdreg s6  }
0xb0: {  	[dreg:$0x4] =	wrdreg $0xC0  }
0xb1: {  	_ =	task [dreg:s8], $0x5FFFF  }
0xb2: {  	[dreg:$0x1] =	wrdreg $0xFFFFFFFF  }
0xb3: {  	[dreg:$0x0] =	wrdreg $0x60  }
0xb4: {  	[dreg:$0x2] =	wrdreg s24  }
0xb5: {  	[dreg:$0x3] =	wrdreg s16  }
0xb6: {  	[dreg:$0x4] =	wrdreg s17  }
0xb7: {  	[dreg:$0x5] =	wrdreg $0x9  }
0xb8: {  	_ =	task.clear_ibuf [dreg:s8], $0x6FFFF;
	_ =	strace $0x90000046  }
0xb9: {  	s29 =	simm.s32 $0x9;
	_ =	strace $0x80000048  }
0xba: {  	_ =	swait.ge [sflag:s29], $0x1  }
0xbb: {  	[sflag:s29] =	ssyncadd.s32 $0xFFFFFFFF  }
0xbc: {  	_ =	strace $0x90000048  }
0xbd: {  	_ =	sfence  }
0xbe: {  	s30 =	sld [smem:$0x0];
	_ =	sdelay $0x2  }
0xbf: {  	s31 =	sshll.u32 s1, $0xD;
	s1 =	sshrl.u32 s1, $0x2  }
0xc0: {  	s3 =	sand.u32 $0x4000, s31;
	s1 =	sadd.s32 s1, s30  }
0xc1: {  	s0 =	sor.u32 s3, s0;
	s1 =	sshll.u32 s1, $0x11  }
0xc2: {  	s0 =	sor.u32 s1, s0  }
0xc3: {  	s0 =	sadd.s32 $0x8F2B, s0  }
0xc4: {  	[sflag:s0] =	ssyncadd.remote.s32 $0x1  }
0xc5: {  	_ =	sfence.sel $0xFFFF  }
0xc6: {  	[dreg:$0x0] =	wrdreg $0xFFFFFFFF;
	(pc) =	sbr.abs _section_cstart, $3  }
0xc7: {  	[dreg:$0x1] =	wrdreg $0xFFFFFFFF  }
0xc8: {  	_ =	task.clear_ibuf [dreg:s8], $0x2FFFF;
	_ =	strace $0x9FFFFFFF  }
0xc9: {  	(tm) =	ssettm $0x7FFFFFFF  }
tec
execute0_lowered:
.L_overlay_start_1:
0x0: {  	(tag) =	ssettag $0x1  }
0x1: {  	s3 =	rddreg [dreg:$0x0]  }
0x2: {  	s6 =	rddreg [dreg:$0x1]  }
0x3: {  	s7 =	rddreg [dreg:$0x2];
	s0 =	stileid.u32;
	s2 =	simm.s32 $0x0  }
0x4: {  	s8 =	srdreg.scid;
	s11 =	simm.s32 $0x13400;
	s12 =	simm.s32 $0x13C00  }
0x5: {  	s13 =	simm.s32 $0x14000;
	s14 =	simm.s32 $0x13000;
	s15 =	simm.s32 $0x13800  }
0x6: {  	s16 =	simm.s32 $0x14030;
	s17 =	simm.s32 $0x16030;
	s18 =	simm.s32 $0x0  }
0x7: {  	s4 =	sshrl.u32 s0, $0x3;
	[smem:$0x7FF] =	sst s2;
	s8 =	sand.u32 $0x1, s8  }
0x8: {  	s9 =	sshll.u32 s0, $0x1;
	s5 =	smul.u32 $0x1800, s4;
	_ =	strace $0x80000047  }
0x9: {  	s4 =	sshll.u32 s4, $0x9;
	s10 =	ssub.s32 $0x2, s8;
	s8 =	sor.u32 s8, s9  }
.Ltmp0:
0xa: {  	s9 =	simm.s32 $0x1;
	s29 =	sadd.s32 s4, s3;
	(pc) =	sbr.rel .LBB2_1-.Ltmp0, $4  }
0xb: {  	s30 =	sshrl.u32 s10, $0x1;
	s31 =	sshll.u32 s8, $0x8;
	s8 =	sshll.u32 s8, $0xA  }
0xc: {  	s5 =	sadd.s32 s5, s3;
	s10 =	ssub.s32 s10, s30;
	s3 =	sand.u32 $0xF00, s31  }
0xd: {  	s6 =	sadd.s32 s6, s8;
	s7 =	sadd.s32 s7, s8;
	s4 =	sadd.s32 $0xE00, s5  }
0xe: {  	v0 =	vlaneseq.u32;
	v47 =	vimm.f32 $+Inf;
	vm0 =	vmxor vm0, vm0;
	s5 =	sadd.s32 $0xA00, s29;
	s8 =	smax.u32 s10, $0x1;
	s10 =	simm.s32 $0x10000  }
.LBB2_26:
0xf: {  	[hbm4b:s6+s2] =	stream.linear.scatter [tilespmem:s16], [sflag:$0x1], $0x2000, $0x38;
	[tilespmem:$0x18030] =	vst v63  }
0x10: {  	s18 =	sadd.s32 $0x1, s18;
	_ =	swait.ge [sflag:s9], $0x2000  }
0x11: {  	p0 =	sne.s32 s18, s8;
	[sflag:s9] =	ssyncset.done $0x0  }
.Ltmp1:
0x12: {  	[sflag:s9] =	ssyncadd.s32 $0xFFFFE000;
	(pc) =	sbr.rel @!p0 .LBB2_27-.Ltmp1, $4  }
0x13: {  	[hbm4b:s7+s2] =	stream.linear.scatter [tilespmem:s17], [sflag:$0x1], $0x2000, $0x38;
	[tilespmem:$0x18030] =	vst v63  }
0x14: {  	_ =	swait.ge [sflag:s9], $0x2000  }
0x15: {  	[sflag:s9] =	ssyncset.done $0x0  }
0x16: {  	[sflag:s9] =	ssyncadd.s32 $0xFFFFE000  }
.LBB2_1:
0x17: {  	[tilespmem:s2], [sflag:$0x1] =	stream.linear.gather [hbm4b:s4+s2], $0xC000, $0x38;
	[tilespmem:$0x18030] =	vst v63  }
0x18: {  	_ =	swait.ge [sflag:s9], $0xC000  }
0x19: {  	[sflag:s9] =	ssyncset.done $0x0  }
0x1a: {  	[sflag:s9] =	ssyncadd.s32 $0xFFFF4000  }
0x1b: {  	[tilespmem:s10], [sflag:$0x1] =	stream.linear.gather [hbm4b:s5+s2], $0x1000, $0x38;
	[tilespmem:$0x18030] =	vst v63  }
0x1c: {  	_ =	swait.ge [sflag:s9], $0x1000  }
0x1d: {  	[sflag:s9] =	ssyncset.done $0x0  }
0x1e: {  	s19 =	simm.s32 $0x0;
	[sflag:s9] =	ssyncadd.s32 $0xFFFFF000  }
0x1f: {  	v2 =	vld [tilespmem:s19+$0x9030]  }
0x20: {  	v3 =	vld [tilespmem:s19+$0x6030]  }
0x21: {  	v4 =	vld [tilespmem:s19+$0x2030]  }
0x22: {  	v5 =	vld [tilespmem:s19+$0x30]  }
0x23: {  	v6 =	vld [tilespmem:s19+$0x3030]  }
0x24: {  	v7 =	vld [tilespmem:s19+$0x1030]  }
0x25: {  	v8 =	vld [tilespmem:s19+$0x4030]  }
0x26: {  	v9 =	vld [tilespmem:s19+$0x5030]  }
0x27: {  	v10 =	vld [tilespmem:s19+$0x7030]  }
0x28: {  	v11 =	vld [tilespmem:s19+$0x8030]  }
0x29: {  	v12 =	vld [tilespmem:s19+$0xA030]  }
0x2a: {  	v13 =	vld [tilespmem:s19+$0xB030]  }
0x2b: {  	v15 =	vld [tilespmem:s19+$0x4010]  }
0x2c: {  	v16 =	vld [tilespmem:s19+$0x20]  }
0x2d: {  	v17 =	vld [tilespmem:s19+$0x3020]  }
0x2e: {  	v18 =	vld [tilespmem:s19+$0x1020]  }
0x2f: {  	v19 =	vld [tilespmem:s19+$0x7000]  }
0x30: {  	v20 =	vld [tilespmem:s19+$0x5000]  }
0x31: {  	v21 =	vld [tilespmem:s19+$0x6010]  }
0x32: {  	v22 =	vld [tilespmem:s19+$0x7010]  }
0x33: {  	v23 =	vld [tilespmem:s19+$0x2010]  }
0x34: {  	v24 =	vld [tilespmem:s19+$0x5010]  }
0x35: {  	v25 =	vld [tilespmem:s19+$0x6020]  }
0x36: {  	v5 =	vadd.f32 v6, v5;
	v6 =	vadd.f32 v8, v7;
	v7 =	vld [tilespmem:s19+$0x0]  }
0x37: {  	v8 =	vld [tilespmem:s19+$0x3000]  }
0x38: {  	v4 =	vadd.f32 v9, v4;
	v9 =	vld [tilespmem:s19+$0x4000]  }
0x39: {  	v3 =	vadd.f32 v3, v5;
	v5 =	vadd.f32 v10, v6;
	v6 =	vld [tilespmem:s19+$0x1000]  }
0x3a: {  	v4 =	vadd.f32 v11, v4;
	v10 =	vld [tilespmem:s19+$0x3010]  }
0x3b: {  	v2 =	vadd.f32 v2, v3;
	v3 =	vadd.f32 v12, v5;
	v5 =	vld [tilespmem:s19+$0x10]  }
0x3c: {  	v4 =	vadd.f32 v13, v4;
	v12 =	vld [tilespmem:s19+$0x10030]  }
0x3d: {  	v27 =	vld [tilespmem:s19+$0x2020];
	v2 =	vmul.f32 $2.500000000e-01, v2;
	v3 =	vmul.f32 $2.500000000e-01, v3  }
0x3e: {  	v28 =	vld [tilespmem:s19+$0x5020];
	v7 =	vadd.f32 v8, v7;
	v4 =	vmul.f32 $2.500000000e-01, v4  }
0x3f: {  	v11 =	vld [tilespmem:s19+$0x1010];
	v6 =	vadd.f32 v9, v6;
	v13 =	vmul.f32 v2, v2;
	v14 =	vmul.f32 v3, v3  }
0x40: {  	v26 =	vld [tilespmem:s19+$0x7020];
	v8 =	vshrl.u32 v2, $0x10;
	v29 =	vshrl.u32 v3, $0x10;
	v30 =	vshrl.u32 v4, $0x10  }
0x41: {  	v31 =	vld [tilespmem:s19+$0xA000];
	vm1 =	vgt.s32 v12, $0x0;
	v8 =	vand.u32 $0x1, v8;
	v5 =	vadd.f32 v10, v5  }
0x42: {  	v9 =	vld [tilespmem:s19+$0x9000];
	v10 =	vand.u32 $0x1, v29;
	v29 =	vand.u32 $0x1, v30;
	v6 =	vadd.f32 v19, v6  }
0x43: {  	v12 =	vld [tilespmem:s19+$0x6000];
	v19 =	vadd.f32 v28, v27;
	v13 =	vadd.f32 v14, v13;
	v14 =	vmul.f32 v4, v4  }
0x44: {  	v2 =	vadd.s32 v8, v2;
	v3 =	vadd.s32 v10, v3;
	v10 =	vadd.f32 v15, v11;
	v15 =	vld [tilespmem:s19+$0xA010]  }
0x45: {  	v4 =	vadd.s32 v29, v4;
	v8 =	vld [tilespmem:s19+$0x9010];
	v2 =	vadd.s32 $0x7FFF, v2;
	v13 =	vadd.f32 v14, v13  }
0x46: {  	v11 =	vadd.f32 v17, v16;
	v16 =	vadd.f32 v24, v23;
	v14 =	vld [tilespmem:s19+$0x4020];
	v2 =	vand.u32 $0xFFFF0000, v2  }
0x47: {  	[tilespmem:s19+$0xC030] =	vst v2;
	v2 =	vadd.f32 v21, v5;
	v5 =	vadd.f32 v22, v10;
	v10 =	vld [tilespmem:s19+$0x9020];
	v13 =	vnsel vm1, $0x7F800000, v13  }
0x48: {  	v3 =	vadd.s32 $0x7FFF, v3;
	v4 =	vadd.s32 $0x7FFF, v4;
	v7 =	vadd.f32 v12, v7;
	[tilespmem:s19+$0xF030] =	vst v13;
	v13 =	vld [tilespmem:s19+$0x2000]  }
0x49: {  	v6 =	vadd.f32 v31, v6;
	v3 =	vand.u32 $0xFFFF0000, v3;
	v12 =	vld [tilespmem:s19+$0x8010];
	v5 =	vadd.f32 v15, v5  }
0x4a: {  	v30 =	vld [tilespmem:s19+$0x8000];
	[tilespmem:s19+$0xD030] =	vst v3;
	v3 =	vand.u32 $0xFFFF0000, v4;
	v4 =	vadd.f32 v25, v11;
	v7 =	vadd.f32 v9, v7  }
0x4b: {  	v17 =	vld [tilespmem:s19+$0xA020];
	v2 =	vadd.f32 v8, v2;
	v14 =	vadd.f32 v14, v18;
	v5 =	vmul.f32 $2.500000000e-01, v5  }
0x4c: {  	v22 =	vld [tilespmem:s19+$0xB010];
	v9 =	vmul.f32 $2.500000000e-01, v7;
	v7 =	vmul.f32 $2.500000000e-01, v6;
	v4 =	vadd.f32 v10, v4  }
0x4d: {  	v6 =	vmul.f32 $2.500000000e-01, v2;
	v18 =	vadd.f32 v26, v14;
	v13 =	vadd.f32 v20, v13;
	v20 =	vld [tilespmem:s19+$0x8020]  }
0x4e: {  	v21 =	vld [tilespmem:s19+$0xB000];
	[tilespmem:s19+$0xE030] =	vst v3;
	v12 =	vadd.f32 v12, v16;
	v3 =	vmul.f32 v9, v9;
	v11 =	vshrl.u32 v9, $0x10  }
0x4f: {  	s20 =	simm.s32 $0x40;
	v23 =	vld [tilespmem:s19+$0xB020];
	v8 =	vmul.f32 v7, v7;
	v14 =	vshrl.u32 v7, $0x10;
	v24 =	vmul.f32 v6, v6  }
0x50: {  	v31 =	vld [tilespmem:s20+$0x2030];
	v16 =	vshrl.u32 v6, $0x10;
	v10 =	vadd.f32 v17, v18;
	v17 =	vmul.f32 v5, v5  }
0x51: {  	v32 =	vld [tilespmem:s20+$0x30];
	v13 =	vadd.f32 v30, v13;
	v15 =	vadd.f32 v8, v3;
	v8 =	vmul.f32 $2.500000000e-01, v4  }
0x52: {  	v33 =	vld [tilespmem:s20+$0x3030];
	v12 =	vadd.f32 v22, v12;
	v10 =	vmul.f32 $2.500000000e-01, v10;
	v18 =	vadd.f32 v20, v19  }
0x53: {  	v34 =	vld [tilespmem:s20+$0x1030];
	v13 =	vadd.f32 v21, v13;
	v21 =	vadd.f32 v17, v24;
	v22 =	vmul.f32 v8, v8  }
0x54: {  	v2 =	vld [tilespmem:s19+$0x10000];
	v24 =	vmul.f32 v10, v10;
	v19 =	vshrl.u32 v5, $0x10;
	v23 =	vadd.f32 v23, v18  }
0x55: {  	v26 =	vld [tilespmem:s20+$0x6030];
	v17 =	vmul.f32 $2.500000000e-01, v13;
	v13 =	vmul.f32 $2.500000000e-01, v12;
	v18 =	vshrl.u32 v8, $0x10  }
0x56: {  	v3 =	vld [tilespmem:s19+$0x10010];
	v25 =	vadd.f32 v24, v22;
	v24 =	vshrl.u32 v10, $0x10;
	v12 =	vmul.f32 $2.500000000e-01, v23  }
0x57: {  	v4 =	vld [tilespmem:s19+$0x10020];
	v28 =	vmul.f32 v17, v17;
	v27 =	vshrl.u32 v17, $0x10;
	v30 =	vmul.f32 v13, v13  }
0x58: {  	s21 =	simm.s32 $0x200;
	v20 =	vld [tilespmem:s20+$0x9030];
	v23 =	vshrl.u32 v13, $0x10;
	v29 =	vmul.f32 v12, v12;
	v22 =	vshrl.u32 v12, $0x10  }
.LBB2_2:
0x59: {  	p0 =	sne.s32 s21, $0x3F00;
	v35 =	vld [tilespmem:s20+$0x4030];
	v11 =	vand.u32 $0x1, v11;
	v14 =	vand.u32 $0x1, v14;
	v27 =	vand.u32 $0x1, v27  }
0x5a: {  	v16 =	vand.u32 $0x1, v16;
	v19 =	vand.u32 $0x1, v19;
	v23 =	vand.u32 $0x1, v23;
	v36 =	vld [tilespmem:s20+$0x5030]  }
0x5b: {  	v18 =	vand.u32 $0x1, v18;
	v24 =	vand.u32 $0x1, v24;
	v22 =	vand.u32 $0x1, v22;
	v37 =	vld [tilespmem:s20+$0x7030]  }
0x5c: {  	v15 =	vadd.f32 v28, v15;
	v9 =	vadd.s32 v11, v9;
	v11 =	vadd.f32 v30, v21;
	v38 =	vld [tilespmem:s20+$0x8030]  }
0x5d: {  	v7 =	vadd.s32 v14, v7;
	v14 =	vadd.s32 v27, v17;
	v17 =	vadd.f32 v29, v25;
	v21 =	vld [tilespmem:s20+$0xA030]  }
0x5e: {  	v6 =	vadd.s32 v16, v6;
	v25 =	vadd.f32 v33, v32;
	v27 =	vadd.f32 v35, v34;
	v28 =	vld [tilespmem:s20+$0xB030]  }
0x5f: {  	v5 =	vadd.s32 v19, v5;
	v13 =	vadd.s32 v23, v13;
	v16 =	vld [tilespmem:s20+$0x0];
	v29 =	vadd.f32 v36, v31  }
0x60: {  	v8 =	vadd.s32 v18, v8;
	v23 =	vadd.f32 v26, v25;
	v19 =	vld [tilespmem:s20+$0x3000];
	v25 =	vadd.f32 v37, v27  }
0x61: {  	v10 =	vadd.s32 v24, v10;
	v12 =	vadd.s32 v22, v12;
	v18 =	vld [tilespmem:s20+$0x1000];
	v26 =	vadd.f32 v38, v29  }
0x62: {  	v9 =	vadd.s32 $0x7FFF, v9;
	v20 =	vadd.f32 v20, v23;
	v22 =	vld [tilespmem:s20+$0x4000];
	v21 =	vadd.f32 v21, v25  }
0x63: {  	v7 =	vadd.s32 $0x7FFF, v7;
	v14 =	vadd.s32 $0x7FFF, v14;
	v23 =	vld [tilespmem:s20+$0x10];
	v24 =	vadd.f32 v28, v26  }
0x64: {  	v6 =	vadd.s32 $0x7FFF, v6;
	v20 =	vmul.f32 $2.500000000e-01, v20;
	v25 =	vld [tilespmem:s20+$0x3010];
	v21 =	vmul.f32 $2.500000000e-01, v21  }
0x65: {  	v5 =	vadd.s32 $0x7FFF, v5;
	v16 =	vadd.f32 v19, v16;
	v19 =	vld [tilespmem:s20+$0x1010];
	v24 =	vmul.f32 $2.500000000e-01, v24  }
0x66: {  	v26 =	vmul.f32 v20, v20;
	v29 =	vshrl.u32 v20, $0x10;
	v27 =	vmul.f32 v21, v21;
	v28 =	vld [tilespmem:s20+$0x10030]  }
0x67: {  	v30 =	vshrl.u32 v21, $0x10;
	v18 =	vadd.f32 v22, v18;
	v22 =	vld [tilespmem:s20+$0x4010];
	v31 =	vshrl.u32 v24, $0x10  }
0x68: {  	v29 =	vand.u32 $0x1, v29;
	v32 =	vld [tilespmem:s20+$0x20];
	v26 =	vadd.f32 v27, v26;
	v27 =	vmul.f32 v24, v24  }
0x69: {  	v30 =	vand.u32 $0x1, v30;
	v31 =	vand.u32 $0x1, v31;
	v23 =	vadd.f32 v25, v23;
	v25 =	vld [tilespmem:s20+$0x3020]  }
0x6a: {  	v20 =	vadd.s32 v29, v20;
	v21 =	vadd.s32 v30, v21;
	v33 =	vld [tilespmem:s20+$0x1020];
	v26 =	vadd.f32 v27, v26  }
0x6b: {  	v13 =	vadd.s32 $0x7FFF, v13;
	v24 =	vadd.s32 v31, v24;
	v27 =	vld [tilespmem:s20+$0x4020];
	vm1 =	vgt.s32 v28, $0x0  }
0x6c: {  	v8 =	vadd.s32 $0x7FFF, v8;
	v28 =	vld [tilespmem:s20+$0x6000];
	v19 =	vadd.f32 v22, v19;
	v22 =	vnsel vm1, $0x7F800000, v26  }
0x6d: {  	v10 =	vadd.s32 $0x7FFF, v10;
	v12 =	vadd.s32 $0x7FFF, v12;
	v20 =	vadd.s32 $0x7FFF, v20;
	v26 =	vld [tilespmem:s20+$0x7000];
	[tilespmem:s20+$0xF030] =	vst v22  }
0x6e: {  	v21 =	vadd.s32 $0x7FFF, v21;
	v24 =	vadd.s32 $0x7FFF, v24;
	v22 =	vld [tilespmem:s20+$0x2000];
	v25 =	vadd.f32 v25, v32  }
0x6f: {  	vm2 =	vgt.s32 v3, $0x0;
	vm3 =	vgt.s32 v4, $0x0;
	vm1 =	vgt.s32 v2, $0x0;
	v29 =	vld [tilespmem:s20+$0x5000]  }
0x70: {  	v11 =	vnsel vm2, $0x7F800000, v11;
	v4 =	vnsel vm1, $0x7F800000, v15;
	v2 =	vld [tilespmem:s20+$0x6010];
	v3 =	vadd.f32 v27, v33  }
0x71: {  	v15 =	vadd.f32 v28, v16;
	v16 =	vld [tilespmem:s20+$0x7010];
	[tilespmem:s19+$0xF000] =	vst v4;
	v4 =	vand.u32 $0xFFFF0000, v9;
	v9 =	vnsel vm3, $0x7F800000, v17  }
0x72: {  	v7 =	vand.u32 $0xFFFF0000, v7;
	v14 =	vand.u32 $0xFFFF0000, v14;
	v17 =	vadd.f32 v26, v18;
	v18 =	vld [tilespmem:s20+$0x2010];
	[tilespmem:s19+$0xF010] =	vst v11  }
0x73: {  	v6 =	vand.u32 $0xFFFF0000, v6;
	v5 =	vand.u32 $0xFFFF0000, v5;
	v13 =	vand.u32 $0xFFFF0000, v13;
	v11 =	vld [tilespmem:s20+$0x5010];
	[tilespmem:s19+$0xF020] =	vst v9  }
0x74: {  	v22 =	vadd.f32 v29, v22;
	v9 =	vld [tilespmem:s20+$0x6020];
	[tilespmem:s19+$0xC000] =	vst v4;
	v4 =	vand.u32 $0xFFFF0000, v8;
	v8 =	vand.u32 $0xFFFF0000, v10  }
0x75: {  	v20 =	vand.u32 $0xFFFF0000, v20;
	v2 =	vadd.f32 v2, v23;
	v10 =	vld [tilespmem:s20+$0x7020];
	[tilespmem:s19+$0xD000] =	vst v7;
	v7 =	vand.u32 $0xFFFF0000, v12  }
0x76: {  	v12 =	vadd.f32 v16, v19;
	v16 =	vld [tilespmem:s20+$0x2020];
	v19 =	vand.u32 $0xFFFF0000, v21;
	v21 =	vand.u32 $0xFFFF0000, v24;
	[tilespmem:s19+$0xE000] =	vst v14  }
0x77: {  	v14 =	vld [tilespmem:s20+$0x5020];
	[tilespmem:s19+$0xC010] =	vst v6  }
0x78: {  	v6 =	vld [tilespmem:s20+$0x9000];
	v18 =	vadd.f32 v11, v18;
	[tilespmem:s19+$0xD010] =	vst v5  }
0x79: {  	v5 =	vld [tilespmem:s20+$0xA000];
	v23 =	vadd.f32 v9, v25;
	[tilespmem:s19+$0xE010] =	vst v13  }
0x7a: {  	v11 =	vld [tilespmem:s20+$0x8000];
	v3 =	vadd.f32 v10, v3;
	[tilespmem:s19+$0xC020] =	vst v4  }
0x7b: {  	v4 =	vld [tilespmem:s20+$0x9010];
	[tilespmem:s19+$0xD020] =	vst v8  }
0x7c: {  	v8 =	vld [tilespmem:s20+$0xA010];
	v10 =	vadd.f32 v14, v16;
	[tilespmem:s19+$0xE020] =	vst v7;
	s19 =	smov.u32 s20  }
0x7d: {  	v6 =	vadd.f32 v6, v15;
	v13 =	vld [tilespmem:s19+$0x8010];
	[tilespmem:s19+$0xC030] =	vst v20  }
0x7e: {  	v5 =	vadd.f32 v5, v17;
	v15 =	vld [tilespmem:s19+$0x9020];
	[tilespmem:s19+$0xD030] =	vst v19  }
0x7f: {  	v9 =	vmul.f32 $2.500000000e-01, v6;
	v16 =	vadd.f32 v11, v22;
	v17 =	vld [tilespmem:s19+$0xA020];
	[tilespmem:s19+$0xE030] =	vst v21  }
0x80: {  	v7 =	vmul.f32 $2.500000000e-01, v5;
	v2 =	vadd.f32 v4, v2;
	v4 =	vld [tilespmem:s19+$0x8020]  }
0x81: {  	v19 =	vld [tilespmem:s19+$0xB000];
	v20 =	vmul.f32 v9, v9;
	v11 =	vshrl.u32 v9, $0x10;
	v5 =	vadd.f32 v8, v12  }
0x82: {  	v8 =	vmul.f32 v7, v7;
	v6 =	vmul.f32 $2.500000000e-01, v2;
	v12 =	vadd.f32 v13, v18;
	v13 =	vld [tilespmem:s19+$0xB010]  }
0x83: {  	v14 =	vshrl.u32 v7, $0x10;
	v5 =	vmul.f32 $2.500000000e-01, v5;
	v18 =	vadd.f32 v15, v23;
	v22 =	vld [tilespmem:s19+$0xB020]  }
0x84: {  	v15 =	vadd.f32 v8, v20;
	v2 =	vld [tilespmem:s19+$0x10000];
	v21 =	vmul.f32 v6, v6;
	v17 =	vadd.f32 v17, v3  }
0x85: {  	v23 =	vmul.f32 v5, v5;
	v3 =	vld [tilespmem:s19+$0x10010];
	v8 =	vmul.f32 $2.500000000e-01, v18;
	v18 =	vadd.f32 v4, v10  }
0x86: {  	s20 =	sshra.s32 s21, $0x2;
	v19 =	vadd.f32 v19, v16;
	v16 =	vshrl.u32 v6, $0x10;
	v10 =	vmul.f32 $2.500000000e-01, v17;
	v4 =	vld [tilespmem:s19+$0x10020]  }
0x87: {  	v20 =	vld [tilespmem:s20+$0x9030];
	v12 =	vadd.f32 v13, v12;
	v21 =	vadd.f32 v23, v21;
	v23 =	vmul.f32 v8, v8  }
.Ltmp2:
0x88: {  	v26 =	vld [tilespmem:s20+$0x6030];
	v17 =	vmul.f32 $2.500000000e-01, v19;
	v22 =	vadd.f32 v22, v18;
	v24 =	vmul.f32 v10, v10;
	(pc) =	sbr.rel @p0 .LBB2_2-.Ltmp2, $4  }
0x89: {  	v19 =	vshrl.u32 v5, $0x10;
	v18 =	vshrl.u32 v8, $0x10;
	v31 =	vld [tilespmem:s20+$0x2030];
	v13 =	vmul.f32 $2.500000000e-01, v12  }
0x8a: {  	v32 =	vld [tilespmem:s20+$0x30];
	v28 =	vmul.f32 v17, v17;
	v12 =	vmul.f32 $2.500000000e-01, v22;
	v25 =	vadd.f32 v24, v23  }
0x8b: {  	v27 =	vshrl.u32 v17, $0x10;
	v33 =	vld [tilespmem:s20+$0x3030];
	v30 =	vmul.f32 v13, v13;
	v23 =	vshrl.u32 v13, $0x10  }
0x8c: {  	s21 =	sadd.s32 $0x100, s21;
	v24 =	vshrl.u32 v10, $0x10;
	v34 =	vld [tilespmem:s20+$0x1030];
	v29 =	vmul.f32 v12, v12;
	v22 =	vshrl.u32 v12, $0x10  }
0x8d: {  	v35 =	vld [tilespmem:s20+$0x4030]  }
0x8e: {  	v36 =	vld [tilespmem:s20+$0x5030]  }
0x8f: {  	v37 =	vld [tilespmem:s20+$0x7030]  }
0x90: {  	v38 =	vld [tilespmem:s20+$0x8030]  }
0x91: {  	v39 =	vld [tilespmem:s20+$0xA030]  }
0x92: {  	v40 =	vld [tilespmem:s20+$0xB030]  }
0x93: {  	v49 =	vld [tilespmem:s20+$0x1000]  }
0x94: {  	v50 =	vld [tilespmem:s20+$0x4000]  }
0x95: {  	v52 =	vld [tilespmem:s20+$0x10];
	v32 =	vadd.f32 v33, v32;
	v46 =	vadd.f32 v35, v34  }
0x96: {  	v53 =	vld [tilespmem:s20+$0x3010];
	v31 =	vadd.f32 v36, v31  }
0x97: {  	v54 =	vld [tilespmem:s20+$0x10030];
	v26 =	vadd.f32 v26, v32;
	v48 =	vadd.f32 v37, v46  }
0x98: {  	v42 =	vld [tilespmem:s20+$0x4010];
	v31 =	vadd.f32 v38, v31  }
0x99: {  	v43 =	vld [tilespmem:s20+$0x20];
	v20 =	vadd.f32 v20, v26;
	v51 =	vadd.f32 v39, v48  }
0x9a: {  	v44 =	vld [tilespmem:s20+$0x3020];
	v31 =	vadd.f32 v40, v31  }
0x9b: {  	v45 =	vld [tilespmem:s20+$0x1020];
	v20 =	vmul.f32 $2.500000000e-01, v20;
	v26 =	vmul.f32 $2.500000000e-01, v51  }
0x9c: {  	v15 =	vadd.f32 v28, v15;
	v28 =	vld [tilespmem:s20+$0x5000];
	v31 =	vmul.f32 $2.500000000e-01, v31  }
0x9d: {  	v21 =	vadd.f32 v30, v21;
	v30 =	vld [tilespmem:s20+$0x7010];
	v55 =	vmul.f32 v20, v20;
	v41 =	vmul.f32 v26, v26  }
0x9e: {  	v34 =	vld [tilespmem:s20+$0x0]  }
0x9f: {  	v58 =	vand.u32 $0x1, v11;
	v35 =	vld [tilespmem:s20+$0x3000];
	v56 =	vmul.f32 v31, v31;
	v40 =	vadd.f32 v41, v55  }
0xa0: {  	v59 =	vand.u32 $0x1, v27;
	v60 =	vand.u32 $0x1, v19;
	v61 =	vand.u32 $0x1, v23;
	v38 =	vld [tilespmem:s20+$0x1010]  }
0xa1: {  	v62 =	vand.u32 $0x1, v18;
	v13 =	vadd.s32 v61, v13;
	v46 =	vld [tilespmem:s20+$0x7000];
	v40 =	vadd.f32 v56, v40  }
0xa2: {  	v8 =	vadd.s32 v62, v8;
	v13 =	vadd.s32 $0x7FFF, v13;
	vm1 =	vgt.s32 v54, $0x0;
	v39 =	vld [tilespmem:s20+$0x6000]  }
0xa3: {  	v8 =	vadd.s32 $0x7FFF, v8;
	v41 =	vld [tilespmem:s20+$0x4020];
	v40 =	vnsel vm1, $0x7F800000, v40;
	vm1 =	vgt.s32 v2, $0x0  }
0xa4: {  	v2 =	vld [tilespmem:s20+$0x6010];
	[tilespmem:s20+$0xF030] =	vst v40;
	v15 =	vnsel vm1, $0x7F800000, v15;
	vm1 =	vgt.s32 v3, $0x0;
	v3 =	vadd.f32 v29, v25  }
0xa5: {  	v27 =	vand.u32 $0xFFFF0000, v13;
	v40 =	vld [tilespmem:s20+$0x2000];
	[tilespmem:s19+$0xF000] =	vst v15;
	v57 =	vnsel vm1, $0x7F800000, v21;
	vm1 =	vgt.s32 v4, $0x0  }
0xa6: {  	v8 =	vand.u32 $0xFFFF0000, v8;
	v36 =	vadd.f32 v50, v49;
	v21 =	vld [tilespmem:s20+$0x2010];
	[tilespmem:s19+$0xF010] =	vst v57;
	v3 =	vnsel vm1, $0x7F800000, v3  }
0xa7: {  	v34 =	vadd.f32 v35, v34;
	v4 =	vadd.s32 v58, v9;
	v9 =	vld [tilespmem:s20+$0x5010];
	[tilespmem:s19+$0xF020] =	vst v3;
	v3 =	vand.u32 $0x1, v14  }
0xa8: {  	v35 =	vshrl.u32 v20, $0x10;
	v4 =	vadd.s32 $0x7FFF, v4;
	v3 =	vadd.s32 v3, v7  }
0xa9: {  	v51 =	vadd.f32 v53, v52;
	v4 =	vand.u32 $0xFFFF0000, v4;
	v3 =	vadd.s32 $0x7FFF, v3  }
0xaa: {  	v48 =	vshrl.u32 v26, $0x10;
	v7 =	vld [tilespmem:s20+$0x6020];
	[tilespmem:s19+$0xC000] =	vst v4;
	v4 =	vadd.s32 v59, v17;
	v3 =	vand.u32 $0xFFFF0000, v3  }
0xab: {  	v50 =	vshrl.u32 v31, $0x10;
	v11 =	vld [tilespmem:s20+$0x7020];
	v4 =	vadd.s32 $0x7FFF, v4;
	[tilespmem:s19+$0xD000] =	vst v3;
	v3 =	vand.u32 $0x1, v16  }
0xac: {  	v18 =	vand.u32 $0x1, v50;
	v4 =	vand.u32 $0xFFFF0000, v4;
	v3 =	vadd.s32 v3, v6  }
0xad: {  	v13 =	vadd.f32 v39, v34;
	v6 =	vld [tilespmem:s20+$0x2020];
	[tilespmem:s19+$0xE000] =	vst v4;
	v4 =	vadd.s32 v60, v5;
	v3 =	vadd.s32 $0x7FFF, v3  }
0xae: {  	v53 =	vadd.s32 v18, v31;
	v4 =	vadd.s32 $0x7FFF, v4;
	v3 =	vand.u32 $0xFFFF0000, v3  }
0xaf: {  	v55 =	vadd.f32 v42, v38;
	v5 =	vld [tilespmem:s20+$0x5020];
	v4 =	vand.u32 $0xFFFF0000, v4;
	[tilespmem:s19+$0xC010] =	vst v3;
	v3 =	vand.u32 $0x1, v24  }
0xb0: {  	v56 =	vadd.f32 v44, v43;
	v24 =	vand.u32 $0x1, v22;
	v63 =	vld [tilespmem:s20+$0x9000];
	[tilespmem:s19+$0xD010] =	vst v4;
	v3 =	vadd.s32 v3, v10  }
0xb1: {  	v15 =	vand.u32 $0x1, v35;
	v25 =	vadd.s32 v24, v12;
	v29 =	vld [tilespmem:s20+$0xA000];
	[tilespmem:s19+$0xE010] =	vst v27;
	v3 =	vadd.s32 $0x7FFF, v3  }
0xb2: {  	v15 =	vadd.s32 v15, v20;
	v4 =	vadd.s32 $0x7FFF, v25;
	v49 =	vld [tilespmem:s20+$0x8000];
	[tilespmem:s19+$0xC020] =	vst v8;
	v3 =	vand.u32 $0xFFFF0000, v3  }
0xb3: {  	v57 =	vadd.f32 v41, v45;
	v15 =	vadd.s32 $0x7FFF, v15;
	v4 =	vand.u32 $0xFFFF0000, v4;
	v52 =	vld [tilespmem:s20+$0x9010];
	[tilespmem:s19+$0xD020] =	vst v3  }
0xb4: {  	v15 =	vand.u32 $0xFFFF0000, v15;
	v2 =	vadd.f32 v2, v51;
	v59 =	vadd.f32 v28, v40;
	v54 =	vld [tilespmem:s20+$0xA010];
	[tilespmem:s19+$0xE020] =	vst v4  }
0xb5: {  	v16 =	vand.u32 $0x1, v48;
	v60 =	vadd.f32 v30, v55;
	v9 =	vadd.f32 v9, v21;
	v58 =	vld [tilespmem:s20+$0x8010]  }
0xb6: {  	v7 =	vadd.f32 v7, v56;
	v10 =	vadd.f32 v46, v36;
	v3 =	vadd.s32 v16, v26;
	v61 =	vld [tilespmem:s20+$0x9020]  }
0xb7: {  	v5 =	vadd.f32 v5, v6;
	v3 =	vadd.s32 $0x7FFF, v3;
	v13 =	vadd.f32 v63, v13;
	v62 =	vld [tilespmem:s20+$0xA020]  }
0xb8: {  	v16 =	vadd.s32 $0x7FFF, v53;
	v3 =	vand.u32 $0xFFFF0000, v3;
	v32 =	vld [tilespmem:s20+$0x8020];
	v10 =	vadd.f32 v29, v10  }
0xb9: {  	v4 =	vadd.f32 v11, v57;
	v33 =	vld [tilespmem:s20+$0xB000];
	[tilespmem:s20+$0xD030] =	vst v3;
	v3 =	vand.u32 $0xFFFF0000, v16;
	v63 =	vmul.f32 $2.500000000e-01, v13  }
0xba: {  	v53 =	vld [tilespmem:s20+$0x10010];
	[tilespmem:s20+$0xE030] =	vst v3;
	v3 =	vadd.f32 v49, v59;
	v10 =	vmul.f32 $2.500000000e-01, v10;
	v2 =	vadd.f32 v52, v2  }
0xbb: {  	v34 =	vmul.f32 v63, v63;
	v35 =	vshrl.u32 v63, $0x10;
	v8 =	vadd.f32 v54, v60  }
0xbc: {  	v37 =	vld [tilespmem:s20+$0xB010];
	v36 =	vmul.f32 v10, v10;
	v2 =	vmul.f32 $2.500000000e-01, v2;
	v9 =	vadd.f32 v58, v9  }
0xbd: {  	v39 =	vld [tilespmem:s20+$0xB020];
	v38 =	vshrl.u32 v10, $0x10;
	v7 =	vadd.f32 v61, v7;
	v4 =	vadd.f32 v62, v4  }
0xbe: {  	v49 =	vld [tilespmem:s20+$0x10000];
	v5 =	vadd.f32 v32, v5;
	v3 =	vadd.f32 v33, v3;
	v16 =	vand.u32 $0x1, v35  }
0xbf: {  	vm2 =	vgt.s32 v53, $0x0;
	v8 =	vmul.f32 $2.500000000e-01, v8;
	v19 =	vand.u32 $0x1, v38  }
0xc0: {  	v6 =	vadd.s32 v16, v63;
	v14 =	vadd.f32 v36, v34;
	v40 =	vmul.f32 v2, v2  }
0xc1: {  	v7 =	vmul.f32 $2.500000000e-01, v7;
	v42 =	vshrl.u32 v2, $0x10;
	v4 =	vmul.f32 $2.500000000e-01, v4  }
0xc2: {  	v9 =	vadd.f32 v37, v9;
	v3 =	vmul.f32 $2.500000000e-01, v3;
	v5 =	vadd.f32 v39, v5  }
0xc3: {  	vm1 =	vgt.s32 v49, $0x0;
	v10 =	vadd.s32 v19, v10;
	v6 =	vadd.s32 $0x7FFF, v6  }
0xc4: {  	v41 =	vmul.f32 v8, v8;
	v45 =	vshrl.u32 v8, $0x10;
	v11 =	vand.u32 $0x1, v42  }
0xc5: {  	v10 =	vadd.s32 $0x7FFF, v10;
	v6 =	vand.u32 $0xFFFF0000, v6;
	v43 =	vmul.f32 v7, v7  }
0xc6: {  	v44 =	vmul.f32 v4, v4;
	v9 =	vmul.f32 $2.500000000e-01, v9;
	v46 =	vshrl.u32 v7, $0x10  }
0xc7: {  	v48 =	vmul.f32 v3, v3;
	v5 =	vmul.f32 $2.500000000e-01, v5;
	v50 =	vshrl.u32 v3, $0x10  }
0xc8: {  	v55 =	vshrl.u32 v4, $0x10;
	v17 =	vand.u32 $0x1, v45;
	v2 =	vadd.s32 v11, v2  }
0xc9: {  	v10 =	vand.u32 $0xFFFF0000, v10;
	v12 =	vadd.f32 v41, v40;
	v21 =	vand.u32 $0x1, v50  }
0xca: {  	v18 =	vand.u32 $0x1, v46;
	v26 =	vand.u32 $0x1, v55;
	v59 =	vadd.s32 v17, v8  }
0xcb: {  	[tilespmem:s20+$0xC030] =	vst v15;
	v2 =	vadd.s32 $0x7FFF, v2;
	v13 =	vadd.f32 v44, v43;
	v51 =	vmul.f32 v9, v9  }
0xcc: {  	[tilespmem:s20+$0xC000] =	vst v6;
	v52 =	vshrl.u32 v9, $0x10;
	v54 =	vmul.f32 v5, v5;
	v56 =	vshrl.u32 v5, $0x10  }
0xcd: {  	v57 =	vld [tilespmem:s20+$0x10020];
	[tilespmem:s20+$0xD000] =	vst v10;
	v14 =	vadd.f32 v48, v14;
	v6 =	vadd.s32 $0x7FFF, v59;
	v2 =	vand.u32 $0xFFFF0000, v2  }
0xce: {  	v3 =	vadd.s32 v21, v3;
	v23 =	vand.u32 $0x1, v52;
	v6 =	vand.u32 $0xFFFF0000, v6;
	[tilespmem:s20+$0xC010] =	vst v2  }
0xcf: {  	v3 =	vadd.s32 $0x7FFF, v3;
	v2 =	vadd.s32 v26, v4;
	v14 =	vnsel vm1, $0x7F800000, v14;
	[tilespmem:s20+$0xD010] =	vst v6  }
0xd0: {  	v12 =	vadd.f32 v51, v12;
	v3 =	vand.u32 $0xFFFF0000, v3;
	v2 =	vadd.s32 $0x7FFF, v2;
	[tilespmem:s20+$0xF000] =	vst v14  }
0xd1: {  	v58 =	vand.u32 $0x1, v56;
	v13 =	vadd.f32 v54, v13;
	[tilespmem:s20+$0xE000] =	vst v3;
	v2 =	vand.u32 $0xFFFF0000, v2  }
0xd2: {  	vm1 =	vgt.s32 v57, $0x0;
	v60 =	vadd.s32 v23, v9;
	v12 =	vnsel vm2, $0x7F800000, v12;
	[tilespmem:s20+$0xD020] =	vst v2  }
0xd3: {  	v3 =	vadd.s32 v18, v7;
	v61 =	vadd.s32 $0x7FFF, v60;
	v13 =	vnsel vm1, $0x7F800000, v13;
	[tilespmem:s20+$0xF010] =	vst v12  }
0xd4: {  	v5 =	vadd.s32 v58, v5;
	v3 =	vadd.s32 $0x7FFF, v3;
	v62 =	vand.u32 $0xFFFF0000, v61;
	[tilespmem:s20+$0xF020] =	vst v13  }
0xd5: {  	v63 =	vadd.s32 $0x7FFF, v5;
	v3 =	vand.u32 $0xFFFF0000, v3;
	[tilespmem:s20+$0xE010] =	vst v62  }
0xd6: {  	[tilespmem:s20+$0xC020] =	vst v3;
	v3 =	vand.u32 $0xFFFF0000, v63  }
0xd7: {  	s31 =	simm.s32 $0x10000;
	[tilespmem:s20+$0xE020] =	vst v3  }
0xd8: {  	v2 =	vld [tilespmem:s31+$0x0];
	_ =	sdelay $0x4  }
0xd9: {  	vm1 =	vlt.s32 v2, $0x1  }
0xda: {  	v2 =	vmpcnt.ones.xlane vm1;
	_ =	sdelay $0x1  }
0xdb: {  	(v2sf) =	vpush v2, $0x0;
	_ =	sdelay $0x4  }
0xdc: {  	s19 =	simm.s32 $0x0  }
0xdd: {  	v3 =	vor.u32 s19, v0  }
0xde: {  	s21 =	simm.s32 $0x10010;
	[tilespmem:s19+$0x14000] =	vst.msk vm1, v3  }
0xdf: {  	s22 =	simm.s32 $0x20;
	s20 =	simm.s32 $0x10;
	v2 =	vld [tilespmem:s21+$0x0]  }
.LBB2_4:
0xe0: {  	p0 =	sne.s32 s22, $0xFF0;
	_ =	sdelay $0x3  }
0xe1: {  	vm1 =	vlt.s32 v2, $0x1  }
0xe2: {  	v2 =	vmpcnt.ones.xlane vm1  }
0xe3: {  	s23 =	spop (v2sf)  }
0xe4: {  	(v2sf) =	vpush v2, $0x0;
	s19 =	sadd.s32 s19, s23  }
0xe5: {  	p1 =	slt.s32 s19, $0x20  }
0xe6: {  	v2 =	vor.u32 s20, v0;
	s20 =	smov.u32 s22;
	s19 =	simm.s32 @!p1 $0x20  }
0xe7: {  	[tilespmem:s19+$0x14000] =	vst.msk vm1, v2  }
.Ltmp3:
0xe8: {  	(pc) =	sbr.rel @p0 .LBB2_4-.Ltmp3, $3  }
0xe9: {  	_ =	sdelay $0x1  }
0xea: {  	s21 =	sadd.s32 $0x10, s21  }
0xeb: {  	s22 =	sadd.s32 $0x10, s22;
	v2 =	vld [tilespmem:s21+$0x0]  }
0xec: {  	_ =	sdelay $0x3  }
0xed: {  	vm1 =	vlt.s32 v2, $0x1  }
0xee: {  	v2 =	vmpcnt.ones.xlane vm1;
	_ =	sdelay $0x1  }
0xef: {  	(v2sf) =	vpush v2, $0x0;
	_ =	sdelay $0xa  }
0xf0: {  	s21 =	spop (v2sf)  }
0xf1: {  	s19 =	sadd.s32 s19, s21  }
0xf2: {  	p0 =	slt.s32 s19, $0x20  }
0xf3: {  	v2 =	vor.u32 s20, v0;
	s19 =	simm.s32 @!p0 $0x20  }
0xf4: {  	s20 =	simm.s32 $0x0;
	[tilespmem:s19+$0x14000] =	vst.msk vm1, v2;
	s19 =	simm.s32 $0x40;
	s31 =	spop (v2sf)  }
.LBB2_6:
0xf5: {  	p0 =	sne.s32 s19, $0xFC0;
	[tilespmem:s20+$0x13000] =	vst v47;
	s21 =	smov.u32 s19;
	s19 =	sadd.s32 $0x40, s19  }
.Ltmp4:
0xf6: {  	[tilespmem:s20+$0x13800] =	vst v47;
	(pc) =	sbr.rel @p0 .LBB2_6-.Ltmp4, $2  }
0xf7: {  	_ =	sdelay $0x2  }
0xf8: {  	s20 =	sshra.s32 s21, $0x2  }
.Ltmp5:
0xf9: {  	(pc) =	sbr.rel .LBB2_8-.Ltmp5, $3  }
0xfa: {  	_ =	sdelay $0x1  }
0xfb: {  	[tilespmem:s20+$0x13000] =	vst v47  }
0xfc: {  	s19 =	simm.s32 $0x0;
	[tilespmem:s20+$0x13800] =	vst v47  }
.LBB2_25:
0xfd: {  	s19 =	sadd.s32 $0x1, s19  }
0xfe: {  	p0 =	sne.s32 s19, $0x80  }
.Ltmp6:
0xff: {  	_ = 	snop;
	(pc) =	sbr.rel @!p0 .LBB2_26-.Ltmp6, $1  }
0x100: {  	_ =	sdelay $0x3  }
.LBB2_8:
0x101: {  	s20 =	sshll.u32 s19, $0x1  }
0x102: {  	s21 =	sor.u32 s3, s20;
	s20 =	sand.u32 $0xE, s20  }
0x103: {  	p0 =	seq.s32 s21, $0x0;
	p1 =	sne.s32 s20, $0x0  }
0x104: {  	p0 =	por !p0, !p1  }
0x105: {  	s22 =	simm.s32 $0xFFFFFFFF;
	p0 =	por !p0, !p0  }
0x106: {  	s22 =	simm.s32 @!p0 $0x0  }
0x107: {  	s22 =	sshll.u32 s22, $0x4  }
0x108: {  	s21 =	sadd.s32 s21, s22  }
0x109: {  	s21 =	sand.u32 $0xFFFFFFF0, s21  }
0x10a: {  	v2 =	vld [tilespmem:s21+$0x10000]  }
0x10b: {  	v3 =	vld [tilespmem:s21+$0xC000];
	_ =	sdelay $0x2  }
0x10c: {  	v4 =	vmov s20;
	v5 =	vld [tilespmem:s21+$0xD000]  }
0x10d: {  	s20 =	sor.u32 $0x1, s20;
	vm1 =	veq.s32 v4, v0  }
0x10e: {  	v4 =	vmov s20;
	v6 =	vxor.u32 $0x80000000, v2;
	v7 =	vnsel vm1, $0x0, v3  }
0x10f: {  	vm2 =	veq.s32 v4, v0;
	v8 =	vld [tilespmem:s21+$0xE000];
	v4 =	vnsel vm1, $0x1, v6;
	(xrf2) =	vadd.scan.msk.f32 $0xffff, v7  }
0x110: {  	v3 =	vnsel vm2, $0x0, v3;
	(xrf0) =	vmax.scan.msk.u32 $0xffff, v4  }
0x111: {  	(xrf2) =	vadd.scan.msk.f32 $0xffff, v3;
	v3 =	vnsel vm1, $0x0, v5;
	v4 =	vld [tilespmem:s21+$0xF000]  }
0x112: {  	(xrf2) =	vadd.scan.msk.f32 $0xffff, v3;
	v3 =	vnsel vm2, $0x0, v5  }
0x113: {  	(xrf2) =	vadd.scan.msk.f32 $0xffff, v3  }
0x114: {  	vm3 =	vgt.s32 v2, $0x0;
	v3 =	vnsel vm1, $0x0, v8  }
0x115: {  	vm1 =	vmand vm1, vm3;
	(xrf2) =	vadd.scan.msk.f32 $0xffff, v3;
	v3 =	vnsel vm2, $0x0, v8  }
0x116: {  	(xrf2) =	vadd.scan.msk.f32 $0xffff, v3;
	v2 =	vnsel vm1, $0x0, v4;
	vm1 =	vmand vm2, vm3  }
0x117: {  	v3 =	vnsel vm2, $0x1, v6;
	(xrf2) =	vadd.scan.msk.f32 $0xffff, v2;
	v2 =	vnsel vm1, $0x0, v4  }
0x118: {  	v4, _, _ =	vpop (xrf0);
	(xrf0) =	vmax.scan.msk.u32 $0xffff, v3  }
0x119: {  	(xrf2) =	vadd.scan.msk.f32 $0xffff, v2  }
0x11a: {  	s22 =	simm.s32 $0x0;
	v2, _, _ =	vpop (xrf2)  }
0x11b: {  	v20 =	vld [tilespmem:s22+$0xC060];
	v7, _, _ =	vpop (xrf2)  }
0x11c: {  	v22 =	vld [tilespmem:s22+$0xC070];
	v3, _, _ =	vpop (xrf2)  }
0x11d: {  	v24 =	vld [tilespmem:s22+$0xC040];
	v8, _, _ =	vpop (xrf2)  }
0x11e: {  	v42 =	vld [tilespmem:s22+$0xC020];
	(v2sf) =	vpush v4, $0xF;
	v4, _, _ =	vpop (xrf0)  }
0x11f: {  	v52 =	vld [tilespmem:s22+$0xC000];
	v5, _, _ =	vpop (xrf2)  }
0x120: {  	v21 =	vld [tilespmem:s22+$0xD060];
	v2 =	vbroadcast v2, $0xF;
	v6, _, _ =	vpop (xrf2)  }
0x121: {  	v23 =	vld [tilespmem:s22+$0xD070];
	v7 =	vbroadcast v7, $0xF;
	v3 =	vbroadcast v3, $0xF;
	(v2sf) =	vpush v4, $0xF;
	v9, _, _ =	vpop (xrf2)  }
0x122: {  	v27 =	vld [tilespmem:s22+$0xD040];
	v38 =	vmul.f32 v20, v2;
	v43 =	vmul.f32 v22, v2;
	(v2sf) =	vpush v9, $0xF  }
0x123: {  	v45 =	vld [tilespmem:s22+$0xD020];
	v48 =	vmul.f32 v24, v2;
	v56 =	vmul.f32 v42, v2;
	v4, _, _ =	vpop (xrf2)  }
0x124: {  	v55 =	vld [tilespmem:s22+$0xD000];
	v62 =	vmul.f32 v52, v2;
	v8 =	vbroadcast v8, $0xF;
	(v2sf) =	vpush v4, $0xF  }
0x125: {  	v10 =	vld [tilespmem:s22+$0xE060];
	v40 =	vmul.f32 v20, v7;
	v50 =	vmul.f32 v24, v7  }
0x126: {  	v16 =	vld [tilespmem:s22+$0xE070];
	v42 =	vmul.f32 v42, v7;
	v5 =	vbroadcast v5, $0xF  }
0x127: {  	v17 =	vld [tilespmem:s22+$0xE040];
	v39 =	vmul.f32 v21, v3;
	v44 =	vmul.f32 v23, v3  }
0x128: {  	v49 =	vmul.f32 v27, v3;
	v57 =	vmul.f32 v45, v3  }
0x129: {  	v18 =	vld [tilespmem:s22+$0xE050];
	v63 =	vmul.f32 v55, v3;
	v6 =	vbroadcast v6, $0xF  }
0x12a: {  	v41 =	vmul.f32 v21, v8;
	v51 =	vmul.f32 v27, v8  }
0x12b: {  	v11 =	vld [tilespmem:s22+$0xF060];
	v45 =	vmul.f32 v45, v8;
	v30 =	vmul.f32 v10, v5  }
0x12c: {  	v12 =	vld [tilespmem:s22+$0xF070];
	v32 =	vmul.f32 v16, v5;
	v34 =	vmul.f32 v17, v5;
	v38 =	vadd.f32 v39, v38  }
0x12d: {  	v13 =	vld [tilespmem:s22+$0xF040];
	v39 =	vmul.f32 v52, v7;
	v48 =	vadd.f32 v49, v48;
	v52 =	vadd.f32 v57, v56  }
0x12e: {  	v14 =	vld [tilespmem:s22+$0xF050];
	v36 =	vmul.f32 v18, v5;
	v40 =	vadd.f32 v41, v40;
	v41 =	vadd.f32 v44, v43  }
0x12f: {  	v15 =	vld [tilespmem:s22+$0xF020];
	v31 =	vmul.f32 v10, v6;
	v49 =	vadd.f32 v51, v50;
	v42 =	vadd.f32 v45, v42;
	s31 =	spop (v2sf)  }
0x130: {  	v25 =	vld [tilespmem:s22+$0xF030];
	v43 =	vmul.f32 v55, v8;
	v55 =	vadd.f32 v63, v62;
	v30 =	vadd.f32 v30, v38;
	s21 =	sxor.u32 $0x80000000, s31;
	s23 =	spop (v2sf)  }
0x131: {  	v47 =	vld [tilespmem:s22+$0xC030];
	v35 =	vmul.f32 v17, v6;
	v34 =	vadd.f32 v34, v48;
	v31 =	vadd.f32 v31, v40;
	p0 =	sgt.s32 s21, $0x0;
	s24 =	spop (v2sf)  }
0x132: {  	v26 =	vld [tilespmem:s22+$0xF000];
	v33 =	vmul.f32 v16, v6;
	v39 =	vadd.f32 v43, v39;
	v32 =	vadd.f32 v32, v41;
	s20 =	sxor.u32 $0x80000000, s23;
	s24 =	simm.s32 @!p0 $0x7F800000  }
0x133: {  	v28 =	vld [tilespmem:s22+$0xF010];
	v35 =	vadd.f32 v35, v49;
	v40 =	vadd.f32 v31, v31;
	s23 =	spop (v2sf);
	p0 =	sgt.s32 s20, $0x0;
	v4 =	vmov s24  }
0x134: {  	v58 =	vld [tilespmem:s22+$0xC010];
	v37 =	vmul.f32 v18, v6;
	v41 =	vadd.f32 v32, v32;
	s23 =	simm.s32 @!p0 $0x7F800000;
	v10 =	vadd.f32 v11, v4  }
0x135: {  	v61 =	vld [tilespmem:s22+$0xD010];
	v9 =	vmov s23;
	v16 =	vadd.f32 v12, v4;
	v18 =	vadd.f32 v13, v4  }
0x136: {  	v59 =	vmul.f32 v47, v2;
	v20 =	vadd.f32 v14, v4;
	v17 =	vadd.f32 v12, v9;
	v12 =	vld [tilespmem:s22+$0xC050]  }
0x137: {  	v47 =	vmul.f32 v47, v7;
	v24 =	vadd.f32 v25, v4;
	v19 =	vadd.f32 v13, v9;
	v13 =	vld [tilespmem:s22+$0xD050]  }
0x138: {  	v46 =	vmul.f32 v23, v8;
	v29 =	vadd.f32 v26, v4;
	v21 =	vadd.f32 v14, v9  }
0x139: {  	v14 =	vmul.f32 v22, v7;
	v22 =	vadd.f32 v15, v4;
	v23 =	vadd.f32 v15, v9;
	v15 =	vld [tilespmem:s22+$0xD030]  }
0x13a: {  	v51 =	vmul.f32 v61, v3;
	v27 =	vadd.f32 v28, v4;
	v11 =	vadd.f32 v11, v9  }
0x13b: {  	v25 =	vadd.f32 v25, v9;
	v14 =	vadd.f32 v46, v14;
	v46 =	vmul.f32 v58, v2  }
0x13c: {  	v44 =	vld [tilespmem:s22+$0xE020];
	v26 =	vadd.f32 v26, v9;
	v53 =	vmul.f32 v12, v2;
	v54 =	vmul.f32 v13, v3  }
0x13d: {  	v62 =	vld [tilespmem:s22+$0xE010];
	v28 =	vadd.f32 v28, v9;
	v12 =	vmul.f32 v12, v7;
	v13 =	vmul.f32 v13, v8  }
0x13e: {  	v43 =	vadd.f32 v51, v46;
	v14 =	vadd.f32 v33, v14;
	v60 =	vmul.f32 v15, v3  }
0x13f: {  	v15 =	vmul.f32 v15, v8;
	v50 =	vadd.f32 v54, v53;
	v12 =	vadd.f32 v13, v12  }
0x140: {  	v13 =	vmul.f32 v58, v7;
	v45 =	vadd.f32 v60, v59;
	v60 =	vmul.f32 v61, v8  }
0x141: {  	v15 =	vadd.f32 v15, v47;
	v61 =	vmul.f32 v44, v5;
	v44 =	vmul.f32 v44, v6  }
0x142: {  	v53 =	vld [tilespmem:s22+$0xE030];
	v59 =	vmul.f32 v62, v5;
	v13 =	vadd.f32 v60, v13;
	v57 =	vadd.f32 v36, v50  }
0x143: {  	v54 =	vld [tilespmem:s22+$0xE000];
	v46 =	vadd.f32 v61, v52;
	v12 =	vadd.f32 v37, v12  }
0x144: {  	v62 =	vmul.f32 v62, v6;
	v60 =	vadd.f32 v44, v42;
	v37 =	vadd.f32 v59, v43  }
0x145: {  	v42 =	vadd.f32 v34, v34;
	v43 =	vadd.f32 v14, v14  }
0x146: {  	v44 =	vadd.f32 v35, v35;
	v38 =	vadd.f32 v62, v13  }
0x147: {  	v35 =	vadd.f32 v57, v57;
	v34 =	vadd.f32 v46, v46  }
0x148: {  	v33 =	vadd.f32 v12, v12;
	v63 =	vmul.f32 v53, v5;
	v56 =	vmul.f32 v54, v5  }
0x149: {  	v32 =	vadd.f32 v60, v60;
	v53 =	vmul.f32 v53, v6;
	v58 =	vmul.f32 v54, v6  }
0x14a: {  	v14 =	vimm.f32 $+Inf;
	v45 =	vadd.f32 v63, v45;
	v61 =	vadd.f32 v56, v55  }
0x14b: {  	v46 =	vimm.f32 $+Inf;
	v63 =	vadd.f32 v53, v15;
	v36 =	vadd.f32 v58, v39  }
0x14c: {  	v13 =	vimm.f32 $+Inf;
	v39 =	vadd.f32 v30, v30;
	v31 =	vadd.f32 v45, v45  }
0x14d: {  	s23 =	simm.s32 $0x200;
	v15 =	vimm.f32 $+Inf;
	v45 =	vadd.f32 v61, v61;
	v30 =	vadd.f32 v63, v63  }
.LBB2_9:
0x14e: {  	v36 =	vadd.f32 v36, v36;
	v37 =	vadd.f32 v37, v37  }
0x14f: {  	v38 =	vadd.f32 v38, v38;
	v16 =	vsub.f32 v16, v41  }
0x150: {  	v18 =	vsub.f32 v18, v42;
	v17 =	vsub.f32 v17, v43  }
0x151: {  	v19 =	vsub.f32 v19, v44;
	v20 =	vsub.f32 v20, v35  }
0x152: {  	v22 =	vsub.f32 v22, v34;
	v21 =	vsub.f32 v21, v33  }
0x153: {  	s24 =	sshra.s32 s23, $0x2;
	v23 =	vsub.f32 v23, v32;
	v24 =	vsub.f32 v24, v31  }
0x154: {  	v54 =	vld [tilespmem:s24+$0xF060];
	v29 =	vsub.f32 v29, v45;
	v25 =	vsub.f32 v25, v30  }
0x155: {  	v31 =	vld [tilespmem:s24+$0xF070];
	v26 =	vsub.f32 v26, v36;
	v10 =	vsub.f32 v10, v39  }
0x156: {  	v30 =	vld [tilespmem:s24+$0xF040];
	v27 =	vsub.f32 v27, v37;
	v11 =	vsub.f32 v11, v40  }
0x157: {  	v55 =	vld [tilespmem:s24+$0xF050];
	v28 =	vsub.f32 v28, v38;
	v58 =	vmax.f32 v16, $0.0e+00;
	v10 =	vmax.f32 v10, $0.0e+00  }
0x158: {  	v57 =	vld [tilespmem:s24+$0xF020];
	v59 =	vmax.f32 v17, $0.0e+00;
	v56 =	vmax.f32 v11, $0.0e+00;
	v11 =	vmax.f32 v18, $0.0e+00;
	[tilespmem:s22+$0x11060] =	vst v10  }
0x159: {  	v16 =	vmax.f32 v29, $0.0e+00;
	v17 =	vmax.f32 v19, $0.0e+00;
	v19 =	vmax.f32 v21, $0.0e+00;
	v38 =	vld [tilespmem:s24+$0xF030];
	[tilespmem:s22+$0x11040] =	vst v11  }
0x15a: {  	v15 =	vmin.f32 v15, v16;
	v18 =	vmax.f32 v20, $0.0e+00;
	v39 =	vld [tilespmem:s24+$0xF000];
	[tilespmem:s22+$0x11000] =	vst v16;
	v16 =	vmax.f32 v22, $0.0e+00  }
0x15b: {  	v20 =	vmax.f32 v23, $0.0e+00;
	v23 =	vmax.f32 v25, $0.0e+00;
	v25 =	vmax.f32 v27, $0.0e+00;
	v40 =	vld [tilespmem:s24+$0xF010];
	[tilespmem:s22+$0x11020] =	vst v16  }
0x15c: {  	v22 =	vmax.f32 v26, $0.0e+00;
	v26 =	vmax.f32 v28, $0.0e+00;
	v15 =	vmin.f32 v15, v16;
	v21 =	vld [tilespmem:s24+$0xE060];
	[tilespmem:s22+$0x12020] =	vst v20  }
0x15d: {  	v16 =	vmax.f32 v24, $0.0e+00;
	v12 =	vmin.f32 v13, v26;
	v11 =	vmin.f32 v15, v11;
	v24 =	vld [tilespmem:s24+$0xE070];
	[tilespmem:s22+$0x12000] =	vst v22  }
0x15e: {  	v12 =	vmin.f32 v12, v23;
	v15 =	vmin.f32 v11, v10;
	v10 =	vmin.f32 v46, v22;
	v27 =	vld [tilespmem:s24+$0xE040];
	[tilespmem:s22+$0x11010] =	vst v25  }
0x15f: {  	v11 =	vmin.f32 v14, v25;
	v13 =	vmin.f32 v12, v19;
	v10 =	vmin.f32 v10, v20;
	v22 =	vld [tilespmem:s24+$0xE050];
	[tilespmem:s22+$0x12010] =	vst v26  }
0x160: {  	v11 =	vmin.f32 v11, v16;
	v13 =	vmin.f32 v13, v59;
	v10 =	vmin.f32 v10, v17;
	v20 =	vld [tilespmem:s24+$0xC060];
	[tilespmem:s22+$0x11030] =	vst v16  }
0x161: {  	v11 =	vmin.f32 v11, v18;
	v1 =	vmin.f32 v10, v56;
	v16 =	vadd.f32 v31, v4;
	v25 =	vld [tilespmem:s24+$0xD060];
	[tilespmem:s22+$0x12030] =	vst v23  }
0x162: {  	[tilespmem:$0x1FFF0] =	vst v1;
	v41 =	vmul.f32 v21, v5;
	v42 =	vmul.f32 v21, v6;
	v1 =	vadd.f32 v54, v4  }
0x163: {  	v21 =	vadd.f32 v55, v9;
	v23 =	vld [tilespmem:s24+$0xC070];
	[tilespmem:s22+$0x12040] =	vst v17;
	v33 =	vmul.f32 v24, v5;
	v43 =	vmul.f32 v24, v6  }
0x164: {  	v17 =	vadd.f32 v31, v9;
	[tilespmem:$0x1FFD0] =	vst v1;
	v1 =	vadd.f32 v54, v9;
	v44 =	vmul.f32 v27, v5  }
0x165: {  	v26 =	vld [tilespmem:s24+$0xD070];
	[tilespmem:s22+$0x11050] =	vst v18;
	v45 =	vmul.f32 v27, v6;
	v18 =	vadd.f32 v30, v4;
	v46 =	vmul.f32 v22, v5  }
0x166: {  	v24 =	vld [tilespmem:s24+$0xC040];
	[tilespmem:s22+$0x12050] =	vst v19;
	v47 =	vmul.f32 v22, v6;
	v19 =	vadd.f32 v30, v9;
	v22 =	vadd.f32 v57, v4  }
0x167: {  	v27 =	vld [tilespmem:s24+$0xD040];
	v31 =	vmul.f32 v20, v2;
	v30 =	vmul.f32 v20, v7;
	v20 =	vadd.f32 v55, v4  }
0x168: {  	v34 =	vmul.f32 v25, v3;
	v36 =	vmul.f32 v25, v8;
	v25 =	vadd.f32 v38, v9  }
0x169: {  	[tilespmem:s22+$0x12060] =	vst v56;
	v48 =	vmul.f32 v23, v2;
	v32 =	vmul.f32 v23, v7;
	v23 =	vadd.f32 v57, v9  }
0x16a: {  	v28 =	vld [tilespmem:s24+$0xC050];
	[tilespmem:s22+$0x11070] =	vst v58;
	v49 =	vmul.f32 v26, v3;
	v51 =	vmul.f32 v26, v8;
	v26 =	vadd.f32 v39, v9  }
0x16b: {  	v29 =	vld [tilespmem:s24+$0xD050];
	[tilespmem:s22+$0x12070] =	vst v59;
	s22 =	smov.u32 s24;
	v31 =	vadd.f32 v34, v31;
	v30 =	vadd.f32 v36, v30;
	v53 =	vmul.f32 v24, v2  }
0x16c: {  	v37 =	vld [tilespmem:s22+$0xC020];
	v55 =	vmul.f32 v24, v7;
	v24 =	vadd.f32 v38, v4;
	v54 =	vmul.f32 v27, v3  }
0x16d: {  	v50 =	vld [tilespmem:s22+$0xD020];
	v56 =	vmul.f32 v27, v8;
	v27 =	vadd.f32 v40, v4;
	v36 =	vadd.f32 v49, v48  }
0x16e: {  	v14 =	vmin.f32 v11, v58;
	v52 =	vld [tilespmem:s22+$0xC030];
	v32 =	vadd.f32 v51, v32;
	v31 =	vadd.f32 v41, v31  }
0x16f: {  	v35 =	vld [tilespmem:s22+$0xD030];
	v30 =	vadd.f32 v42, v30;
	v58 =	vmul.f32 v28, v2;
	v38 =	vmul.f32 v28, v7  }
0x170: {  	v57 =	vld [tilespmem:s22+$0xC000];
	v28 =	vadd.f32 v40, v9;
	v59 =	vmul.f32 v29, v3;
	v61 =	vmul.f32 v29, v8  }
0x171: {  	v60 =	vld [tilespmem:s22+$0xD000];
	v29 =	vadd.f32 v39, v4;
	v53 =	vadd.f32 v54, v53;
	v62 =	vmul.f32 v37, v2  }
0x172: {  	v54 =	vadd.f32 v56, v55;
	v63 =	vmul.f32 v50, v3;
	v37 =	vmul.f32 v37, v7  }
0x173: {  	[tilespmem:$0x1FFE0] =	vst v1;
	v33 =	vadd.f32 v33, v36;
	v39 =	vmul.f32 v50, v8;
	v1 =	vmul.f32 v52, v2  }
0x174: {  	v11 =	vld [tilespmem:s22+$0xD010];
	v32 =	vadd.f32 v43, v32;
	v10 =	vmul.f32 v35, v3;
	v40 =	vmul.f32 v52, v7  }
0x175: {  	v35 =	vmul.f32 v35, v8;
	v52 =	vmul.f32 v57, v2;
	v55 =	vadd.f32 v59, v58  }
0x176: {  	v49 =	vld [tilespmem:s22+$0xE020];
	v12 =	vmul.f32 v60, v3;
	v38 =	vadd.f32 v61, v38;
	v53 =	vadd.f32 v44, v53  }
0x177: {  	v34 =	vmul.f32 v57, v7;
	v58 =	vadd.f32 v45, v54;
	v41 =	vadd.f32 v33, v33  }
0x178: {  	v50 =	vld [tilespmem:s22+$0xC010];
	v48 =	vmul.f32 v60, v8;
	v43 =	vadd.f32 v32, v32;
	v57 =	vadd.f32 v63, v62  }
0x179: {  	v56 =	vmul.f32 v11, v3;
	v60 =	vld [tilespmem:s22+$0xE030];
	v37 =	vadd.f32 v39, v37;
	v1 =	vadd.f32 v10, v1  }
0x17a: {  	v11 =	vmul.f32 v11, v8;
	v12 =	vadd.f32 v12, v52;
	v35 =	vadd.f32 v35, v40  }
0x17b: {  	v34 =	vadd.f32 v48, v34;
	v61 =	vmul.f32 v49, v5;
	v40 =	vadd.f32 v30, v30  }
0x17c: {  	v10 =	vld [tilespmem:s22+$0xE000];
	v49 =	vmul.f32 v49, v6;
	v59 =	vadd.f32 v46, v55;
	v47 =	vadd.f32 v47, v38  }
0x17d: {  	v62 =	vld [tilespmem:s22+$0xE010];
	v42 =	vadd.f32 v53, v53;
	v44 =	vadd.f32 v58, v58;
	v51 =	vmul.f32 v50, v2  }
0x17e: {  	v49 =	vadd.f32 v49, v37;
	v50 =	vmul.f32 v50, v7;
	v63 =	vmul.f32 v60, v5  }
0x17f: {  	v52 =	vmul.f32 v60, v6;
	v60 =	vadd.f32 v61, v57;
	v33 =	vadd.f32 v47, v47  }
0x180: {  	v32 =	vadd.f32 v49, v49;
	v39 =	vadd.f32 v56, v51  }
0x181: {  	v11 =	vadd.f32 v11, v50;
	v56 =	vmul.f32 v10, v5;
	v10 =	vmul.f32 v10, v6  }
0x182: {  	p0 =	sne.s32 s23, $0x3E00;
	v61 =	vmul.f32 v62, v5;
	v1 =	vadd.f32 v63, v1;
	v63 =	vadd.f32 v52, v35  }
.Ltmp7:
0x183: {  	v62 =	vmul.f32 v62, v6;
	v35 =	vadd.f32 v59, v59;
	v12 =	vadd.f32 v56, v12;
	(pc) =	sbr.rel @p0 .LBB2_9-.Ltmp7, $4  }
0x184: {  	v36 =	vadd.f32 v10, v34;
	v37 =	vadd.f32 v61, v39  }
0x185: {  	v46 =	vld [tilespmem:$0x1FFF0];
	v38 =	vadd.f32 v62, v11;
	v39 =	vadd.f32 v31, v31  }
0x186: {  	v10 =	vld [tilespmem:$0x1FFD0];
	v34 =	vadd.f32 v60, v60;
	v31 =	vadd.f32 v1, v1  }
0x187: {  	s23 =	sadd.s32 $0x200, s23;
	v11 =	vld [tilespmem:$0x1FFE0];
	v30 =	vadd.f32 v63, v63;
	v45 =	vadd.f32 v12, v12  }
0x188: {  	v1 =	vadd.f32 v36, v36;
	v2 =	vadd.f32 v37, v37  }
0x189: {  	v3 =	vadd.f32 v38, v38;
	v6 =	vsub.f32 v16, v41  }
0x18a: {  	v7 =	vsub.f32 v18, v42;
	v8 =	vsub.f32 v17, v43  }
0x18b: {  	v9 =	vsub.f32 v19, v44;
	v12 =	vsub.f32 v22, v34  }
0x18c: {  	v56 =	vsub.f32 v20, v35;
	v58 =	vsub.f32 v23, v32;
	v7 =	vmax.f32 v7, $0.0e+00  }
0x18d: {  	v57 =	vsub.f32 v21, v33;
	v59 =	vsub.f32 v24, v31;
	v12 =	vmax.f32 v12, $0.0e+00;
	[tilespmem:s22+$0x11040] =	vst v7  }
0x18e: {  	v55 =	vsub.f32 v29, v45;
	v60 =	vsub.f32 v25, v30;
	v17 =	vmax.f32 v58, $0.0e+00;
	[tilespmem:s22+$0x11020] =	vst v12  }
0x18f: {  	v1 =	vsub.f32 v26, v1;
	v2 =	vsub.f32 v27, v2;
	v61 =	vmax.f32 v59, $0.0e+00;
	[tilespmem:s22+$0x12020] =	vst v17  }
0x190: {  	v3 =	vsub.f32 v28, v3;
	v6 =	vmax.f32 v6, $0.0e+00;
	v9 =	vmax.f32 v9, $0.0e+00;
	[tilespmem:s22+$0x11030] =	vst v61  }
0x191: {  	v8 =	vmax.f32 v8, $0.0e+00;
	v63 =	vmax.f32 v57, $0.0e+00;
	v4 =	vsub.f32 v10, v39;
	[tilespmem:s22+$0x12040] =	vst v9  }
0x192: {  	v10 =	vmax.f32 v55, $0.0e+00;
	v62 =	vmax.f32 v60, $0.0e+00;
	[tilespmem:s22+$0x12050] =	vst v63;
	v5 =	vsub.f32 v11, v40  }
0x193: {  	[tilespmem:s22+$0x11000] =	vst v10;
	v1 =	vmax.f32 v1, $0.0e+00;
	v2 =	vmax.f32 v2, $0.0e+00;
	v10 =	vmin.f32 v15, v10  }
0x194: {  	v3 =	vmax.f32 v3, $0.0e+00;
	v11 =	vmax.f32 v56, $0.0e+00;
	v4 =	vmax.f32 v4, $0.0e+00;
	[tilespmem:s22+$0x12000] =	vst v1  }
0x195: {  	[tilespmem:s22+$0x11010] =	vst v2;
	v10 =	vmin.f32 v10, v12;
	v2 =	vmin.f32 v14, v2;
	v1 =	vmin.f32 v46, v1  }
0x196: {  	[tilespmem:s22+$0x12010] =	vst v3;
	v3 =	vmin.f32 v13, v3;
	v5 =	vmax.f32 v5, $0.0e+00;
	v2 =	vmin.f32 v2, v61  }
0x197: {  	[tilespmem:s22+$0x11070] =	vst v6;
	v7 =	vmin.f32 v10, v7;
	v1 =	vmin.f32 v1, v17;
	v2 =	vmin.f32 v2, v11  }
0x198: {  	[tilespmem:s22+$0x11060] =	vst v4;
	v3 =	vmin.f32 v3, v62;
	v4 =	vmin.f32 v7, v4;
	v2 =	vmin.f32 v2, v6  }
0x199: {  	[tilespmem:s22+$0x12070] =	vst v8;
	v1 =	vmin.f32 v1, v9;
	v3 =	vmin.f32 v3, v63;
	v2 =	vmax.f32 v4, v2  }
0x19a: {  	[tilespmem:s22+$0x12030] =	vst v62;
	v1 =	vmin.f32 v1, v5;
	v3 =	vmin.f32 v3, v8;
	(xrf0) =	vmax.scan.msk.f32 $0xffff, v2  }
0x19b: {  	[tilespmem:s22+$0x11050] =	vst v11;
	v1 =	vmax.f32 v1, v3  }
0x19c: {  	[tilespmem:s22+$0x12060] =	vst v5;
	s22 =	simm.s32 $0x11020;
	(xrf0) =	vmax.scan.msk.f32 $0xffff, v1  }
0x19d: {  	v1 =	vld [tilespmem:s22+$0xFFFFFFE0]  }
0x19e: {  	s23 =	simm.s32 $0x12020  }
0x19f: {  	v4 =	vld [tilespmem:s23+$0xFFFFFFE0]  }
0x1a0: {  	v2, _, _ =	vpop (xrf0)  }
0x1a1: {  	v3 =	vbroadcast v2, $0xF  }
0x1a2: {  	vm1 =	vlt.f32 v1, $+Inf;
	vm2 =	vgt.f32 v1, $+Inf;
	v2, _, _ =	vpop (xrf0)  }
0x1a3: {  	vm1 =	vmor vm2, vm1;
	v2 =	vbroadcast v2, $0xF;
	vm3 =	vle.f32 v1, v3  }
0x1a4: {  	vm2 =	vlt.f32 v4, $+Inf;
	vm1 =	vmand vm3, vm1;
	vm3 =	vgt.f32 v4, $+Inf  }
0x1a5: {  	s24 =	simm.s32 $0x0;
	vm4 =	vle.f32 v4, v2;
	vm2 =	vmor vm3, vm2;
	v5 =	vmpcnt.ones.xlane vm1  }
0x1a6: {  	v6 =	vor.u32 s24, v0;
	[tilespmem:s24+$0x13000] =	vst.msk vm1, v1;
	vm2 =	vmand vm4, vm2  }
0x1a7: {  	[tilespmem:s24+$0x13400] =	vst.msk vm1, v6;
	v1 =	vmpcnt.ones.xlane vm2;
	(v2sf) =	vpush v5, $0x0  }
0x1a8: {  	[tilespmem:s24+$0x13800] =	vst.msk vm2, v4  }
0x1a9: {  	[tilespmem:s24+$0x13C00] =	vst.msk vm2, v6;
	(v2sf) =	vpush v1, $0x0  }
0x1aa: {  	v1 =	vld [tilespmem:s22+$0xFFFFFFF0];
	_ =	sdelay $0x1  }
0x1ab: {  	v4 =	vld [tilespmem:s23+$0xFFFFFFF0];
	_ =	sdelay $0x2  }
0x1ac: {  	vm1 =	vlt.f32 v1, $+Inf;
	vm2 =	vgt.f32 v1, $+Inf  }
0x1ad: {  	vm3 =	vle.f32 v1, v3;
	vm1 =	vmor vm2, vm1  }
0x1ae: {  	vm13 =	vgt.f32 v4, $+Inf;
	vm2 =	vlt.f32 v4, $+Inf;
	vm1 =	vmand vm3, vm1  }
0x1af: {  	vm3 =	vle.f32 v4, v2;
	vm2 =	vmor vm13, vm2;
	v5 =	vmpcnt.ones.xlane vm1  }
0x1b0: {  	vm2 =	vmand vm3, vm2  }
0x1b1: {  	v6 =	vmpcnt.ones.xlane vm2;
	(v2sf) =	vpush v5, $0x0;
	_ =	sdelay $0x1  }
0x1b2: {  	(v2sf) =	vpush v6, $0x0;
	s26 =	spop (v2sf)  }
0x1b3: {  	s24 =	sadd.s32 $0x0, s26  }
0x1b4: {  	p0 =	slt.s32 s24, $0x3F0;
	s25 =	spop (v2sf)  }
0x1b5: {  	s26 =	simm.s32 $0x10;
	s24 =	simm.s32 @!p0 $0x3F0;
	s25 =	sadd.s32 $0x0, s25  }
0x1b6: {  	p0 =	slt.s32 s25, $0x3F0;
	[tilespmem:s24+$0x13000] =	vst.msk vm1, v1;
	v1 =	vor.u32 s26, v0  }
0x1b7: {  	s25 =	simm.s32 @!p0 $0x3F0;
	[tilespmem:s24+$0x13400] =	vst.msk vm1, v1  }
0x1b8: {  	[tilespmem:s25+$0x13800] =	vst.msk vm2, v4  }
0x1b9: {  	[tilespmem:s25+$0x13C00] =	vst.msk vm2, v1  }
0x1ba: {  	v1 =	vld [tilespmem:s22+$0x0];
	_ =	sdelay $0x1  }
0x1bb: {  	v4 =	vld [tilespmem:s23+$0x0];
	_ =	sdelay $0x2  }
0x1bc: {  	s31 =	spop (v2sf);
	vm1 =	vlt.f32 v1, $+Inf;
	vm2 =	vgt.f32 v1, $+Inf  }
0x1bd: {  	s24 =	sadd.s32 s24, s31;
	vm3 =	vle.f32 v1, v3;
	vm1 =	vmor vm2, vm1  }
0x1be: {  	s0 =	spop (v2sf);
	p0 =	slt.s32 s24, $0x3F0;
	vm2 =	vlt.f32 v4, $+Inf;
	vm1 =	vmand vm3, vm1;
	vm3 =	vgt.f32 v4, $+Inf  }
0x1bf: {  	s1 =	simm.s32 $0x20;
	vm14 =	vle.f32 v4, v2;
	s25 =	sadd.s32 s25, s0;
	s24 =	simm.s32 @!p0 $0x3F0;
	vm2 =	vmor vm3, vm2;
	v5 =	vmpcnt.ones.xlane vm1  }
0x1c0: {  	p0 =	slt.s32 s25, $0x3F0;
	[tilespmem:s24+$0x13000] =	vst.msk vm1, v1;
	v1 =	vor.u32 s1, v0;
	vm2 =	vmand vm14, vm2  }
0x1c1: {  	s25 =	simm.s32 @!p0 $0x3F0;
	[tilespmem:s24+$0x13400] =	vst.msk vm1, v1;
	v6 =	vmpcnt.ones.xlane vm2;
	(v2sf) =	vpush v5, $0x0  }
0x1c2: {  	[tilespmem:s25+$0x13800] =	vst.msk vm2, v4  }
0x1c3: {  	[tilespmem:s25+$0x13C00] =	vst.msk vm2, v1;
	(v2sf) =	vpush v6, $0x0  }
0x1c4: {  	v1 =	vld [tilespmem:s22+$0x10]  }
0x1c5: {  	v4 =	vld [tilespmem:s23+$0x10];
	_ =	sdelay $0x3  }
0x1c6: {  	vm1 =	vle.f32 v1, v3;
	vm2 =	vlt.f32 v1, $+Inf;
	vm3 =	vgt.f32 v1, $+Inf  }
0x1c7: {  	vm15 =	vgt.f32 v4, $+Inf;
	vm2 =	vmor vm3, vm2;
	vm3 =	vlt.f32 v4, $+Inf  }
0x1c8: {  	vm1 =	vmand vm1, vm2;
	vm2 =	vle.f32 v4, v2;
	vm3 =	vmor vm15, vm3  }
0x1c9: {  	vm2 =	vmand vm2, vm3;
	v5 =	vmpcnt.ones.xlane vm1  }
0x1ca: {  	v6 =	vmpcnt.ones.xlane vm2  }
0x1cb: {  	(v2sf) =	vpush v5, $0x0  }
0x1cc: {  	(v2sf) =	vpush v6, $0x0  }
0x1cd: {  	s23 =	spop (v2sf)  }
0x1ce: {  	s26 =	sadd.s32 s24, s23  }
0x1cf: {  	p0 =	slt.s32 s26, $0x3F0;
	s24 =	spop (v2sf)  }
0x1d0: {  	s26 =	simm.s32 @!p0 $0x3F0;
	s29 =	sadd.s32 s25, s24;
	s25 =	simm.s32 $0x30  }
0x1d1: {  	p0 =	slt.s32 s29, $0x3F0;
	[tilespmem:s26+$0x13000] =	vst.msk vm1, v1;
	v1 =	vor.u32 s25, v0  }
0x1d2: {  	s29 =	simm.s32 @!p0 $0x3F0;
	[tilespmem:s26+$0x13400] =	vst.msk vm1, v1  }
0x1d3: {  	[tilespmem:s29+$0x13800] =	vst.msk vm2, v4  }
0x1d4: {  	s23 =	simm.s32 $0x11060;
	[tilespmem:s29+$0x13C00] =	vst.msk vm2, v1  }
0x1d5: {  	v5 =	vld [tilespmem:s23+$0xFFFFFFE0];
	_ =	sdelay $0x1  }
0x1d6: {  	s24 =	simm.s32 $0x12060  }
0x1d7: {  	v4 =	vld [tilespmem:s24+$0xFFFFFFE0];
	_ =	sdelay $0x1  }
0x1d8: {  	s22 =	simm.s32 $0x40;
	s31 =	spop (v2sf);
	vm2 =	vlt.f32 v5, $+Inf;
	vm3 =	vgt.f32 v5, $+Inf  }
0x1d9: {  	s30 =	simm.s32 $0x80;
	v6 =	vor.u32 s22, v0;
	vm1 =	vle.f32 v5, v3;
	s28 =	sadd.s32 s26, s31;
	s26 =	spop (v2sf);
	vm2 =	vmor vm3, vm2  }
.LBB2_11:
0x1da: {  	p1 =	slt.s32 s28, $0x3F0  }
0x1db: {  	vm1 =	vmand vm1, vm2;
	vm2 =	vlt.f32 v4, $+Inf;
	vm3 =	vgt.f32 v4, $+Inf;
	s29 =	sadd.s32 s29, s26;
	s26 =	smov.u32 s30;
	s25 =	sadd.s32 $0x40, s30  }
0x1dc: {  	p0 =	sne.s32 s30, $0xFC0;
	vm4 =	vle.f32 v4, v2;
	vm2 =	vmor vm3, vm2;
	v1 =	vmpcnt.ones.xlane vm1;
	s28 =	simm.s32 @!p1 $0x3F0;
	p1 =	slt.s32 s29, $0x3F0  }
0x1dd: {  	vm2 =	vmand vm4, vm2;
	[tilespmem:s28+$0x13000] =	vst.msk vm1, v5;
	s29 =	simm.s32 @!p1 $0x3F0  }
0x1de: {  	v5 =	vmpcnt.ones.xlane vm2;
	[tilespmem:s28+$0x13400] =	vst.msk vm1, v6;
	(v2sf) =	vpush v1, $0x0  }
0x1df: {  	[tilespmem:s29+$0x13800] =	vst.msk vm2, v4  }
0x1e0: {  	[tilespmem:s29+$0x13C00] =	vst.msk vm2, v6;
	(v2sf) =	vpush v5, $0x0  }
0x1e1: {  	v1 =	vld [tilespmem:s23+$0xFFFFFFF0]  }
0x1e2: {  	v4 =	vld [tilespmem:s24+$0xFFFFFFF0];
	_ =	sdelay $0x3  }
0x1e3: {  	vm1 =	vle.f32 v1, v3;
	vm2 =	vlt.f32 v1, $+Inf;
	vm3 =	vgt.f32 v1, $+Inf  }
0x1e4: {  	vm2 =	vmor vm3, vm2;
	vm3 =	vlt.f32 v4, $+Inf;
	vm4 =	vgt.f32 v4, $+Inf  }
0x1e5: {  	vm1 =	vmand vm1, vm2;
	vm2 =	vle.f32 v4, v2;
	vm3 =	vmor vm4, vm3  }
0x1e6: {  	vm2 =	vmand vm2, vm3;
	v5 =	vmpcnt.ones.xlane vm1  }
0x1e7: {  	v6 =	vmpcnt.ones.xlane vm2  }
0x1e8: {  	(v2sf) =	vpush v5, $0x0  }
0x1e9: {  	(v2sf) =	vpush v6, $0x0  }
0x1ea: {  	s30 =	spop (v2sf)  }
0x1eb: {  	s28 =	sadd.s32 s28, s30  }
0x1ec: {  	p1 =	slt.s32 s28, $0x3F0;
	s30 =	spop (v2sf)  }
0x1ed: {  	s28 =	simm.s32 @!p1 $0x3F0;
	s29 =	sadd.s32 s29, s30;
	s30 =	sadd.s32 $0x10, s22  }
0x1ee: {  	p1 =	slt.s32 s29, $0x3F0;
	[tilespmem:s28+$0x13000] =	vst.msk vm1, v1;
	v1 =	vor.u32 s30, v0  }
0x1ef: {  	s29 =	simm.s32 @!p1 $0x3F0;
	[tilespmem:s28+$0x13400] =	vst.msk vm1, v1  }
0x1f0: {  	[tilespmem:s29+$0x13800] =	vst.msk vm2, v4  }
0x1f1: {  	[tilespmem:s29+$0x13C00] =	vst.msk vm2, v1  }
0x1f2: {  	v1 =	vld [tilespmem:s23+$0x0];
	_ =	sdelay $0x1  }
0x1f3: {  	v4 =	vld [tilespmem:s24+$0x0];
	_ =	sdelay $0x2  }
0x1f4: {  	vm1 =	vlt.f32 v1, $+Inf;
	vm2 =	vgt.f32 v1, $+Inf;
	s30 =	spop (v2sf)  }
0x1f5: {  	vm3 =	vle.f32 v1, v3;
	s28 =	sadd.s32 s28, s30;
	vm1 =	vmor vm2, vm1;
	s30 =	spop (v2sf)  }
0x1f6: {  	p1 =	slt.s32 s28, $0x3F0;
	s29 =	sadd.s32 s29, s30;
	s30 =	sadd.s32 $0x20, s22;
	vm1 =	vmand vm3, vm1;
	vm2 =	vlt.f32 v4, $+Inf;
	vm3 =	vgt.f32 v4, $+Inf  }
0x1f7: {  	vm4 =	vle.f32 v4, v2;
	s28 =	simm.s32 @!p1 $0x3F0;
	p1 =	slt.s32 s29, $0x3F0;
	vm2 =	vmor vm3, vm2;
	v5 =	vmpcnt.ones.xlane vm1  }
0x1f8: {  	s29 =	simm.s32 @!p1 $0x3F0;
	vm2 =	vmand vm4, vm2;
	[tilespmem:s28+$0x13000] =	vst.msk vm1, v1;
	v1 =	vor.u32 s30, v0  }
0x1f9: {  	v6 =	vmpcnt.ones.xlane vm2;
	[tilespmem:s28+$0x13400] =	vst.msk vm1, v1;
	(v2sf) =	vpush v5, $0x0  }
0x1fa: {  	[tilespmem:s29+$0x13800] =	vst.msk vm2, v4  }
0x1fb: {  	[tilespmem:s29+$0x13C00] =	vst.msk vm2, v1;
	(v2sf) =	vpush v6, $0x0  }
0x1fc: {  	v1 =	vld [tilespmem:s23+$0x10]  }
0x1fd: {  	v4 =	vld [tilespmem:s24+$0x10];
	_ =	sdelay $0x3  }
0x1fe: {  	vm1 =	vle.f32 v1, v3;
	vm2 =	vlt.f32 v1, $+Inf;
	vm3 =	vgt.f32 v1, $+Inf  }
0x1ff: {  	vm2 =	vmor vm3, vm2;
	vm3 =	vlt.f32 v4, $+Inf;
	vm4 =	vgt.f32 v4, $+Inf  }
0x200: {  	vm1 =	vmand vm1, vm2;
	vm2 =	vle.f32 v4, v2;
	vm3 =	vmor vm4, vm3  }
0x201: {  	vm2 =	vmand vm2, vm3;
	v5 =	vmpcnt.ones.xlane vm1  }
0x202: {  	v6 =	vmpcnt.ones.xlane vm2  }
0x203: {  	(v2sf) =	vpush v5, $0x0  }
0x204: {  	(v2sf) =	vpush v6, $0x0  }
0x205: {  	s30 =	spop (v2sf)  }
0x206: {  	s28 =	sadd.s32 s28, s30  }
0x207: {  	p1 =	slt.s32 s28, $0x3F0;
	s30 =	spop (v2sf)  }
0x208: {  	s22 =	sadd.s32 $0x30, s22;
	s28 =	simm.s32 @!p1 $0x3F0;
	s29 =	sadd.s32 s29, s30  }
0x209: {  	p1 =	slt.s32 s29, $0x3F0;
	[tilespmem:s28+$0x13000] =	vst.msk vm1, v1;
	v1 =	vor.u32 s22, v0;
	s22 =	smov.u32 s26  }
0x20a: {  	s29 =	simm.s32 @!p1 $0x3F0;
	[tilespmem:s28+$0x13400] =	vst.msk vm1, v1  }
0x20b: {  	[tilespmem:s29+$0x13800] =	vst.msk vm2, v4  }
0x20c: {  	s23 =	sadd.s32 $0x40, s23;
	[tilespmem:s29+$0x13C00] =	vst.msk vm2, v1  }
0x20d: {  	v5 =	vld [tilespmem:s23+$0xFFFFFFE0]  }
0x20e: {  	s24 =	sadd.s32 $0x40, s24  }
.Ltmp8:
0x20f: {  	v4 =	vld [tilespmem:s24+$0xFFFFFFE0];
	(pc) =	sbr.rel @p0 .LBB2_11-.Ltmp8, $3  }
0x210: {  	_ =	sdelay $0x1  }
0x211: {  	vm2 =	vlt.f32 v5, $+Inf;
	vm3 =	vgt.f32 v5, $+Inf;
	s26 =	spop (v2sf)  }
0x212: {  	s30 =	smov.u32 s25;
	v6 =	vor.u32 s22, v0;
	vm1 =	vle.f32 v5, v3;
	vm2 =	vmor vm3, vm2;
	s28 =	sadd.s32 s28, s26;
	s26 =	spop (v2sf)  }
0x213: {  	p0 =	slt.s32 s28, $0x3F0  }
0x214: {  	vm1 =	vmand vm1, vm2;
	vm2 =	vlt.f32 v4, $+Inf;
	vm3 =	vgt.f32 v4, $+Inf;
	s25 =	sadd.s32 s29, s26;
	s28 =	simm.s32 @!p0 $0x3F0  }
0x215: {  	vm4 =	vle.f32 v4, v2;
	vm2 =	vmor vm3, vm2;
	v1 =	vmpcnt.ones.xlane vm1;
	p0 =	slt.s32 s25, $0x3F0;
	[tilespmem:s28+$0x13000] =	vst.msk vm1, v5  }
0x216: {  	vm2 =	vmand vm4, vm2;
	s25 =	simm.s32 @!p0 $0x3F0;
	[tilespmem:s28+$0x13400] =	vst.msk vm1, v6  }
0x217: {  	v5 =	vmpcnt.ones.xlane vm2;
	(v2sf) =	vpush v1, $0x0;
	[tilespmem:s25+$0x13800] =	vst.msk vm2, v4  }
0x218: {  	[tilespmem:s25+$0x13C00] =	vst.msk vm2, v6  }
0x219: {  	(v2sf) =	vpush v5, $0x0;
	v1 =	vld [tilespmem:s23+$0xFFFFFFF0];
	_ =	sdelay $0x1  }
0x21a: {  	v4 =	vld [tilespmem:s24+$0xFFFFFFF0];
	_ =	sdelay $0x2  }
0x21b: {  	vm1 =	vlt.f32 v1, $+Inf;
	vm2 =	vgt.f32 v1, $+Inf  }
0x21c: {  	vm3 =	vle.f32 v1, v3;
	vm1 =	vmor vm2, vm1  }
0x21d: {  	vm13 =	vgt.f32 v4, $+Inf;
	vm2 =	vlt.f32 v4, $+Inf;
	vm1 =	vmand vm3, vm1  }
0x21e: {  	vm3 =	vle.f32 v4, v2;
	vm2 =	vmor vm13, vm2;
	v5 =	vmpcnt.ones.xlane vm1  }
0x21f: {  	vm2 =	vmand vm3, vm2  }
0x220: {  	v6 =	vmpcnt.ones.xlane vm2;
	(v2sf) =	vpush v5, $0x0;
	_ =	sdelay $0x1  }
0x221: {  	(v2sf) =	vpush v6, $0x0  }
0x222: {  	s1 =	spop (v2sf)  }
0x223: {  	s26 =	sadd.s32 s28, s1  }
0x224: {  	p0 =	slt.s32 s26, $0x3F0;
	s29 =	spop (v2sf)  }
0x225: {  	s30 =	sadd.s32 $0x10, s22;
	s26 =	simm.s32 @!p0 $0x3F0;
	s25 =	sadd.s32 s25, s29  }
0x226: {  	p0 =	slt.s32 s25, $0x3F0;
	[tilespmem:s26+$0x13000] =	vst.msk vm1, v1;
	v1 =	vor.u32 s30, v0  }
0x227: {  	s25 =	simm.s32 @!p0 $0x3F0;
	[tilespmem:s26+$0x13400] =	vst.msk vm1, v1  }
0x228: {  	[tilespmem:s25+$0x13800] =	vst.msk vm2, v4  }
0x229: {  	[tilespmem:s25+$0x13C00] =	vst.msk vm2, v1  }
0x22a: {  	v1 =	vld [tilespmem:s23+$0x0];
	_ =	sdelay $0x1  }
0x22b: {  	v4 =	vld [tilespmem:s24+$0x0];
	_ =	sdelay $0x1  }
0x22c: {  	s31 =	spop (v2sf)  }
0x22d: {  	vm1 =	vlt.f32 v1, $+Inf;
	vm2 =	vgt.f32 v1, $+Inf;
	s26 =	sadd.s32 s26, s31  }
0x22e: {  	vm3 =	vle.f32 v1, v3;
	vm1 =	vmor vm2, vm1;
	s0 =	spop (v2sf);
	p0 =	slt.s32 s26, $0x3F0  }
0x22f: {  	s1 =	sadd.s32 $0x20, s22;
	vm2 =	vlt.f32 v4, $+Inf;
	s25 =	sadd.s32 s25, s0;
	vm1 =	vmand vm3, vm1;
	vm3 =	vgt.f32 v4, $+Inf;
	s26 =	simm.s32 @!p0 $0x3F0  }
0x230: {  	vm14 =	vle.f32 v4, v2;
	p0 =	slt.s32 s25, $0x3F0;
	vm2 =	vmor vm3, vm2;
	[tilespmem:s26+$0x13000] =	vst.msk vm1, v1;
	v1 =	vor.u32 s1, v0  }
0x231: {  	s25 =	simm.s32 @!p0 $0x3F0;
	vm2 =	vmand vm14, vm2;
	[tilespmem:s26+$0x13400] =	vst.msk vm1, v1  }
0x232: {  	[tilespmem:s25+$0x13800] =	vst.msk vm2, v4  }
0x233: {  	[tilespmem:s25+$0x13C00] =	vst.msk vm2, v1  }
0x234: {  	v1 =	vld [tilespmem:s23+$0x10]  }
0x235: {  	v5 =	vld [tilespmem:s24+$0x10]  }
0x236: {  	v4 =	vmpcnt.ones.xlane vm1;
	_ =	sdelay $0x1  }
0x237: {  	v6 =	vmpcnt.ones.xlane vm2;
	(v2sf) =	vpush v4, $0x0  }
0x238: {  	vm1 =	vlt.f32 v1, $+Inf;
	vm2 =	vgt.f32 v1, $+Inf;
	vm3 =	vle.f32 v1, v3  }
0x239: {  	vm15 =	vlt.f32 v5, $+Inf;
	vm5 =	vgt.f32 v5, $+Inf;
	vm1 =	vmor vm2, vm1  }
0x23a: {  	vm2 =	vmand vm3, vm1;
	vm1 =	vle.f32 v5, v2;
	vm3 =	vmor vm5, vm15  }
0x23b: {  	(v2sf) =	vpush v6, $0x0;
	v2 =	vmpcnt.ones.xlane vm2;
	vm1 =	vmand vm1, vm3  }
0x23c: {  	v3 =	vmpcnt.ones.xlane vm1  }
0x23d: {  	(v2sf) =	vpush v2, $0x0  }
0x23e: {  	(v2sf) =	vpush v3, $0x0;
	_ =	sdelay $0xa  }
0x23f: {  	s29 =	spop (v2sf)  }
0x240: {  	s26 =	sadd.s32 s26, s29;
	s30 =	spop (v2sf)  }
0x241: {  	p0 =	slt.s32 s26, $0x3F0;
	s24 =	sadd.s32 s25, s30  }
0x242: {  	s26 =	simm.s32 @!p0 $0x3F0;
	p0 =	slt.s32 s24, $0x3F0;
	s31 =	spop (v2sf)  }
0x243: {  	s24 =	simm.s32 @!p0 $0x3F0;
	s23 =	sadd.s32 s26, s31;
	s0 =	spop (v2sf)  }
0x244: {  	p0 =	slt.s32 s23, $0x3F0;
	p1 =	slt.s32 s23, $0xFFFFFFF2;
	s25 =	sadd.s32 s24, s0  }
0x245: {  	s23 =	simm.s32 @!p0 $0x3F0;
	p0 =	slt.s32 s25, $0x3F0;
	s28 =	smov.u32 s25  }
0x246: {  	p5 =	slt.s32 s25, $0xFFFFFFF2;
	s23 =	sadd.s32 $0xF, s23;
	s28 =	simm.s32 @!p0 $0x3F0  }
0x247: {  	s1 =	sshra.s32 s23, $0x1F;
	s30 =	sand.u32 $0xF, s23;
	s28 =	sadd.s32 $0xF, s28  }
0x248: {  	s29 =	sshrl.u32 s1, $0x1C;
	p4 =	sne.s32 s30, $0x0;
	s30 =	sand.u32 $0xF, s28  }
0x249: {  	s31 =	sshra.s32 s28, $0x1F;
	s23 =	sadd.s32 s29, s23;
	p0 =	por !p1, !p4  }
0x24a: {  	p2 =	sne.s32 s30, $0x0;
	s29 =	simm.s32 $0x1;
	s25 =	sshrl.u32 s31, $0x1C  }
0x24b: {  	p1 =	por !p5, !p2;
	s23 =	sshra.s32 s23, $0x4;
	p0 =	por !p0, !p0  }
0x24c: {  	s25 =	sadd.s32 s25, s28;
	s28 =	simm.s32 $0x1;
	p1 =	por !p1, !p1  }
0x24d: {  	s29 =	simm.s32 @!p0 $0x0;
	s25 =	sshra.s32 s25, $0x4;
	s28 =	simm.s32 @!p1 $0x0  }
0x24e: {  	s29 =	ssub.s32 s23, s29;
	s23 =	ssub.s32 s25, s28  }
0x24f: {  	p0 =	sgt.s32 s29, s23  }
0x250: {  	s23 =	smov.u32 @p0 s29  }
0x251: {  	s0 =	sadd.s32 $0x3, s23  }
0x252: {  	s1 =	sand.u32 $0x3, s0  }
0x253: {  	s29 =	sadd.s32 $0x30, s22;
	p0 =	slt.s32 s23, $0xFFFFFFFE;
	p6 =	sne.s32 s1, $0x0  }
.Ltmp9:
0x254: {  	s30 =	sshrl.u32 s0, $0x1E;
	p0 =	por !p0, !p6;
	(pc) =	sbr.rel .LBB2_13-.Ltmp9, $4  }
0x255: {  	v7 =	vimm.s32 $0x0;
	v10 =	vimm.s32 $0x0;
	[tilespmem:s26+$0x13000] =	vst.msk vm2, v1;
	s25 =	simm.s32 $0x1;
	v1 =	vor.u32 s29, v0;
	s31 =	sadd.s32 s30, s0;
	p0 =	por !p0, !p0  }
0x256: {  	v8 =	vimm.f32 $0.0e+00;
	v9 =	vimm.s32 $0x0;
	v11 =	vimm.s32 $0x0;
	[tilespmem:s26+$0x13400] =	vst.msk vm2, v1;
	s22 =	sshra.s32 s31, $0x2;
	s25 =	simm.s32 @!p0 $0x0  }
0x257: {  	v47 =	vimm.f32 $+Inf;
	v4 =	vimm.s32 $0x0;
	v6 =	vimm.f32 $0.0e+00;
	[tilespmem:s24+$0x13800] =	vst.msk vm1, v5;
	s22 =	ssub.s32 s22, s25  }
0x258: {  	v2 =	vimm.f32 $0.0e+00;
	v3 =	vimm.f32 $0.0e+00;
	v5 =	vimm.s32 $0x0;
	[tilespmem:s24+$0x13C00] =	vst.msk vm1, v1;
	s24 =	simm.s32 $0x0;
	s25 =	simm.s32 $0x0;
	p0 =	slt.s32 s22, $0x1  }
.LBB2_14:
0x259: {  	v14 =	vimm.s32 $0xC0000000;
	v13 =	vimm.f32 $+Inf;
	v15 =	vimm.s32 $0xC0000000  }
.LBB2_21:
0x25a: {  	(xrf0) =	vmin.scan.msk.f32 $0xffff, v12  }
0x25b: {  	(xrf0) =	vmin.scan.msk.f32 $0xffff, v13;
	_ =	sdelay $0x4  }
0x25c: {  	v1, _, _ =	vpop (xrf0)  }
0x25d: {  	v16, _, _ =	vpop (xrf0);
	v17 =	vbroadcast v1, $0xF  }
0x25e: {  	v18 =	vbroadcast v16, $0xF  }
0x25f: {  	vm1 =	veq.f32 v12, v17  }
0x260: {  	v12 =	vnsel vm1, $0xC0000000, v14;
	vm1 =	veq.f32 v13, v18  }
0x261: {  	(xrf0) =	vmin.scan.msk.u32 $0xffff, v12;
	v57 =	vnsel vm1, $0xC0000000, v15  }
0x262: {  	(xrf0) =	vmin.scan.msk.u32 $0xffff, v57;
	_ =	sdelay $0x3  }
0x263: {  	(v2sf) =	vpush v1, $0xF  }
0x264: {  	(v2sf) =	vpush v16, $0xF;
	v1, _, _ =	vpop (xrf0)  }
0x265: {  	(v2sf) =	vpush v1, $0xF;
	v1, _, _ =	vpop (xrf0)  }
0x266: {  	(v2sf) =	vpush v1, $0xF;
	_ =	sdelay $0xb  }
0x267: {  	s0 =	spop (v2sf)  }
0x268: {  	s1 =	spop (v2sf)  }
0x269: {  	s26 =	spop (v2sf)  }
0x26a: {  	p1 =	slt.f32 s1, $+Inf;
	s28 =	spop (v2sf)  }
0x26b: {  	s28 =	sxor.u32 $0x80000000, s28  }
0x26c: {  	s28 =	simm.s32 @!p1 $0x0  }
0x26d: {  	p2 =	slt.f32 s0, $+Inf;
	v58 =	vmov s28  }
0x26e: {  	s26 =	sxor.u32 $0x80000000, s26  }
0x26f: {  	s26 =	simm.s32 @!p2 $0x0  }
0x270: {  	v1 =	vmov s26  }
0x271: {  	v62 =	vld.idx.msk [tilespmem:v7+s13+$0x0], $0xffff;
	p3 =	sgt.f32 s0, $+Inf  }
0x272: {  	vm1 =	vmmov vm0;
	v60 =	vld.idx.msk [tilespmem:v58+s12+$0x0], $0xffff  }
0x273: {  	vm2 =	vmmov $0x1;
	vm3 =	vmmov vm0;
	s31 =	sand.u32 $0xF, s25;
	p4 =	sgt.f32 s1, $+Inf;
	vm1 =	vmneg @p2 vm1;
	p3 =	por p3, p2  }
0x274: {  	v61 =	vld.idx.msk [tilespmem:v10+s13+$0x0], $0xffff;
	p5 =	slt.u32 s25, $0x10;
	s0 =	simm.s32 $0x1;
	vm4 =	vmand vm1, vm2;
	vm3 =	vmneg @p1 vm3;
	p3 =	por !p3, !p3  }
0x275: {  	s1 =	simm.s32 $0x1;
	p4 =	por p4, p1;
	vm1 =	vmand vm3, vm2;
	vm2 =	vmmov vm0;
	s0 =	simm.s32 @!p3 $0x0;
	v59 =	vld.idx.msk [tilespmem:v1+s11+$0x0], $0xffff  }
0x276: {  	vm2 =	vmneg @p5 vm2;
	p5 =	sgt.u32 s25, $0xF;
	v10 =	vadd.s32 s0, v10;
	s0 =	simm.f32 $1.000000000e+00;
	s25 =	sadd.s32 $0x1, s25  }
0x277: {  	vm5 =	vmmov vm0;
	v63 =	vmov s31;
	p4 =	por !p4, !p4;
	s0 =	simm.s32 @!p1 $0x0;
	v14 =	vpsel p1, v60, v62;
	p1 =	sne.s32 s25, $0x20  }
.Ltmp10:
0x278: {  	vm3 =	veq.s32 v63, v0;
	s1 =	simm.s32 @!p4 $0x0;
	vm5 =	vmneg @p5 vm5;
	(pc) =	sbr.rel @!p1 .LBB2_22-.Ltmp10, $4  }
0x279: {  	vm2 =	vmand vm2, vm3;
	v7 =	vadd.s32 s1, v7;
	vm3 =	vmand vm5, vm3;
	s26 =	simm.f32 $1.000000000e+00  }
0x27a: {  	v3 =	vsel vm2, s0, v3;
	v2 =	vsel vm3, s0, v2;
	s26 =	simm.s32 @!p2 $0x0;
	[tilespmem:v1+s14+$0x0] =	vst.idx.msk vm4, v47;
	v13 =	vpsel p2, v59, v61  }
0x27b: {  	v8 =	vsel vm2, s26, v8;
	v6 =	vsel vm3, s26, v6;
	[tilespmem:v58+s15+$0x0] =	vst.idx.msk vm1, v47;
	v11 =	vsel vm2, v13, v11  }
0x27c: {  	v9 =	vsel vm3, v13, v9;
	v5 =	vsel vm2, v14, v5;
	v4 =	vsel vm3, v14, v4  }
.LBB2_13:
.Ltmp11:
0x27d: {  	(pc) =	sbr.rel @p0 .LBB2_14-.Ltmp11, $2  }
0x27e: {  	_ =	sdelay $0x2  }
0x27f: {  	v12 =	vimm.f32 $+Inf  }
0x280: {  	p2 =	sne.s32 s22, $0x1  }
.Ltmp12:
0x281: {  	_ = 	snop;
	(pc) =	sbr.rel @!p2 .LBB2_16-.Ltmp12, $4  }
0x282: {  	_ = 	snop  }
0x283: {  	s28 =	simm.s32 $0x13020  }
0x284: {  	s26 =	simm.s32 $0x13820;
	v14 =	vld [tilespmem:s28+$0xFFFFFFE0]  }
0x285: {  	v13 =	vimm.s32 $0x40000000;
	s29 =	sadd.s32 $0xFFFFFFFF, s22;
	p1 =	por $0x0, $0x0;
	v15 =	vld [tilespmem:s26+$0xFFFFFFE0]  }
0x286: {  	v1 =	vld [tilespmem:s28+$0xFFFFFFF0]  }
0x287: {  	v20 =	vld [tilespmem:s26+$0xFFFFFFF0]  }
0x288: {  	s30 =	simm.s32 $0x20;
	v21 =	vld [tilespmem:s28+$0x0]  }
0x289: {  	s31 =	simm.s32 $0x30;
	v19 =	vor.u32 s24, v0;
	v22 =	vld [tilespmem:s26+$0x0];
	v17 =	vor.u32 s30, v0;
	vm1 =	vlt.f32 v14, v12  }
0x28a: {  	v18 =	vld [tilespmem:s28+$0x10];
	p2 =	sne.s32 s29, $0x1;
	v16 =	vor.u32 s31, v0;
	vm2 =	vlt.f32 v15, v12;
	v14 =	vsel vm1, v14, v12  }
.Ltmp13:
0x28b: {  	s0 =	simm.s32 $0x10;
	v25 =	vsel vm1, v19, v13;
	v15 =	vsel vm2, v15, v12;
	v24 =	vsel vm2, v19, v13;
	v19 =	vld [tilespmem:s26+$0x10];
	(pc) =	sbr.rel @!p2 .LBB2_18-.Ltmp13, $4  }
0x28c: {  	v23 =	vor.u32 s0, v0;
	vm1 =	vlt.f32 v1, v14;
	vm2 =	vlt.f32 v20, v15  }
0x28d: {  	s28 =	simm.s32 $0x13060;
	v1 =	vsel vm1, v1, v14;
	v26 =	vsel vm2, v20, v15;
	v24 =	vsel vm2, v23, v24  }
0x28e: {  	s26 =	simm.s32 $0x13860;
	v14 =	vld [tilespmem:s28+$0xFFFFFFE0];
	v20 =	vsel vm1, v23, v25;
	vm1 =	vlt.f32 v21, v1;
	vm2 =	vlt.f32 v22, v26  }
0x28f: {  	p1 =	por $0x1, $0x1;
	s30 =	sadd.s32 $0xFFFFFFFF, s29;
	s29 =	simm.s32 $0x0;
	v15 =	vld [tilespmem:s26+$0xFFFFFFE0];
	v21 =	vsel vm1, v21, v1;
	v22 =	vsel vm2, v22, v26;
	v23 =	vsel vm2, v17, v24  }
.LBB2_19:
0x290: {  	p2 =	sne.s32 s30, $0x1;
	v1 =	vld [tilespmem:s28+$0xFFFFFFF0];
	v17 =	vsel vm1, v17, v20;
	vm1 =	vlt.f32 v18, v21;
	vm2 =	vlt.f32 v19, v22  }
0x291: {  	s29 =	sadd.s32 $0x40, s29;
	v20 =	vld [tilespmem:s26+$0xFFFFFFF0];
	v21 =	vsel vm1, v18, v21;
	v19 =	vsel vm2, v19, v22;
	v22 =	vsel vm2, v16, v23  }
0x292: {  	s0 =	sadd.s32 $0x20, s29;
	s31 =	sadd.s32 $0x30, s29;
	v24 =	vsel vm1, v16, v17;
	v23 =	vld [tilespmem:s28+$0x0]  }
0x293: {  	v25 =	vor.u32 s29, v0;
	s1 =	sadd.s32 $0x10, s29;
	v17 =	vor.u32 s0, v0;
	v16 =	vor.u32 s31, v0;
	v26 =	vld [tilespmem:s26+$0x0]  }
0x294: {  	v27 =	vor.u32 s1, v0;
	vm1 =	vlt.f32 v14, v21;
	vm2 =	vlt.f32 v15, v19;
	v18 =	vld [tilespmem:s28+$0x10]  }
.Ltmp14:
0x295: {  	v14 =	vsel vm1, v14, v21;
	v15 =	vsel vm2, v15, v19;
	v21 =	vsel vm2, v25, v22;
	v19 =	vld [tilespmem:s26+$0x10];
	(pc) =	sbr.rel @p2 .LBB2_19-.Ltmp14, $4  }
0x296: {  	v22 =	vsel vm1, v25, v24;
	vm1 =	vlt.f32 v1, v14;
	vm2 =	vlt.f32 v20, v15  }
0x297: {  	s28 =	sadd.s32 $0x40, s28;
	v1 =	vsel vm1, v1, v14;
	v24 =	vsel vm2, v20, v15;
	v25 =	vsel vm2, v27, v21  }
0x298: {  	s26 =	sadd.s32 $0x40, s26;
	v20 =	vsel vm1, v27, v22;
	vm1 =	vlt.f32 v23, v1;
	v14 =	vld [tilespmem:s28+$0xFFFFFFE0];
	vm2 =	vlt.f32 v26, v24  }
0x299: {  	s30 =	sadd.s32 $0xFFFFFFFF, s30;
	v21 =	vsel vm1, v23, v1;
	v15 =	vld [tilespmem:s26+$0xFFFFFFE0];
	v22 =	vsel vm2, v26, v24;
	v23 =	vsel vm2, v17, v25  }
.LBB2_20:
0x29a: {  	vm2 =	vlt.f32 @p1 v18, v21;
	vm3 =	vlt.f32 @p1 v19, v22;
	s0 =	sadd.s32 @p1 $0x40, s29;
	s1 =	simm.s32 $0x0  }
0x29b: {  	v1 =	vsel @p1 vm1, v17, v20;
	v17 =	vld [tilespmem:s28+$0xFFFFFFF0];
	v18 =	vsel @p1 vm2, v18, v21;
	v19 =	vsel @p1 vm3, v19, v22;
	s1 =	smov.u32 @p1 s0  }
0x29c: {  	v58 =	vld [tilespmem:s26+$0xFFFFFFF0];
	v21 =	vsel @p1 vm3, v16, v23;
	v1 =	vsel @p1 vm2, v16, v1;
	v16 =	vor.u32 s1, v0  }
0x29d: {  	v59 =	vld [tilespmem:s28+$0x0];
	s0 =	sadd.s32 $0x20, s1;
	s30 =	sadd.s32 $0x30, s1;
	v18 =	vpsel p1, v18, v12;
	v12 =	vpsel p1, v19, v12;
	v62 =	vpsel p1, v21, v13  }
0x29e: {  	v61 =	vld [tilespmem:s26+$0x0];
	s31 =	sadd.s32 $0x10, s1;
	v1 =	vpsel p1, v1, v13;
	v60 =	vor.u32 s0, v0;
	v24 =	vor.u32 s30, v0  }
0x29f: {  	v26 =	vld [tilespmem:s28+$0x10];
	vm1 =	vlt.f32 v14, v18;
	v25 =	vor.u32 s31, v0;
	vm2 =	vlt.f32 v15, v12  }
0x2a0: {  	v63 =	vld [tilespmem:s26+$0x10];
	v14 =	vsel vm1, v14, v18;
	v1 =	vsel vm1, v16, v1;
	v12 =	vsel vm2, v15, v12  }
0x2a1: {  	v15 =	vsel vm2, v16, v62;
	vm1 =	vlt.f32 v17, v14;
	vm2 =	vlt.f32 v58, v12  }
0x2a2: {  	v13 =	vsel vm1, v17, v14;
	v1 =	vsel vm1, v25, v1;
	v12 =	vsel vm2, v58, v12  }
.Ltmp15:
0x2a3: {  	v14 =	vsel vm2, v25, v15;
	vm1 =	vlt.f32 v59, v13;
	vm2 =	vlt.f32 v61, v12;
	(pc) =	sbr.rel .LBB2_21-.Ltmp15, $4  }
0x2a4: {  	v13 =	vsel vm1, v59, v13;
	v1 =	vsel vm1, v60, v1;
	v15 =	vsel vm2, v61, v12  }
0x2a5: {  	v14 =	vsel vm2, v60, v14;
	vm1 =	vlt.f32 v26, v13;
	vm2 =	vlt.f32 v63, v15  }
0x2a6: {  	v12 =	vsel vm1, v26, v13;
	v1 =	vsel vm1, v24, v1;
	v16 =	vsel vm2, v24, v14  }
0x2a7: {  	v13 =	vsel vm2, v63, v15;
	v14 =	vxor.u32 $0x80000000, v1;
	v15 =	vxor.u32 $0x80000000, v16  }
.LBB2_16:
.Ltmp16:
0x2a8: {  	(pc) =	sbr.rel .LBB2_20-.Ltmp16, $2  }
0x2a9: {  	_ =	sdelay $0x2  }
0x2aa: {  	s29 =	simm.s32 $0x0  }
.LBB2_18:
.Ltmp17:
0x2ab: {  	(pc) =	sbr.rel .LBB2_20-.Ltmp17, $2  }
0x2ac: {  	_ =	sdelay $0x2  }
0x2ad: {  	s29 =	simm.s32 $0x0  }
.LBB2_22:
0x2ae: {  	p0 =	slt.s32 s21, $0x1  }
0x2af: {  	s0 =	sshll.u32 s19, $0x6;
	v7 =	vor.u32 $0x10, v0;
	v1 =	vpsel p0, v0, v11  }
0x2b0: {  	[tilespmem:s0+$0x14030] =	vst v1;
	v1 =	vpsel p0, v7, v9  }
0x2b1: {  	[tilespmem:s0+$0x14040] =	vst v1;
	v1 =	vpsel p0, $0x0, v8  }
0x2b2: {  	p1 =	slt.s32 s20, $0x1;
	[tilespmem:s0+$0x16030] =	vst v1;
	v1 =	vpsel p0, $0x0, v6;
	p0 =	slt.s32 s23, $0x1  }
.Ltmp18:
0x2b3: {  	[tilespmem:s0+$0x16040] =	vst v1;
	v1 =	vpsel p1, v0, v5;
	(pc) =	sbr.rel @p0 .LBB2_25-.Ltmp18, $4  }
0x2b4: {  	[tilespmem:s0+$0x14050] =	vst v1;
	v1 =	vpsel p1, v7, v4  }
0x2b5: {  	[tilespmem:s0+$0x14060] =	vst v1;
	v1 =	vpsel p1, $0x0, v3  }
0x2b6: {  	[tilespmem:s0+$0x16050] =	vst v1;
	v1 =	vpsel p1, $0x0, v2  }
0x2b7: {  	[tilespmem:s0+$0x16060] =	vst v1  }
0x2b8: {  	p0 =	sne.s32 s23, $0x1  }
.Ltmp19:
0x2b9: {  	_ = 	snop;
	(pc) =	sbr.rel @!p0 .LBB2_25-.Ltmp19, $4  }
0x2ba: {  	_ = 	snop  }
0x2bb: {  	s0 =	simm.s32 $0x13000  }
0x2bc: {  	s20 =	simm.s32 $0x13800;
	[tilespmem:s0+$0x0] =	vst v47  }
0x2bd: {  	s21 =	sadd.s32 $0xFFFFFFFF, s23;
	s22 =	simm.s32 $0x13010;
	[tilespmem:s20+$0x0] =	vst v47  }
.LBB2_24:
0x2be: {  	[tilespmem:s22+$0x0] =	vst v47;
	s20 =	sadd.s32 $0x10, s20;
	p0 =	sne.s32 s21, $0x1  }
.Ltmp20:
0x2bf: {  	s21 =	sadd.s32 $0xFFFFFFFF, s21;
	[tilespmem:s20+$0x0] =	vst v47;
	(pc) =	sbr.rel @p0 .LBB2_24-.Ltmp20, $2  }
0x2c0: {  	_ =	sdelay $0x2  }
0x2c1: {  	s22 =	sadd.s32 $0x10, s22  }
.Ltmp21:
0x2c2: {  	_ = 	snop;
	(pc) =	sbr.rel .LBB2_25-.Ltmp21, $1  }
0x2c3: {  	_ =	sdelay $0x3  }
.LBB2_27:
0x2c4: {  	_ =	sfence.sel $0x180000  }
0x2c5: {  	[bflag:$0x0] =	sbarrier.arrive $0xFFFF  }
0x2c6: {  	_ =	strace $0x90000047  }
0x2c7: {  	s0 =	stileid.u32;
	[bflag:$0x2] =	sbarrier.arrive $0xFFFF  }
0x2c8: {  	p0 =	sne.s32 s0, $0x0;
	s0 =	rddreg [dreg:$0x3]  }
0x2c9: {  	s0 =	sadd.s32 @!p0 $0x100000, s0  }
0x2ca: {  	[sflag:s0] =	ssyncadd.tile.s32 @!p0 $0x1;
	_ =	shalt  }
.Lfunc_end2:
_tile_overlayer_lowered:
.L_overlay_start_2:
0x2cb: {  	(tag) =	ssettag $0x2  }
0x2cc: {  	s0 =	rddreg [dreg:$0x0];
	s2 =	stileid.u32  }
0x2cd: {  	s1 =	rddreg [dreg:$0x1];
	p0 =	sne.s32 s2, $0x0  }
0x2ce: {  	s3 =	rddreg [dreg:$0x2];
	[bflag:$0x3] =	sbarrier.arrive $0xFFFF;
	s2 =	simm.s32 @!p0 $0x1C01  }
0x2cf: {  	[timem:s3], [sflag:s2] =	dma.local @!p0 [hbm:s0], s1  }
0x2d0: {  	s0 =	simm.s32 @!p0 $0x1  }
0x2d1: {  	_ =	swait.ge @!p0 [sflag:s0], s1  }
0x2d2: {  	s1 =	ssub.s32 @!p0 $0x0, s1;
	[sflag:s0] =	ssyncset.done @!p0 $0x0  }
0x2d3: {  	[sflag:s0] =	ssyncadd.s32 @!p0 s1  }
0x2d4: {  	[bflag:$0x3] =	sbarrier.arrive $0xFFFF  }
0x2d5: {  	_ =	shalt  }

</sc_bundles>
